<compile_context>
chip_gen: v7x
topology: tpu7x:2x2x1
jax: 0.10.2.dev20260603
libtpu: 0.0.44.dev20260713+nightly
codegen_flags: <defaults>
</compile_context>

<pallas_src>
import functools

import jax
import jax.numpy as jnp
from jax import lax
from jax.experimental import pallas as pl
from jax.experimental.pallas import tpu as pltpu
from jax.experimental.pallas import tpu_sc as plsc

D = 64
NC, NS = 2, 16
NW = NC * NS
CHUNK = 128
L = 16
NBUF = 4


@functools.lru_cache(maxsize=None)
def _emb_call(total_b: int):
    per_w = total_b // NW
    n_chunks = per_w // CHUNK
    n_groups = n_chunks // NBUF
    mesh = plsc.VectorSubcoreMesh(core_axis_name="c", subcore_axis_name="s")

    scratch = [
        pltpu.VMEM((n_chunks, CHUNK), jnp.int32),
        pltpu.VMEM((NBUF, CHUNK, D), jnp.float32),
    ] + [pltpu.SemaphoreType.DMA] * (2 * NBUF)

    @functools.partial(
        pl.kernel,
        mesh=mesh,
        out_type=jax.ShapeDtypeStruct((total_b, D), jnp.float32),
        scratch_types=scratch,
        compiler_params=pltpu.CompilerParams(use_tc_tiling_on_sc=False),
    )
    def k(idx_hbm, table_hbm, out_hbm, idx_v, rows_v, *sems):
        gsem = sems[:NBUF]
        osem = sems[NBUF:]
        wid = lax.axis_index("s") * NC + lax.axis_index("c")
        base = wid * per_w
        pltpu.sync_copy(idx_hbm.at[wid], idx_v)

        def gather_start(j, b):
            for s in range(CHUNK // L):
                idx_reg = idx_v[j, pl.ds(s * L, L)]
                pltpu.make_async_copy(
                    table_hbm.at[idx_reg],
                    rows_v.at[b, pl.ds(s * L, L)],
                    gsem[b],
                ).start()

        def gather_wait(j, b):
            for s in range(CHUNK // L):
                idx_reg = idx_v[j, pl.ds(s * L, L)]
                pltpu.make_async_copy(
                    table_hbm.at[idx_reg],
                    rows_v.at[b, pl.ds(s * L, L)],
                    gsem[b],
                ).wait()

        def writeback(j, b):
            return pltpu.make_async_copy(
                rows_v.at[b],
                out_hbm.at[pl.ds(base + j * CHUNK, CHUNK)],
                osem[b],
            )

        for b in range(NBUF):
            gather_start(b, b)

        def body(i, carry):
            for b in range(NBUF):
                j = i * NBUF + b
                gather_wait(j, b)
                writeback(j, b).start()
            for b in range(NBUF):
                j = i * NBUF + b
                writeback(j, b).wait()
                gather_start(j + NBUF, b)
            return carry

        lax.fori_loop(0, n_groups - 1, body, 0)

        jlast = (n_groups - 1) * NBUF
        for b in range(NBUF):
            gather_wait(jlast + b, b)
            writeback(jlast + b, b).start()
        for b in range(NBUF):
            writeback(jlast + b, b).wait()

    return k


def kernel(input_, shared_weights):
    b, s = input_.shape
    total = b * s
    idx = input_.reshape(NW, total // NW // CHUNK, CHUNK).astype(jnp.int32)
    out = _emb_call(total)(idx, shared_weights)
    return out.reshape(b, s, D)

# --- scband reference (transcript-rebuilt; emitter-appended) ---
"""Pipeline reference for scband-embedding-11879879543491 (READ-ONLY COPY).

The authoritative reference and input builder live on the scoring server;
editing this copy changes nothing except your own understanding.
"""

import jax, jax.numpy as jnp
import numpy as np

VOCAB_SIZE = 1000000
HIDDEN_SIZE = 64

def setup_inputs(seed: int = 0) -> dict:
    key = jax.random.key(seed)
    k_idx, k_w = jax.random.split(key)
    input_ = jax.random.randint(k_idx, (16384, 50), 0, VOCAB_SIZE, dtype=jnp.int64)
    shared_weights = jax.random.normal(k_w, (VOCAB_SIZE, HIDDEN_SIZE), dtype=jnp.float32) * (HIDDEN_SIZE ** -0.5)
    return {"input_": input_, "shared_weights": shared_weights}

def reference(input_, shared_weights):
    # tf.gather(self.shared_weights, input_) -> embedding lookup
    return jnp.take(shared_weights, input_, axis=0)

if __name__ == "__main__":
    import jax
    _d = setup_inputs()
    print(jax.jit(kernel)(*tuple(_d.values())))

</pallas_src>

<mosaic_0001>
#map = affine_map<(d0, d1) -> (0, 0, 0)>
#map1 = affine_map<(d0, d1) -> (0, 0)>
module attributes {stable_mosaic.version = 14 : i64} {
  func.func @k(%arg0: i32, %arg1: i32, %arg2: memref<32x200x128xi32, #tpu.memory_space<hbm>>, %arg3: memref<1000000x64xf32, #tpu.memory_space<hbm>>, %arg4: memref<819200x64xf32, #tpu.memory_space<hbm>>, %arg5: memref<200x128xi32, #tpu.memory_space<vmem>>, %arg6: memref<4x128x64xf32, #tpu.memory_space<vmem>>, %arg7: memref<!tpu.dma_semaphore, #tpu.memory_space<semaphore_mem>>, %arg8: memref<!tpu.dma_semaphore, #tpu.memory_space<semaphore_mem>>, %arg9: memref<!tpu.dma_semaphore, #tpu.memory_space<semaphore_mem>>, %arg10: memref<!tpu.dma_semaphore, #tpu.memory_space<semaphore_mem>>, %arg11: memref<!tpu.dma_semaphore, #tpu.memory_space<semaphore_mem>>, %arg12: memref<!tpu.dma_semaphore, #tpu.memory_space<semaphore_mem>>, %arg13: memref<!tpu.dma_semaphore, #tpu.memory_space<semaphore_mem>>, %arg14: memref<!tpu.dma_semaphore, #tpu.memory_space<semaphore_mem>>) attributes {dimension_semantics = [#tpu.dimension_semantics<core_parallel>, #tpu.dimension_semantics<subcore_parallel>], iteration_bounds = array<i64: 2, 16>, scalar_prefetch = 0 : i64, scratch_operands = 10 : i64, tpu.core_type = #tpu.core_type<sc_vector_subcore>, window_params = [{transform_indices = #map}, {transform_indices = #map1}, {transform_indices = #map1}]} {
    %mul3A = arith.constant 2 : i32
    %mul3A_0 = arith.muli %arg1, %mul3A : i32
    %add3A = arith.addi %mul3A_0, %arg0 : i32
    %mul3A_1 = arith.constant 25600 : i32
    %mul3A_2 = arith.muli %add3A, %mul3A_1 : i32
    "tpu.region"() ({
      %run_scoped3A = tpu.sem_alloc : memref<!tpu.dma_semaphore, #tpu.memory_space<semaphore_mem>>
      %dma_start3A_957 = arith.constant 0 : i32
      %dma_start3A_958 = arith.constant 0 : i32
      %dma_start3A_959 = tpu.memref_slice %arg2[%add3A, %dma_start3A_957, %dma_start3A_958] : memref<32x200x128xi32, #tpu.memory_space<hbm>> -> memref<1x200x128xi32, #tpu.memory_space<hbm>>
      %dma_start3A_960 = tpu.memref_squeeze %dma_start3A_959 : memref<1x200x128xi32, #tpu.memory_space<hbm>> -> memref<200x128xi32, #tpu.memory_space<hbm>>
      %dma_start3A_961 = arith.constant 0 : i32
      %dma_start3A_962 = arith.constant 0 : i32
      %dma_start3A_963 = tpu.memref_slice %arg2[%add3A, %dma_start3A_961, %dma_start3A_962] : memref<32x200x128xi32, #tpu.memory_space<hbm>> -> memref<1x200x128xi32, #tpu.memory_space<hbm>>
      %dma_start3A_964 = tpu.memref_squeeze %dma_start3A_963 : memref<1x200x128xi32, #tpu.memory_space<hbm>> -> memref<200x128xi32, #tpu.memory_space<hbm>>
      tpu.enqueue_dma source(%dma_start3A_964 : memref<200x128xi32, #tpu.memory_space<hbm>>) target(%arg5 : memref<200x128xi32, #tpu.memory_space<vmem>>) target_semaphore(%run_scoped3A : memref<!tpu.dma_semaphore, #tpu.memory_space<semaphore_mem>>)
      %dma_wait3A_965 = arith.constant 0 : i32
      %dma_wait3A_966 = arith.constant 0 : i32
      %dma_wait3A_967 = tpu.memref_slice %arg2[%add3A, %dma_wait3A_965, %dma_wait3A_966] : memref<32x200x128xi32, #tpu.memory_space<hbm>> -> memref<1x200x128xi32, #tpu.memory_space<hbm>>
      %dma_wait3A_968 = tpu.memref_squeeze %dma_wait3A_967 : memref<1x200x128xi32, #tpu.memory_space<hbm>> -> memref<200x128xi32, #tpu.memory_space<hbm>>
      %dma_wait3A_969 = arith.constant 0 : i32
      %dma_wait3A_970 = arith.constant 0 : i32
      %dma_wait3A_971 = tpu.memref_slice %arg2[%add3A, %dma_wait3A_969, %dma_wait3A_970] : memref<32x200x128xi32, #tpu.memory_space<hbm>> -> memref<1x200x128xi32, #tpu.memory_space<hbm>>
      %dma_wait3A_972 = tpu.memref_squeeze %dma_wait3A_971 : memref<1x200x128xi32, #tpu.memory_space<hbm>> -> memref<200x128xi32, #tpu.memory_space<hbm>>
      tpu.wait_dma2 semaphore(%run_scoped3A : memref<!tpu.dma_semaphore, #tpu.memory_space<semaphore_mem>>) src(%dma_wait3A_972 : memref<200x128xi32, #tpu.memory_space<hbm>>) dst(%arg5 : memref<200x128xi32, #tpu.memory_space<vmem>>)
      tpu.yield
    }) : () -> ()
    %get3A = arith.constant 0 : i32
    %get3A_3 = arith.index_cast %get3A : i32 to index
    %get3A_4 = arith.constant 0 : index
    %get3A_5 = tpu.vector_load %arg5[%get3A_3, %get3A_4] {strides = array<i32>} : memref<200x128xi32, #tpu.memory_space<vmem>>, vector<1x16xi32>,
    %get3A_6 = vector.shape_cast %get3A_5 : vector<1x16xi32> to vector<16xi32>
    %dma_start3A = arith.constant 0 : i32
    %dma_start3A_7 = arith.constant 0 : i32
    %dma_start3A_8 = arith.constant 0 : i32
    %dma_start3A_9 = tpu.memref_slice %arg6[%dma_start3A, %dma_start3A_7, %dma_start3A_8] : memref<4x128x64xf32, #tpu.memory_space<vmem>> -> memref<1x16x64xf32, #tpu.memory_space<vmem>>
    %dma_start3A_10 = tpu.memref_squeeze %dma_start3A_9 : memref<1x16x64xf32, #tpu.memory_space<vmem>> -> memref<16x64xf32, #tpu.memory_space<vmem>>
    %dma_start3A_11 = arith.constant 0 : i32
    %dma_start3A_12 = arith.constant 0 : i32
    %dma_start3A_13 = tpu.memref_slice %arg3[%dma_start3A_11, %dma_start3A_12] : memref<1000000x64xf32, #tpu.memory_space<hbm>> -> memref<1000000x64xf32, #tpu.memory_space<hbm>>
    tpu.enqueue_indirect_dma source(%dma_start3A_13 : memref<1000000x64xf32, #tpu.memory_space<hbm>>) target(%dma_start3A_10 : memref<16x64xf32, #tpu.memory_space<vmem>>) offsets(%get3A_6 : vector<16xi32>) semaphore(%arg7 : memref<!tpu.dma_semaphore, #tpu.memory_space<semaphore_mem>>)
    %get3A_14 = arith.constant 0 : i32
    %get3A_15 = arith.index_cast %get3A_14 : i32 to index
    %get3A_16 = arith.constant 16 : index
    %get3A_17 = tpu.vector_load %arg5[%get3A_15, %get3A_16] {strides = array<i32>} : memref<200x128xi32, #tpu.memory_space<vmem>>, vector<1x16xi32>,
    %get3A_18 = vector.shape_cast %get3A_17 : vector<1x16xi32> to vector<16xi32>
    %dma_start3A_19 = arith.constant 0 : i32
    %dma_start3A_20 = arith.constant 16 : i32
    %dma_start3A_21 = arith.constant 0 : i32
    %dma_start3A_22 = tpu.memref_slice %arg6[%dma_start3A_19, %dma_start3A_20, %dma_start3A_21] : memref<4x128x64xf32, #tpu.memory_space<vmem>> -> memref<1x16x64xf32, #tpu.memory_space<vmem>>
    %dma_start3A_23 = tpu.memref_squeeze %dma_start3A_22 : memref<1x16x64xf32, #tpu.memory_space<vmem>> -> memref<16x64xf32, #tpu.memory_space<vmem>>
    %dma_start3A_24 = arith.constant 0 : i32
    %dma_start3A_25 = arith.constant 0 : i32
    %dma_start3A_26 = tpu.memref_slice %arg3[%dma_start3A_24, %dma_start3A_25] : memref<1000000x64xf32, #tpu.memory_space<hbm>> -> memref<1000000x64xf32, #tpu.memory_space<hbm>>
    tpu.enqueue_indirect_dma source(%dma_start3A_26 : memref<1000000x64xf32, #tpu.memory_space<hbm>>) target(%dma_start3A_23 : memref<16x64xf32, #tpu.memory_space<vmem>>) offsets(%get3A_18 : vector<16xi32>) semaphore(%arg7 : memref<!tpu.dma_semaphore, #tpu.memory_space<semaphore_mem>>)
    %get3A_27 = arith.constant 0 : i32
    %get3A_28 = arith.index_cast %get3A_27 : i32 to index
    %get3A_29 = arith.constant 32 : index
    %get3A_30 = tpu.vector_load %arg5[%get3A_28, %get3A_29] {strides = array<i32>} : memref<200x128xi32, #tpu.memory_space<vmem>>, vector<1x16xi32>,
    %get3A_31 = vector.shape_cast %get3A_30 : vector<1x16xi32> to vector<16xi32>
    %dma_start3A_32 = arith.constant 0 : i32
    %dma_start3A_33 = arith.constant 32 : i32
    %dma_start3A_34 = arith.constant 0 : i32
    %dma_start3A_35 = tpu.memref_slice %arg6[%dma_start3A_32, %dma_start3A_33, %dma_start3A_34] : memref<4x128x64xf32, #tpu.memory_space<vmem>> -> memref<1x16x64xf32, #tpu.memory_space<vmem>>
    %dma_start3A_36 = tpu.memref_squeeze %dma_start3A_35 : memref<1x16x64xf32, #tpu.memory_space<vmem>> -> memref<16x64xf32, #tpu.memory_space<vmem>>
    %dma_start3A_37 = arith.constant 0 : i32
    %dma_start3A_38 = arith.constant 0 : i32
    %dma_start3A_39 = tpu.memref_slice %arg3[%dma_start3A_37, %dma_start3A_38] : memref<1000000x64xf32, #tpu.memory_space<hbm>> -> memref<1000000x64xf32, #tpu.memory_space<hbm>>
    tpu.enqueue_indirect_dma source(%dma_start3A_39 : memref<1000000x64xf32, #tpu.memory_space<hbm>>) target(%dma_start3A_36 : memref<16x64xf32, #tpu.memory_space<vmem>>) offsets(%get3A_31 : vector<16xi32>) semaphore(%arg7 : memref<!tpu.dma_semaphore, #tpu.memory_space<semaphore_mem>>)
    %get3A_40 = arith.constant 0 : i32
    %get3A_41 = arith.index_cast %get3A_40 : i32 to index
    %get3A_42 = arith.constant 48 : index
    %get3A_43 = tpu.vector_load %arg5[%get3A_41, %get3A_42] {strides = array<i32>} : memref<200x128xi32, #tpu.memory_space<vmem>>, vector<1x16xi32>,
    %get3A_44 = vector.shape_cast %get3A_43 : vector<1x16xi32> to vector<16xi32>
    %dma_start3A_45 = arith.constant 0 : i32
    %dma_start3A_46 = arith.constant 48 : i32
    %dma_start3A_47 = arith.constant 0 : i32
    %dma_start3A_48 = tpu.memref_slice %arg6[%dma_start3A_45, %dma_start3A_46, %dma_start3A_47] : memref<4x128x64xf32, #tpu.memory_space<vmem>> -> memref<1x16x64xf32, #tpu.memory_space<vmem>>
    %dma_start3A_49 = tpu.memref_squeeze %dma_start3A_48 : memref<1x16x64xf32, #tpu.memory_space<vmem>> -> memref<16x64xf32, #tpu.memory_space<vmem>>
    %dma_start3A_50 = arith.constant 0 : i32
    %dma_start3A_51 = arith.constant 0 : i32
    %dma_start3A_52 = tpu.memref_slice %arg3[%dma_start3A_50, %dma_start3A_51] : memref<1000000x64xf32, #tpu.memory_space<hbm>> -> memref<1000000x64xf32, #tpu.memory_space<hbm>>
    tpu.enqueue_indirect_dma source(%dma_start3A_52 : memref<1000000x64xf32, #tpu.memory_space<hbm>>) target(%dma_start3A_49 : memref<16x64xf32, #tpu.memory_space<vmem>>) offsets(%get3A_44 : vector<16xi32>) semaphore(%arg7 : memref<!tpu.dma_semaphore, #tpu.memory_space<semaphore_mem>>)
    %get3A_53 = arith.constant 0 : i32
    %get3A_54 = arith.index_cast %get3A_53 : i32 to index
    %get3A_55 = arith.constant 64 : index
    %get3A_56 = tpu.vector_load %arg5[%get3A_54, %get3A_55] {strides = array<i32>} : memref<200x128xi32, #tpu.memory_space<vmem>>, vector<1x16xi32>,
    %get3A_57 = vector.shape_cast %get3A_56 : vector<1x16xi32> to vector<16xi32>
    %dma_start3A_58 = arith.constant 0 : i32
    %dma_start3A_59 = arith.constant 64 : i32
    %dma_start3A_60 = arith.constant 0 : i32
    %dma_start3A_61 = tpu.memref_slice %arg6[%dma_start3A_58, %dma_start3A_59, %dma_start3A_60] : memref<4x128x64xf32, #tpu.memory_space<vmem>> -> memref<1x16x64xf32, #tpu.memory_space<vmem>>
    %dma_start3A_62 = tpu.memref_squeeze %dma_start3A_61 : memref<1x16x64xf32, #tpu.memory_space<vmem>> -> memref<16x64xf32, #tpu.memory_space<vmem>>
    %dma_start3A_63 = arith.constant 0 : i32
    %dma_start3A_64 = arith.constant 0 : i32
    %dma_start3A_65 = tpu.memref_slice %arg3[%dma_start3A_63, %dma_start3A_64] : memref<1000000x64xf32, #tpu.memory_space<hbm>> -> memref<1000000x64xf32, #tpu.memory_space<hbm>>
    tpu.enqueue_indirect_dma source(%dma_start3A_65 : memref<1000000x64xf32, #tpu.memory_space<hbm>>) target(%dma_start3A_62 : memref<16x64xf32, #tpu.memory_space<vmem>>) offsets(%get3A_57 : vector<16xi32>) semaphore(%arg7 : memref<!tpu.dma_semaphore, #tpu.memory_space<semaphore_mem>>)
    %get3A_66 = arith.constant 0 : i32
    %get3A_67 = arith.index_cast %get3A_66 : i32 to index
    %get3A_68 = arith.constant 80 : index
    %get3A_69 = tpu.vector_load %arg5[%get3A_67, %get3A_68] {strides = array<i32>} : memref<200x128xi32, #tpu.memory_space<vmem>>, vector<1x16xi32>,
    %get3A_70 = vector.shape_cast %get3A_69 : vector<1x16xi32> to vector<16xi32>
    %dma_start3A_71 = arith.constant 0 : i32
    %dma_start3A_72 = arith.constant 80 : i32
    %dma_start3A_73 = arith.constant 0 : i32
    %dma_start3A_74 = tpu.memref_slice %arg6[%dma_start3A_71, %dma_start3A_72, %dma_start3A_73] : memref<4x128x64xf32, #tpu.memory_space<vmem>> -> memref<1x16x64xf32, #tpu.memory_space<vmem>>
    %dma_start3A_75 = tpu.memref_squeeze %dma_start3A_74 : memref<1x16x64xf32, #tpu.memory_space<vmem>> -> memref<16x64xf32, #tpu.memory_space<vmem>>
    %dma_start3A_76 = arith.constant 0 : i32
    %dma_start3A_77 = arith.constant 0 : i32
    %dma_start3A_78 = tpu.memref_slice %arg3[%dma_start3A_76, %dma_start3A_77] : memref<1000000x64xf32, #tpu.memory_space<hbm>> -> memref<1000000x64xf32, #tpu.memory_space<hbm>>
    tpu.enqueue_indirect_dma source(%dma_start3A_78 : memref<1000000x64xf32, #tpu.memory_space<hbm>>) target(%dma_start3A_75 : memref<16x64xf32, #tpu.memory_space<vmem>>) offsets(%get3A_70 : vector<16xi32>) semaphore(%arg7 : memref<!tpu.dma_semaphore, #tpu.memory_space<semaphore_mem>>)
    %get3A_79 = arith.constant 0 : i32
    %get3A_80 = arith.index_cast %get3A_79 : i32 to index
    %get3A_81 = arith.constant 96 : index
    %get3A_82 = tpu.vector_load %arg5[%get3A_80, %get3A_81] {strides = array<i32>} : memref<200x128xi32, #tpu.memory_space<vmem>>, vector<1x16xi32>,
    %get3A_83 = vector.shape_cast %get3A_82 : vector<1x16xi32> to vector<16xi32>
    %dma_start3A_84 = arith.constant 0 : i32
    %dma_start3A_85 = arith.constant 96 : i32
    %dma_start3A_86 = arith.constant 0 : i32
    %dma_start3A_87 = tpu.memref_slice %arg6[%dma_start3A_84, %dma_start3A_85, %dma_start3A_86] : memref<4x128x64xf32, #tpu.memory_space<vmem>> -> memref<1x16x64xf32, #tpu.memory_space<vmem>>
    %dma_start3A_88 = tpu.memref_squeeze %dma_start3A_87 : memref<1x16x64xf32, #tpu.memory_space<vmem>> -> memref<16x64xf32, #tpu.memory_space<vmem>>
    %dma_start3A_89 = arith.constant 0 : i32
    %dma_start3A_90 = arith.constant 0 : i32
    %dma_start3A_91 = tpu.memref_slice %arg3[%dma_start3A_89, %dma_start3A_90] : memref<1000000x64xf32, #tpu.memory_space<hbm>> -> memref<1000000x64xf32, #tpu.memory_space<hbm>>
    tpu.enqueue_indirect_dma source(%dma_start3A_91 : memref<1000000x64xf32, #tpu.memory_space<hbm>>) target(%dma_start3A_88 : memref<16x64xf32, #tpu.memory_space<vmem>>) offsets(%get3A_83 : vector<16xi32>) semaphore(%arg7 : memref<!tpu.dma_semaphore, #tpu.memory_space<semaphore_mem>>)
    %get3A_92 = arith.constant 0 : i32
    %get3A_93 = arith.index_cast %get3A_92 : i32 to index
    %get3A_94 = arith.constant 112 : index
    %get3A_95 = tpu.vector_load %arg5[%get3A_93, %get3A_94] {strides = array<i32>} : memref<200x128xi32, #tpu.memory_space<vmem>>, vector<1x16xi32>,
    %get3A_96 = vector.shape_cast %get3A_95 : vector<1x16xi32> to vector<16xi32>
    %dma_start3A_97 = arith.constant 0 : i32
    %dma_start3A_98 = arith.constant 112 : i32
    %dma_start3A_99 = arith.constant 0 : i32
    %dma_start3A_100 = tpu.memref_slice %arg6[%dma_start3A_97, %dma_start3A_98, %dma_start3A_99] : memref<4x128x64xf32, #tpu.memory_space<vmem>> -> memref<1x16x64xf32, #tpu.memory_space<vmem>>
    %dma_start3A_101 = tpu.memref_squeeze %dma_start3A_100 : memref<1x16x64xf32, #tpu.memory_space<vmem>> -> memref<16x64xf32, #tpu.memory_space<vmem>>
    %dma_start3A_102 = arith.constant 0 : i32
    %dma_start3A_103 = arith.constant 0 : i32
    %dma_start3A_104 = tpu.memref_slice %arg3[%dma_start3A_102, %dma_start3A_103] : memref<1000000x64xf32, #tpu.memory_space<hbm>> -> memref<1000000x64xf32, #tpu.memory_space<hbm>>
    tpu.enqueue_indirect_dma source(%dma_start3A_104 : memref<1000000x64xf32, #tpu.memory_space<hbm>>) target(%dma_start3A_101 : memref<16x64xf32, #tpu.memory_space<vmem>>) offsets(%get3A_96 : vector<16xi32>) semaphore(%arg7 : memref<!tpu.dma_semaphore, #tpu.memory_space<semaphore_mem>>)
    %get3A_105 = arith.constant 1 : i32
    %get3A_106 = arith.index_cast %get3A_105 : i32 to index
    %get3A_107 = arith.constant 0 : index
    %get3A_108 = tpu.vector_load %arg5[%get3A_106, %get3A_107] {strides = array<i32>} : memref<200x128xi32, #tpu.memory_space<vmem>>, vector<1x16xi32>,
    %get3A_109 = vector.shape_cast %get3A_108 : vector<1x16xi32> to vector<16xi32>
    %dma_start3A_110 = arith.constant 1 : i32
    %dma_start3A_111 = arith.constant 0 : i32
    %dma_start3A_112 = arith.constant 0 : i32
    %dma_start3A_113 = tpu.memref_slice %arg6[%dma_start3A_110, %dma_start3A_111, %dma_start3A_112] : memref<4x128x64xf32, #tpu.memory_space<vmem>> -> memref<1x16x64xf32, #tpu.memory_space<vmem>>
    %dma_start3A_114 = tpu.memref_squeeze %dma_start3A_113 : memref<1x16x64xf32, #tpu.memory_space<vmem>> -> memref<16x64xf32, #tpu.memory_space<vmem>>
    %dma_start3A_115 = arith.constant 0 : i32
    %dma_start3A_116 = arith.constant 0 : i32
    %dma_start3A_117 = tpu.memref_slice %arg3[%dma_start3A_115, %dma_start3A_116] : memref<1000000x64xf32, #tpu.memory_space<hbm>> -> memref<1000000x64xf32, #tpu.memory_space<hbm>>
    tpu.enqueue_indirect_dma source(%dma_start3A_117 : memref<1000000x64xf32, #tpu.memory_space<hbm>>) target(%dma_start3A_114 : memref<16x64xf32, #tpu.memory_space<vmem>>) offsets(%get3A_109 : vector<16xi32>) semaphore(%arg8 : memref<!tpu.dma_semaphore, #tpu.memory_space<semaphore_mem>>)
    %get3A_118 = arith.constant 1 : i32
    %get3A_119 = arith.index_cast %get3A_118 : i32 to index
    %get3A_120 = arith.constant 16 : index
    %get3A_121 = tpu.vector_load %arg5[%get3A_119, %get3A_120] {strides = array<i32>} : memref<200x128xi32, #tpu.memory_space<vmem>>, vector<1x16xi32>,
    %get3A_122 = vector.shape_cast %get3A_121 : vector<1x16xi32> to vector<16xi32>
    %dma_start3A_123 = arith.constant 1 : i32
    %dma_start3A_124 = arith.constant 16 : i32
    %dma_start3A_125 = arith.constant 0 : i32
    %dma_start3A_126 = tpu.memref_slice %arg6[%dma_start3A_123, %dma_start3A_124, %dma_start3A_125] : memref<4x128x64xf32, #tpu.memory_space<vmem>> -> memref<1x16x64xf32, #tpu.memory_space<vmem>>
    %dma_start3A_127 = tpu.memref_squeeze %dma_start3A_126 : memref<1x16x64xf32, #tpu.memory_space<vmem>> -> memref<16x64xf32, #tpu.memory_space<vmem>>
    %dma_start3A_128 = arith.constant 0 : i32
    %dma_start3A_129 = arith.constant 0 : i32
    %dma_start3A_130 = tpu.memref_slice %arg3[%dma_start3A_128, %dma_start3A_129] : memref<1000000x64xf32, #tpu.memory_space<hbm>> -> memref<1000000x64xf32, #tpu.memory_space<hbm>>
    tpu.enqueue_indirect_dma source(%dma_start3A_130 : memref<1000000x64xf32, #tpu.memory_space<hbm>>) target(%dma_start3A_127 : memref<16x64xf32, #tpu.memory_space<vmem>>) offsets(%get3A_122 : vector<16xi32>) semaphore(%arg8 : memref<!tpu.dma_semaphore, #tpu.memory_space<semaphore_mem>>)
    %get3A_131 = arith.constant 1 : i32
    %get3A_132 = arith.index_cast %get3A_131 : i32 to index
    %get3A_133 = arith.constant 32 : index
    %get3A_134 = tpu.vector_load %arg5[%get3A_132, %get3A_133] {strides = array<i32>} : memref<200x128xi32, #tpu.memory_space<vmem>>, vector<1x16xi32>,
    %get3A_135 = vector.shape_cast %get3A_134 : vector<1x16xi32> to vector<16xi32>
    %dma_start3A_136 = arith.constant 1 : i32
    %dma_start3A_137 = arith.constant 32 : i32
    %dma_start3A_138 = arith.constant 0 : i32
    %dma_start3A_139 = tpu.memref_slice %arg6[%dma_start3A_136, %dma_start3A_137, %dma_start3A_138] : memref<4x128x64xf32, #tpu.memory_space<vmem>> -> memref<1x16x64xf32, #tpu.memory_space<vmem>>
    %dma_start3A_140 = tpu.memref_squeeze %dma_start3A_139 : memref<1x16x64xf32, #tpu.memory_space<vmem>> -> memref<16x64xf32, #tpu.memory_space<vmem>>
    %dma_start3A_141 = arith.constant 0 : i32
    %dma_start3A_142 = arith.constant 0 : i32
    %dma_start3A_143 = tpu.memref_slice %arg3[%dma_start3A_141, %dma_start3A_142] : memref<1000000x64xf32, #tpu.memory_space<hbm>> -> memref<1000000x64xf32, #tpu.memory_space<hbm>>
    tpu.enqueue_indirect_dma source(%dma_start3A_143 : memref<1000000x64xf32, #tpu.memory_space<hbm>>) target(%dma_start3A_140 : memref<16x64xf32, #tpu.memory_space<vmem>>) offsets(%get3A_135 : vector<16xi32>) semaphore(%arg8 : memref<!tpu.dma_semaphore, #tpu.memory_space<semaphore_mem>>)
    %get3A_144 = arith.constant 1 : i32
    %get3A_145 = arith.index_cast %get3A_144 : i32 to index
    %get3A_146 = arith.constant 48 : index
    %get3A_147 = tpu.vector_load %arg5[%get3A_145, %get3A_146] {strides = array<i32>} : memref<200x128xi32, #tpu.memory_space<vmem>>, vector<1x16xi32>,
    %get3A_148 = vector.shape_cast %get3A_147 : vector<1x16xi32> to vector<16xi32>
    %dma_start3A_149 = arith.constant 1 : i32
    %dma_start3A_150 = arith.constant 48 : i32
    %dma_start3A_151 = arith.constant 0 : i32
    %dma_start3A_152 = tpu.memref_slice %arg6[%dma_start3A_149, %dma_start3A_150, %dma_start3A_151] : memref<4x128x64xf32, #tpu.memory_space<vmem>> -> memref<1x16x64xf32, #tpu.memory_space<vmem>>
    %dma_start3A_153 = tpu.memref_squeeze %dma_start3A_152 : memref<1x16x64xf32, #tpu.memory_space<vmem>> -> memref<16x64xf32, #tpu.memory_space<vmem>>
    %dma_start3A_154 = arith.constant 0 : i32
    %dma_start3A_155 = arith.constant 0 : i32
    %dma_start3A_156 = tpu.memref_slice %arg3[%dma_start3A_154, %dma_start3A_155] : memref<1000000x64xf32, #tpu.memory_space<hbm>> -> memref<1000000x64xf32, #tpu.memory_space<hbm>>
    tpu.enqueue_indirect_dma source(%dma_start3A_156 : memref<1000000x64xf32, #tpu.memory_space<hbm>>) target(%dma_start3A_153 : memref<16x64xf32, #tpu.memory_space<vmem>>) offsets(%get3A_148 : vector<16xi32>) semaphore(%arg8 : memref<!tpu.dma_semaphore, #tpu.memory_space<semaphore_mem>>)
    %get3A_157 = arith.constant 1 : i32
    %get3A_158 = arith.index_cast %get3A_157 : i32 to index
    %get3A_159 = arith.constant 64 : index
    %get3A_160 = tpu.vector_load %arg5[%get3A_158, %get3A_159] {strides = array<i32>} : memref<200x128xi32, #tpu.memory_space<vmem>>, vector<1x16xi32>,
    %get3A_161 = vector.shape_cast %get3A_160 : vector<1x16xi32> to vector<16xi32>
    %dma_start3A_162 = arith.constant 1 : i32
    %dma_start3A_163 = arith.constant 64 : i32
    %dma_start3A_164 = arith.constant 0 : i32
    %dma_start3A_165 = tpu.memref_slice %arg6[%dma_start3A_162, %dma_start3A_163, %dma_start3A_164] : memref<4x128x64xf32, #tpu.memory_space<vmem>> -> memref<1x16x64xf32, #tpu.memory_space<vmem>>
    %dma_start3A_166 = tpu.memref_squeeze %dma_start3A_165 : memref<1x16x64xf32, #tpu.memory_space<vmem>> -> memref<16x64xf32, #tpu.memory_space<vmem>>
    %dma_start3A_167 = arith.constant 0 : i32
    %dma_start3A_168 = arith.constant 0 : i32
    %dma_start3A_169 = tpu.memref_slice %arg3[%dma_start3A_167, %dma_start3A_168] : memref<1000000x64xf32, #tpu.memory_space<hbm>> -> memref<1000000x64xf32, #tpu.memory_space<hbm>>
    tpu.enqueue_indirect_dma source(%dma_start3A_169 : memref<1000000x64xf32, #tpu.memory_space<hbm>>) target(%dma_start3A_166 : memref<16x64xf32, #tpu.memory_space<vmem>>) offsets(%get3A_161 : vector<16xi32>) semaphore(%arg8 : memref<!tpu.dma_semaphore, #tpu.memory_space<semaphore_mem>>)
    %get3A_170 = arith.constant 1 : i32
    %get3A_171 = arith.index_cast %get3A_170 : i32 to index
    %get3A_172 = arith.constant 80 : index
    %get3A_173 = tpu.vector_load %arg5[%get3A_171, %get3A_172] {strides = array<i32>} : memref<200x128xi32, #tpu.memory_space<vmem>>, vector<1x16xi32>,
    %get3A_174 = vector.shape_cast %get3A_173 : vector<1x16xi32> to vector<16xi32>
    %dma_start3A_175 = arith.constant 1 : i32
    %dma_start3A_176 = arith.constant 80 : i32
    %dma_start3A_177 = arith.constant 0 : i32
    %dma_start3A_178 = tpu.memref_slice %arg6[%dma_start3A_175, %dma_start3A_176, %dma_start3A_177] : memref<4x128x64xf32, #tpu.memory_space<vmem>> -> memref<1x16x64xf32, #tpu.memory_space<vmem>>
    %dma_start3A_179 = tpu.memref_squeeze %dma_start3A_178 : memref<1x16x64xf32, #tpu.memory_space<vmem>> -> memref<16x64xf32, #tpu.memory_space<vmem>>
    %dma_start3A_180 = arith.constant 0 : i32
    %dma_start3A_181 = arith.constant 0 : i32
    %dma_start3A_182 = tpu.memref_slice %arg3[%dma_start3A_180, %dma_start3A_181] : memref<1000000x64xf32, #tpu.memory_space<hbm>> -> memref<1000000x64xf32, #tpu.memory_space<hbm>>
    tpu.enqueue_indirect_dma source(%dma_start3A_182 : memref<1000000x64xf32, #tpu.memory_space<hbm>>) target(%dma_start3A_179 : memref<16x64xf32, #tpu.memory_space<vmem>>) offsets(%get3A_174 : vector<16xi32>) semaphore(%arg8 : memref<!tpu.dma_semaphore, #tpu.memory_space<semaphore_mem>>)
    %get3A_183 = arith.constant 1 : i32
    %get3A_184 = arith.index_cast %get3A_183 : i32 to index
    %get3A_185 = arith.constant 96 : index
    %get3A_186 = tpu.vector_load %arg5[%get3A_184, %get3A_185] {strides = array<i32>} : memref<200x128xi32, #tpu.memory_space<vmem>>, vector<1x16xi32>,
    %get3A_187 = vector.shape_cast %get3A_186 : vector<1x16xi32> to vector<16xi32>
    %dma_start3A_188 = arith.constant 1 : i32
    %dma_start3A_189 = arith.constant 96 : i32
    %dma_start3A_190 = arith.constant 0 : i32
    %dma_start3A_191 = tpu.memref_slice %arg6[%dma_start3A_188, %dma_start3A_189, %dma_start3A_190] : memref<4x128x64xf32, #tpu.memory_space<vmem>> -> memref<1x16x64xf32, #tpu.memory_space<vmem>>
    %dma_start3A_192 = tpu.memref_squeeze %dma_start3A_191 : memref<1x16x64xf32, #tpu.memory_space<vmem>> -> memref<16x64xf32, #tpu.memory_space<vmem>>
    %dma_start3A_193 = arith.constant 0 : i32
    %dma_start3A_194 = arith.constant 0 : i32
    %dma_start3A_195 = tpu.memref_slice %arg3[%dma_start3A_193, %dma_start3A_194] : memref<1000000x64xf32, #tpu.memory_space<hbm>> -> memref<1000000x64xf32, #tpu.memory_space<hbm>>
    tpu.enqueue_indirect_dma source(%dma_start3A_195 : memref<1000000x64xf32, #tpu.memory_space<hbm>>) target(%dma_start3A_192 : memref<16x64xf32, #tpu.memory_space<vmem>>) offsets(%get3A_187 : vector<16xi32>) semaphore(%arg8 : memref<!tpu.dma_semaphore, #tpu.memory_space<semaphore_mem>>)
    %get3A_196 = arith.constant 1 : i32
    %get3A_197 = arith.index_cast %get3A_196 : i32 to index
    %get3A_198 = arith.constant 112 : index
    %get3A_199 = tpu.vector_load %arg5[%get3A_197, %get3A_198] {strides = array<i32>} : memref<200x128xi32, #tpu.memory_space<vmem>>, vector<1x16xi32>,
    %get3A_200 = vector.shape_cast %get3A_199 : vector<1x16xi32> to vector<16xi32>
    %dma_start3A_201 = arith.constant 1 : i32
    %dma_start3A_202 = arith.constant 112 : i32
    %dma_start3A_203 = arith.constant 0 : i32
    %dma_start3A_204 = tpu.memref_slice %arg6[%dma_start3A_201, %dma_start3A_202, %dma_start3A_203] : memref<4x128x64xf32, #tpu.memory_space<vmem>> -> memref<1x16x64xf32, #tpu.memory_space<vmem>>
    %dma_start3A_205 = tpu.memref_squeeze %dma_start3A_204 : memref<1x16x64xf32, #tpu.memory_space<vmem>> -> memref<16x64xf32, #tpu.memory_space<vmem>>
    %dma_start3A_206 = arith.constant 0 : i32
    %dma_start3A_207 = arith.constant 0 : i32
    %dma_start3A_208 = tpu.memref_slice %arg3[%dma_start3A_206, %dma_start3A_207] : memref<1000000x64xf32, #tpu.memory_space<hbm>> -> memref<1000000x64xf32, #tpu.memory_space<hbm>>
    tpu.enqueue_indirect_dma source(%dma_start3A_208 : memref<1000000x64xf32, #tpu.memory_space<hbm>>) target(%dma_start3A_205 : memref<16x64xf32, #tpu.memory_space<vmem>>) offsets(%get3A_200 : vector<16xi32>) semaphore(%arg8 : memref<!tpu.dma_semaphore, #tpu.memory_space<semaphore_mem>>)
    %get3A_209 = arith.constant 2 : i32
    %get3A_210 = arith.index_cast %get3A_209 : i32 to index
    %get3A_211 = arith.constant 0 : index
    %get3A_212 = tpu.vector_load %arg5[%get3A_210, %get3A_211] {strides = array<i32>} : memref<200x128xi32, #tpu.memory_space<vmem>>, vector<1x16xi32>,
    %get3A_213 = vector.shape_cast %get3A_212 : vector<1x16xi32> to vector<16xi32>
    %dma_start3A_214 = arith.constant 2 : i32
    %dma_start3A_215 = arith.constant 0 : i32
    %dma_start3A_216 = arith.constant 0 : i32
    %dma_start3A_217 = tpu.memref_slice %arg6[%dma_start3A_214, %dma_start3A_215, %dma_start3A_216] : memref<4x128x64xf32, #tpu.memory_space<vmem>> -> memref<1x16x64xf32, #tpu.memory_space<vmem>>
    %dma_start3A_218 = tpu.memref_squeeze %dma_start3A_217 : memref<1x16x64xf32, #tpu.memory_space<vmem>> -> memref<16x64xf32, #tpu.memory_space<vmem>>
    %dma_start3A_219 = arith.constant 0 : i32
    %dma_start3A_220 = arith.constant 0 : i32
    %dma_start3A_221 = tpu.memref_slice %arg3[%dma_start3A_219, %dma_start3A_220] : memref<1000000x64xf32, #tpu.memory_space<hbm>> -> memref<1000000x64xf32, #tpu.memory_space<hbm>>
    tpu.enqueue_indirect_dma source(%dma_start3A_221 : memref<1000000x64xf32, #tpu.memory_space<hbm>>) target(%dma_start3A_218 : memref<16x64xf32, #tpu.memory_space<vmem>>) offsets(%get3A_213 : vector<16xi32>) semaphore(%arg9 : memref<!tpu.dma_semaphore, #tpu.memory_space<semaphore_mem>>)
    %get3A_222 = arith.constant 2 : i32
    %get3A_223 = arith.index_cast %get3A_222 : i32 to index
    %get3A_224 = arith.constant 16 : index
    %get3A_225 = tpu.vector_load %arg5[%get3A_223, %get3A_224] {strides = array<i32>} : memref<200x128xi32, #tpu.memory_space<vmem>>, vector<1x16xi32>,
    %get3A_226 = vector.shape_cast %get3A_225 : vector<1x16xi32> to vector<16xi32>
    %dma_start3A_227 = arith.constant 2 : i32
    %dma_start3A_228 = arith.constant 16 : i32
    %dma_start3A_229 = arith.constant 0 : i32
    %dma_start3A_230 = tpu.memref_slice %arg6[%dma_start3A_227, %dma_start3A_228, %dma_start3A_229] : memref<4x128x64xf32, #tpu.memory_space<vmem>> -> memref<1x16x64xf32, #tpu.memory_space<vmem>>
    %dma_start3A_231 = tpu.memref_squeeze %dma_start3A_230 : memref<1x16x64xf32, #tpu.memory_space<vmem>> -> memref<16x64xf32, #tpu.memory_space<vmem>>
    %dma_start3A_232 = arith.constant 0 : i32
    %dma_start3A_233 = arith.constant 0 : i32
    %dma_start3A_234 = tpu.memref_slice %arg3[%dma_start3A_232, %dma_start3A_233] : memref<1000000x64xf32, #tpu.memory_space<hbm>> -> memref<1000000x64xf32, #tpu.memory_space<hbm>>
    tpu.enqueue_indirect_dma source(%dma_start3A_234 : memref<1000000x64xf32, #tpu.memory_space<hbm>>) target(%dma_start3A_231 : memref<16x64xf32, #tpu.memory_space<vmem>>) offsets(%get3A_226 : vector<16xi32>) semaphore(%arg9 : memref<!tpu.dma_semaphore, #tpu.memory_space<semaphore_mem>>)
    %get3A_235 = arith.constant 2 : i32
    %get3A_236 = arith.index_cast %get3A_235 : i32 to index
    %get3A_237 = arith.constant 32 : index
    %get3A_238 = tpu.vector_load %arg5[%get3A_236, %get3A_237] {strides = array<i32>} : memref<200x128xi32, #tpu.memory_space<vmem>>, vector<1x16xi32>,
    %get3A_239 = vector.shape_cast %get3A_238 : vector<1x16xi32> to vector<16xi32>
    %dma_start3A_240 = arith.constant 2 : i32
    %dma_start3A_241 = arith.constant 32 : i32
    %dma_start3A_242 = arith.constant 0 : i32
    %dma_start3A_243 = tpu.memref_slice %arg6[%dma_start3A_240, %dma_start3A_241, %dma_start3A_242] : memref<4x128x64xf32, #tpu.memory_space<vmem>> -> memref<1x16x64xf32, #tpu.memory_space<vmem>>
    %dma_start3A_244 = tpu.memref_squeeze %dma_start3A_243 : memref<1x16x64xf32, #tpu.memory_space<vmem>> -> memref<16x64xf32, #tpu.memory_space<vmem>>
    %dma_start3A_245 = arith.constant 0 : i32
    %dma_start3A_246 = arith.constant 0 : i32
    %dma_start3A_247 = tpu.memref_slice %arg3[%dma_start3A_245, %dma_start3A_246] : memref<1000000x64xf32, #tpu.memory_space<hbm>> -> memref<1000000x64xf32, #tpu.memory_space<hbm>>
    tpu.enqueue_indirect_dma source(%dma_start3A_247 : memref<1000000x64xf32, #tpu.memory_space<hbm>>) target(%dma_start3A_244 : memref<16x64xf32, #tpu.memory_space<vmem>>) offsets(%get3A_239 : vector<16xi32>) semaphore(%arg9 : memref<!tpu.dma_semaphore, #tpu.memory_space<semaphore_mem>>)
    %get3A_248 = arith.constant 2 : i32
    %get3A_249 = arith.index_cast %get3A_248 : i32 to index
    %get3A_250 = arith.constant 48 : index
    %get3A_251 = tpu.vector_load %arg5[%get3A_249, %get3A_250] {strides = array<i32>} : memref<200x128xi32, #tpu.memory_space<vmem>>, vector<1x16xi32>,
    %get3A_252 = vector.shape_cast %get3A_251 : vector<1x16xi32> to vector<16xi32>
    %dma_start3A_253 = arith.constant 2 : i32
    %dma_start3A_254 = arith.constant 48 : i32
    %dma_start3A_255 = arith.constant 0 : i32
    %dma_start3A_256 = tpu.memref_slice %arg6[%dma_start3A_253, %dma_start3A_254, %dma_start3A_255] : memref<4x128x64xf32, #tpu.memory_space<vmem>> -> memref<1x16x64xf32, #tpu.memory_space<vmem>>
    %dma_start3A_257 = tpu.memref_squeeze %dma_start3A_256 : memref<1x16x64xf32, #tpu.memory_space<vmem>> -> memref<16x64xf32, #tpu.memory_space<vmem>>
    %dma_start3A_258 = arith.constant 0 : i32
    %dma_start3A_259 = arith.constant 0 : i32
    %dma_start3A_260 = tpu.memref_slice %arg3[%dma_start3A_258, %dma_start3A_259] : memref<1000000x64xf32, #tpu.memory_space<hbm>> -> memref<1000000x64xf32, #tpu.memory_space<hbm>>
    tpu.enqueue_indirect_dma source(%dma_start3A_260 : memref<1000000x64xf32, #tpu.memory_space<hbm>>) target(%dma_start3A_257 : memref<16x64xf32, #tpu.memory_space<vmem>>) offsets(%get3A_252 : vector<16xi32>) semaphore(%arg9 : memref<!tpu.dma_semaphore, #tpu.memory_space<semaphore_mem>>)
    %get3A_261 = arith.constant 2 : i32
    %get3A_262 = arith.index_cast %get3A_261 : i32 to index
    %get3A_263 = arith.constant 64 : index
    %get3A_264 = tpu.vector_load %arg5[%get3A_262, %get3A_263] {strides = array<i32>} : memref<200x128xi32, #tpu.memory_space<vmem>>, vector<1x16xi32>,
    %get3A_265 = vector.shape_cast %get3A_264 : vector<1x16xi32> to vector<16xi32>
    %dma_start3A_266 = arith.constant 2 : i32
    %dma_start3A_267 = arith.constant 64 : i32
    %dma_start3A_268 = arith.constant 0 : i32
    %dma_start3A_269 = tpu.memref_slice %arg6[%dma_start3A_266, %dma_start3A_267, %dma_start3A_268] : memref<4x128x64xf32, #tpu.memory_space<vmem>> -> memref<1x16x64xf32, #tpu.memory_space<vmem>>
    %dma_start3A_270 = tpu.memref_squeeze %dma_start3A_269 : memref<1x16x64xf32, #tpu.memory_space<vmem>> -> memref<16x64xf32, #tpu.memory_space<vmem>>
    %dma_start3A_271 = arith.constant 0 : i32
    %dma_start3A_272 = arith.constant 0 : i32
    %dma_start3A_273 = tpu.memref_slice %arg3[%dma_start3A_271, %dma_start3A_272] : memref<1000000x64xf32, #tpu.memory_space<hbm>> -> memref<1000000x64xf32, #tpu.memory_space<hbm>>
    tpu.enqueue_indirect_dma source(%dma_start3A_273 : memref<1000000x64xf32, #tpu.memory_space<hbm>>) target(%dma_start3A_270 : memref<16x64xf32, #tpu.memory_space<vmem>>) offsets(%get3A_265 : vector<16xi32>) semaphore(%arg9 : memref<!tpu.dma_semaphore, #tpu.memory_space<semaphore_mem>>)
    %get3A_274 = arith.constant 2 : i32
    %get3A_275 = arith.index_cast %get3A_274 : i32 to index
    %get3A_276 = arith.constant 80 : index
    %get3A_277 = tpu.vector_load %arg5[%get3A_275, %get3A_276] {strides = array<i32>} : memref<200x128xi32, #tpu.memory_space<vmem>>, vector<1x16xi32>,
    %get3A_278 = vector.shape_cast %get3A_277 : vector<1x16xi32> to vector<16xi32>
    %dma_start3A_279 = arith.constant 2 : i32
    %dma_start3A_280 = arith.constant 80 : i32
    %dma_start3A_281 = arith.constant 0 : i32
    %dma_start3A_282 = tpu.memref_slice %arg6[%dma_start3A_279, %dma_start3A_280, %dma_start3A_281] : memref<4x128x64xf32, #tpu.memory_space<vmem>> -> memref<1x16x64xf32, #tpu.memory_space<vmem>>
    %dma_start3A_283 = tpu.memref_squeeze %dma_start3A_282 : memref<1x16x64xf32, #tpu.memory_space<vmem>> -> memref<16x64xf32, #tpu.memory_space<vmem>>
    %dma_start3A_284 = arith.constant 0 : i32
    %dma_start3A_285 = arith.constant 0 : i32
    %dma_start3A_286 = tpu.memref_slice %arg3[%dma_start3A_284, %dma_start3A_285] : memref<1000000x64xf32, #tpu.memory_space<hbm>> -> memref<1000000x64xf32, #tpu.memory_space<hbm>>
    tpu.enqueue_indirect_dma source(%dma_start3A_286 : memref<1000000x64xf32, #tpu.memory_space<hbm>>) target(%dma_start3A_283 : memref<16x64xf32, #tpu.memory_space<vmem>>) offsets(%get3A_278 : vector<16xi32>) semaphore(%arg9 : memref<!tpu.dma_semaphore, #tpu.memory_space<semaphore_mem>>)
    %get3A_287 = arith.constant 2 : i32
    %get3A_288 = arith.index_cast %get3A_287 : i32 to index
    %get3A_289 = arith.constant 96 : index
    %get3A_290 = tpu.vector_load %arg5[%get3A_288, %get3A_289] {strides = array<i32>} : memref<200x128xi32, #tpu.memory_space<vmem>>, vector<1x16xi32>,
    %get3A_291 = vector.shape_cast %get3A_290 : vector<1x16xi32> to vector<16xi32>
    %dma_start3A_292 = arith.constant 2 : i32
    %dma_start3A_293 = arith.constant 96 : i32
    %dma_start3A_294 = arith.constant 0 : i32
    %dma_start3A_295 = tpu.memref_slice %arg6[%dma_start3A_292, %dma_start3A_293, %dma_start3A_294] : memref<4x128x64xf32, #tpu.memory_space<vmem>> -> memref<1x16x64xf32, #tpu.memory_space<vmem>>
    %dma_start3A_296 = tpu.memref_squeeze %dma_start3A_295 : memref<1x16x64xf32, #tpu.memory_space<vmem>> -> memref<16x64xf32, #tpu.memory_space<vmem>>
    %dma_start3A_297 = arith.constant 0 : i32
    %dma_start3A_298 = arith.constant 0 : i32
    %dma_start3A_299 = tpu.memref_slice %arg3[%dma_start3A_297, %dma_start3A_298] : memref<1000000x64xf32, #tpu.memory_space<hbm>> -> memref<1000000x64xf32, #tpu.memory_space<hbm>>
    tpu.enqueue_indirect_dma source(%dma_start3A_299 : memref<1000000x64xf32, #tpu.memory_space<hbm>>) target(%dma_start3A_296 : memref<16x64xf32, #tpu.memory_space<vmem>>) offsets(%get3A_291 : vector<16xi32>) semaphore(%arg9 : memref<!tpu.dma_semaphore, #tpu.memory_space<semaphore_mem>>)
    %get3A_300 = arith.constant 2 : i32
    %get3A_301 = arith.index_cast %get3A_300 : i32 to index
    %get3A_302 = arith.constant 112 : index
    %get3A_303 = tpu.vector_load %arg5[%get3A_301, %get3A_302] {strides = array<i32>} : memref<200x128xi32, #tpu.memory_space<vmem>>, vector<1x16xi32>,
    %get3A_304 = vector.shape_cast %get3A_303 : vector<1x16xi32> to vector<16xi32>
    %dma_start3A_305 = arith.constant 2 : i32
    %dma_start3A_306 = arith.constant 112 : i32
    %dma_start3A_307 = arith.constant 0 : i32
    %dma_start3A_308 = tpu.memref_slice %arg6[%dma_start3A_305, %dma_start3A_306, %dma_start3A_307] : memref<4x128x64xf32, #tpu.memory_space<vmem>> -> memref<1x16x64xf32, #tpu.memory_space<vmem>>
    %dma_start3A_309 = tpu.memref_squeeze %dma_start3A_308 : memref<1x16x64xf32, #tpu.memory_space<vmem>> -> memref<16x64xf32, #tpu.memory_space<vmem>>
    %dma_start3A_310 = arith.constant 0 : i32
    %dma_start3A_311 = arith.constant 0 : i32
    %dma_start3A_312 = tpu.memref_slice %arg3[%dma_start3A_310, %dma_start3A_311] : memref<1000000x64xf32, #tpu.memory_space<hbm>> -> memref<1000000x64xf32, #tpu.memory_space<hbm>>
    tpu.enqueue_indirect_dma source(%dma_start3A_312 : memref<1000000x64xf32, #tpu.memory_space<hbm>>) target(%dma_start3A_309 : memref<16x64xf32, #tpu.memory_space<vmem>>) offsets(%get3A_304 : vector<16xi32>) semaphore(%arg9 : memref<!tpu.dma_semaphore, #tpu.memory_space<semaphore_mem>>)
    %get3A_313 = arith.constant 3 : i32
    %get3A_314 = arith.index_cast %get3A_313 : i32 to index
    %get3A_315 = arith.constant 0 : index
    %get3A_316 = tpu.vector_load %arg5[%get3A_314, %get3A_315] {strides = array<i32>} : memref<200x128xi32, #tpu.memory_space<vmem>>, vector<1x16xi32>,
    %get3A_317 = vector.shape_cast %get3A_316 : vector<1x16xi32> to vector<16xi32>
    %dma_start3A_318 = arith.constant 3 : i32
    %dma_start3A_319 = arith.constant 0 : i32
    %dma_start3A_320 = arith.constant 0 : i32
    %dma_start3A_321 = tpu.memref_slice %arg6[%dma_start3A_318, %dma_start3A_319, %dma_start3A_320] : memref<4x128x64xf32, #tpu.memory_space<vmem>> -> memref<1x16x64xf32, #tpu.memory_space<vmem>>
    %dma_start3A_322 = tpu.memref_squeeze %dma_start3A_321 : memref<1x16x64xf32, #tpu.memory_space<vmem>> -> memref<16x64xf32, #tpu.memory_space<vmem>>
    %dma_start3A_323 = arith.constant 0 : i32
    %dma_start3A_324 = arith.constant 0 : i32
    %dma_start3A_325 = tpu.memref_slice %arg3[%dma_start3A_323, %dma_start3A_324] : memref<1000000x64xf32, #tpu.memory_space<hbm>> -> memref<1000000x64xf32, #tpu.memory_space<hbm>>
    tpu.enqueue_indirect_dma source(%dma_start3A_325 : memref<1000000x64xf32, #tpu.memory_space<hbm>>) target(%dma_start3A_322 : memref<16x64xf32, #tpu.memory_space<vmem>>) offsets(%get3A_317 : vector<16xi32>) semaphore(%arg10 : memref<!tpu.dma_semaphore, #tpu.memory_space<semaphore_mem>>)
    %get3A_326 = arith.constant 3 : i32
    %get3A_327 = arith.index_cast %get3A_326 : i32 to index
    %get3A_328 = arith.constant 16 : index
    %get3A_329 = tpu.vector_load %arg5[%get3A_327, %get3A_328] {strides = array<i32>} : memref<200x128xi32, #tpu.memory_space<vmem>>, vector<1x16xi32>,
    %get3A_330 = vector.shape_cast %get3A_329 : vector<1x16xi32> to vector<16xi32>
    %dma_start3A_331 = arith.constant 3 : i32
    %dma_start3A_332 = arith.constant 16 : i32
    %dma_start3A_333 = arith.constant 0 : i32
    %dma_start3A_334 = tpu.memref_slice %arg6[%dma_start3A_331, %dma_start3A_332, %dma_start3A_333] : memref<4x128x64xf32, #tpu.memory_space<vmem>> -> memref<1x16x64xf32, #tpu.memory_space<vmem>>
    %dma_start3A_335 = tpu.memref_squeeze %dma_start3A_334 : memref<1x16x64xf32, #tpu.memory_space<vmem>> -> memref<16x64xf32, #tpu.memory_space<vmem>>
    %dma_start3A_336 = arith.constant 0 : i32
    %dma_start3A_337 = arith.constant 0 : i32
    %dma_start3A_338 = tpu.memref_slice %arg3[%dma_start3A_336, %dma_start3A_337] : memref<1000000x64xf32, #tpu.memory_space<hbm>> -> memref<1000000x64xf32, #tpu.memory_space<hbm>>
    tpu.enqueue_indirect_dma source(%dma_start3A_338 : memref<1000000x64xf32, #tpu.memory_space<hbm>>) target(%dma_start3A_335 : memref<16x64xf32, #tpu.memory_space<vmem>>) offsets(%get3A_330 : vector<16xi32>) semaphore(%arg10 : memref<!tpu.dma_semaphore, #tpu.memory_space<semaphore_mem>>)
    %get3A_339 = arith.constant 3 : i32
    %get3A_340 = arith.index_cast %get3A_339 : i32 to index
    %get3A_341 = arith.constant 32 : index
    %get3A_342 = tpu.vector_load %arg5[%get3A_340, %get3A_341] {strides = array<i32>} : memref<200x128xi32, #tpu.memory_space<vmem>>, vector<1x16xi32>,
    %get3A_343 = vector.shape_cast %get3A_342 : vector<1x16xi32> to vector<16xi32>
    %dma_start3A_344 = arith.constant 3 : i32
    %dma_start3A_345 = arith.constant 32 : i32
    %dma_start3A_346 = arith.constant 0 : i32
    %dma_start3A_347 = tpu.memref_slice %arg6[%dma_start3A_344, %dma_start3A_345, %dma_start3A_346] : memref<4x128x64xf32, #tpu.memory_space<vmem>> -> memref<1x16x64xf32, #tpu.memory_space<vmem>>
    %dma_start3A_348 = tpu.memref_squeeze %dma_start3A_347 : memref<1x16x64xf32, #tpu.memory_space<vmem>> -> memref<16x64xf32, #tpu.memory_space<vmem>>
    %dma_start3A_349 = arith.constant 0 : i32
    %dma_start3A_350 = arith.constant 0 : i32
    %dma_start3A_351 = tpu.memref_slice %arg3[%dma_start3A_349, %dma_start3A_350] : memref<1000000x64xf32, #tpu.memory_space<hbm>> -> memref<1000000x64xf32, #tpu.memory_space<hbm>>
    tpu.enqueue_indirect_dma source(%dma_start3A_351 : memref<1000000x64xf32, #tpu.memory_space<hbm>>) target(%dma_start3A_348 : memref<16x64xf32, #tpu.memory_space<vmem>>) offsets(%get3A_343 : vector<16xi32>) semaphore(%arg10 : memref<!tpu.dma_semaphore, #tpu.memory_space<semaphore_mem>>)
    %get3A_352 = arith.constant 3 : i32
    %get3A_353 = arith.index_cast %get3A_352 : i32 to index
    %get3A_354 = arith.constant 48 : index
    %get3A_355 = tpu.vector_load %arg5[%get3A_353, %get3A_354] {strides = array<i32>} : memref<200x128xi32, #tpu.memory_space<vmem>>, vector<1x16xi32>,
    %get3A_356 = vector.shape_cast %get3A_355 : vector<1x16xi32> to vector<16xi32>
    %dma_start3A_357 = arith.constant 3 : i32
    %dma_start3A_358 = arith.constant 48 : i32
    %dma_start3A_359 = arith.constant 0 : i32
    %dma_start3A_360 = tpu.memref_slice %arg6[%dma_start3A_357, %dma_start3A_358, %dma_start3A_359] : memref<4x128x64xf32, #tpu.memory_space<vmem>> -> memref<1x16x64xf32, #tpu.memory_space<vmem>>
    %dma_start3A_361 = tpu.memref_squeeze %dma_start3A_360 : memref<1x16x64xf32, #tpu.memory_space<vmem>> -> memref<16x64xf32, #tpu.memory_space<vmem>>
    %dma_start3A_362 = arith.constant 0 : i32
    %dma_start3A_363 = arith.constant 0 : i32
    %dma_start3A_364 = tpu.memref_slice %arg3[%dma_start3A_362, %dma_start3A_363] : memref<1000000x64xf32, #tpu.memory_space<hbm>> -> memref<1000000x64xf32, #tpu.memory_space<hbm>>
    tpu.enqueue_indirect_dma source(%dma_start3A_364 : memref<1000000x64xf32, #tpu.memory_space<hbm>>) target(%dma_start3A_361 : memref<16x64xf32, #tpu.memory_space<vmem>>) offsets(%get3A_356 : vector<16xi32>) semaphore(%arg10 : memref<!tpu.dma_semaphore, #tpu.memory_space<semaphore_mem>>)
    %get3A_365 = arith.constant 3 : i32
    %get3A_366 = arith.index_cast %get3A_365 : i32 to index
    %get3A_367 = arith.constant 64 : index
    %get3A_368 = tpu.vector_load %arg5[%get3A_366, %get3A_367] {strides = array<i32>} : memref<200x128xi32, #tpu.memory_space<vmem>>, vector<1x16xi32>,
    %get3A_369 = vector.shape_cast %get3A_368 : vector<1x16xi32> to vector<16xi32>
    %dma_start3A_370 = arith.constant 3 : i32
    %dma_start3A_371 = arith.constant 64 : i32
    %dma_start3A_372 = arith.constant 0 : i32
    %dma_start3A_373 = tpu.memref_slice %arg6[%dma_start3A_370, %dma_start3A_371, %dma_start3A_372] : memref<4x128x64xf32, #tpu.memory_space<vmem>> -> memref<1x16x64xf32, #tpu.memory_space<vmem>>
    %dma_start3A_374 = tpu.memref_squeeze %dma_start3A_373 : memref<1x16x64xf32, #tpu.memory_space<vmem>> -> memref<16x64xf32, #tpu.memory_space<vmem>>
    %dma_start3A_375 = arith.constant 0 : i32
    %dma_start3A_376 = arith.constant 0 : i32
    %dma_start3A_377 = tpu.memref_slice %arg3[%dma_start3A_375, %dma_start3A_376] : memref<1000000x64xf32, #tpu.memory_space<hbm>> -> memref<1000000x64xf32, #tpu.memory_space<hbm>>
    tpu.enqueue_indirect_dma source(%dma_start3A_377 : memref<1000000x64xf32, #tpu.memory_space<hbm>>) target(%dma_start3A_374 : memref<16x64xf32, #tpu.memory_space<vmem>>) offsets(%get3A_369 : vector<16xi32>) semaphore(%arg10 : memref<!tpu.dma_semaphore, #tpu.memory_space<semaphore_mem>>)
    %get3A_378 = arith.constant 3 : i32
    %get3A_379 = arith.index_cast %get3A_378 : i32 to index
    %get3A_380 = arith.constant 80 : index
    %get3A_381 = tpu.vector_load %arg5[%get3A_379, %get3A_380] {strides = array<i32>} : memref<200x128xi32, #tpu.memory_space<vmem>>, vector<1x16xi32>,
    %get3A_382 = vector.shape_cast %get3A_381 : vector<1x16xi32> to vector<16xi32>
    %dma_start3A_383 = arith.constant 3 : i32
    %dma_start3A_384 = arith.constant 80 : i32
    %dma_start3A_385 = arith.constant 0 : i32
    %dma_start3A_386 = tpu.memref_slice %arg6[%dma_start3A_383, %dma_start3A_384, %dma_start3A_385] : memref<4x128x64xf32, #tpu.memory_space<vmem>> -> memref<1x16x64xf32, #tpu.memory_space<vmem>>
    %dma_start3A_387 = tpu.memref_squeeze %dma_start3A_386 : memref<1x16x64xf32, #tpu.memory_space<vmem>> -> memref<16x64xf32, #tpu.memory_space<vmem>>
    %dma_start3A_388 = arith.constant 0 : i32
    %dma_start3A_389 = arith.constant 0 : i32
    %dma_start3A_390 = tpu.memref_slice %arg3[%dma_start3A_388, %dma_start3A_389] : memref<1000000x64xf32, #tpu.memory_space<hbm>> -> memref<1000000x64xf32, #tpu.memory_space<hbm>>
    tpu.enqueue_indirect_dma source(%dma_start3A_390 : memref<1000000x64xf32, #tpu.memory_space<hbm>>) target(%dma_start3A_387 : memref<16x64xf32, #tpu.memory_space<vmem>>) offsets(%get3A_382 : vector<16xi32>) semaphore(%arg10 : memref<!tpu.dma_semaphore, #tpu.memory_space<semaphore_mem>>)
    %get3A_391 = arith.constant 3 : i32
    %get3A_392 = arith.index_cast %get3A_391 : i32 to index
    %get3A_393 = arith.constant 96 : index
    %get3A_394 = tpu.vector_load %arg5[%get3A_392, %get3A_393] {strides = array<i32>} : memref<200x128xi32, #tpu.memory_space<vmem>>, vector<1x16xi32>,
    %get3A_395 = vector.shape_cast %get3A_394 : vector<1x16xi32> to vector<16xi32>
    %dma_start3A_396 = arith.constant 3 : i32
    %dma_start3A_397 = arith.constant 96 : i32
    %dma_start3A_398 = arith.constant 0 : i32
    %dma_start3A_399 = tpu.memref_slice %arg6[%dma_start3A_396, %dma_start3A_397, %dma_start3A_398] : memref<4x128x64xf32, #tpu.memory_space<vmem>> -> memref<1x16x64xf32, #tpu.memory_space<vmem>>
    %dma_start3A_400 = tpu.memref_squeeze %dma_start3A_399 : memref<1x16x64xf32, #tpu.memory_space<vmem>> -> memref<16x64xf32, #tpu.memory_space<vmem>>
    %dma_start3A_401 = arith.constant 0 : i32
    %dma_start3A_402 = arith.constant 0 : i32
    %dma_start3A_403 = tpu.memref_slice %arg3[%dma_start3A_401, %dma_start3A_402] : memref<1000000x64xf32, #tpu.memory_space<hbm>> -> memref<1000000x64xf32, #tpu.memory_space<hbm>>
    tpu.enqueue_indirect_dma source(%dma_start3A_403 : memref<1000000x64xf32, #tpu.memory_space<hbm>>) target(%dma_start3A_400 : memref<16x64xf32, #tpu.memory_space<vmem>>) offsets(%get3A_395 : vector<16xi32>) semaphore(%arg10 : memref<!tpu.dma_semaphore, #tpu.memory_space<semaphore_mem>>)
    %get3A_404 = arith.constant 3 : i32
    %get3A_405 = arith.index_cast %get3A_404 : i32 to index
    %get3A_406 = arith.constant 112 : index
    %get3A_407 = tpu.vector_load %arg5[%get3A_405, %get3A_406] {strides = array<i32>} : memref<200x128xi32, #tpu.memory_space<vmem>>, vector<1x16xi32>,
    %get3A_408 = vector.shape_cast %get3A_407 : vector<1x16xi32> to vector<16xi32>
    %dma_start3A_409 = arith.constant 3 : i32
    %dma_start3A_410 = arith.constant 112 : i32
    %dma_start3A_411 = arith.constant 0 : i32
    %dma_start3A_412 = tpu.memref_slice %arg6[%dma_start3A_409, %dma_start3A_410, %dma_start3A_411] : memref<4x128x64xf32, #tpu.memory_space<vmem>> -> memref<1x16x64xf32, #tpu.memory_space<vmem>>
    %dma_start3A_413 = tpu.memref_squeeze %dma_start3A_412 : memref<1x16x64xf32, #tpu.memory_space<vmem>> -> memref<16x64xf32, #tpu.memory_space<vmem>>
    %dma_start3A_414 = arith.constant 0 : i32
    %dma_start3A_415 = arith.constant 0 : i32
    %dma_start3A_416 = tpu.memref_slice %arg3[%dma_start3A_414, %dma_start3A_415] : memref<1000000x64xf32, #tpu.memory_space<hbm>> -> memref<1000000x64xf32, #tpu.memory_space<hbm>>
    tpu.enqueue_indirect_dma source(%dma_start3A_416 : memref<1000000x64xf32, #tpu.memory_space<hbm>>) target(%dma_start3A_413 : memref<16x64xf32, #tpu.memory_space<vmem>>) offsets(%get3A_408 : vector<16xi32>) semaphore(%arg10 : memref<!tpu.dma_semaphore, #tpu.memory_space<semaphore_mem>>)
    %scan3A = arith.constant 0 : i32
    %scan3A_417 = arith.constant 0 : i32
    %scan3A_418 = arith.constant 49 : i32
    %scan3A_419 = arith.addi %scan3A_417, %scan3A_418 : i32
    %scan3A_420 = arith.constant 1 : i32
    scf.for %scan3A_957 = %scan3A_417 to %scan3A_419 step %scan3A_420  : i32 {
      %mul3A_958 = arith.constant 4 : i32
      %mul3A_959 = arith.muli %scan3A_957, %mul3A_958 : i32
      %add3A_960 = arith.constant 0 : i32
      %add3A_961 = arith.addi %mul3A_959, %add3A_960 : i32
      %get3A_962 = arith.index_cast %add3A_961 : i32 to index
      %get3A_963 = arith.constant 0 : index
      %get3A_964 = tpu.vector_load %arg5[%get3A_962, %get3A_963] {strides = array<i32>} : memref<200x128xi32, #tpu.memory_space<vmem>>, vector<1x16xi32>,
      %get3A_965 = vector.shape_cast %get3A_964 : vector<1x16xi32> to vector<16xi32>
      %dma_wait3A_966 = arith.constant 0 : i32
      %dma_wait3A_967 = arith.constant 0 : i32
      %dma_wait3A_968 = arith.constant 0 : i32
      %dma_wait3A_969 = tpu.memref_slice %arg6[%dma_wait3A_966, %dma_wait3A_967, %dma_wait3A_968] : memref<4x128x64xf32, #tpu.memory_space<vmem>> -> memref<1x16x64xf32, #tpu.memory_space<vmem>>
      %dma_wait3A_970 = tpu.memref_squeeze %dma_wait3A_969 : memref<1x16x64xf32, #tpu.memory_space<vmem>> -> memref<16x64xf32, #tpu.memory_space<vmem>>
      %dma_wait3A_971 = arith.constant 0 : i32
      %dma_wait3A_972 = arith.constant 0 : i32
      %dma_wait3A_973 = tpu.memref_slice %arg3[%dma_wait3A_971, %dma_wait3A_972] : memref<1000000x64xf32, #tpu.memory_space<hbm>> -> memref<1000000x64xf32, #tpu.memory_space<hbm>>
      tpu.wait_indirect_dma semaphore(%arg7 : memref<!tpu.dma_semaphore, #tpu.memory_space<semaphore_mem>>) src(%dma_wait3A_973 : memref<1000000x64xf32, #tpu.memory_space<hbm>>) dst(%dma_wait3A_970 : memref<16x64xf32, #tpu.memory_space<vmem>>)
      %get3A_974 = arith.index_cast %add3A_961 : i32 to index
      %get3A_975 = arith.constant 16 : index
      %get3A_976 = tpu.vector_load %arg5[%get3A_974, %get3A_975] {strides = array<i32>} : memref<200x128xi32, #tpu.memory_space<vmem>>, vector<1x16xi32>,
      %get3A_977 = vector.shape_cast %get3A_976 : vector<1x16xi32> to vector<16xi32>
      %dma_wait3A_978 = arith.constant 0 : i32
      %dma_wait3A_979 = arith.constant 16 : i32
      %dma_wait3A_980 = arith.constant 0 : i32
      %dma_wait3A_981 = tpu.memref_slice %arg6[%dma_wait3A_978, %dma_wait3A_979, %dma_wait3A_980] : memref<4x128x64xf32, #tpu.memory_space<vmem>> -> memref<1x16x64xf32, #tpu.memory_space<vmem>>
      %dma_wait3A_982 = tpu.memref_squeeze %dma_wait3A_981 : memref<1x16x64xf32, #tpu.memory_space<vmem>> -> memref<16x64xf32, #tpu.memory_space<vmem>>
      %dma_wait3A_983 = arith.constant 0 : i32
      %dma_wait3A_984 = arith.constant 0 : i32
      %dma_wait3A_985 = tpu.memref_slice %arg3[%dma_wait3A_983, %dma_wait3A_984] : memref<1000000x64xf32, #tpu.memory_space<hbm>> -> memref<1000000x64xf32, #tpu.memory_space<hbm>>
      tpu.wait_indirect_dma semaphore(%arg7 : memref<!tpu.dma_semaphore, #tpu.memory_space<semaphore_mem>>) src(%dma_wait3A_985 : memref<1000000x64xf32, #tpu.memory_space<hbm>>) dst(%dma_wait3A_982 : memref<16x64xf32, #tpu.memory_space<vmem>>)
      %get3A_986 = arith.index_cast %add3A_961 : i32 to index
      %get3A_987 = arith.constant 32 : index
      %get3A_988 = tpu.vector_load %arg5[%get3A_986, %get3A_987] {strides = array<i32>} : memref<200x128xi32, #tpu.memory_space<vmem>>, vector<1x16xi32>,
      %get3A_989 = vector.shape_cast %get3A_988 : vector<1x16xi32> to vector<16xi32>
      %dma_wait3A_990 = arith.constant 0 : i32
      %dma_wait3A_991 = arith.constant 32 : i32
      %dma_wait3A_992 = arith.constant 0 : i32
      %dma_wait3A_993 = tpu.memref_slice %arg6[%dma_wait3A_990, %dma_wait3A_991, %dma_wait3A_992] : memref<4x128x64xf32, #tpu.memory_space<vmem>> -> memref<1x16x64xf32, #tpu.memory_space<vmem>>
      %dma_wait3A_994 = tpu.memref_squeeze %dma_wait3A_993 : memref<1x16x64xf32, #tpu.memory_space<vmem>> -> memref<16x64xf32, #tpu.memory_space<vmem>>
      %dma_wait3A_995 = arith.constant 0 : i32
      %dma_wait3A_996 = arith.constant 0 : i32
      %dma_wait3A_997 = tpu.memref_slice %arg3[%dma_wait3A_995, %dma_wait3A_996] : memref<1000000x64xf32, #tpu.memory_space<hbm>> -> memref<1000000x64xf32, #tpu.memory_space<hbm>>
      tpu.wait_indirect_dma semaphore(%arg7 : memref<!tpu.dma_semaphore, #tpu.memory_space<semaphore_mem>>) src(%dma_wait3A_997 : memref<1000000x64xf32, #tpu.memory_space<hbm>>) dst(%dma_wait3A_994 : memref<16x64xf32, #tpu.memory_space<vmem>>)
      %get3A_998 = arith.index_cast %add3A_961 : i32 to index
      %get3A_999 = arith.constant 48 : index
      %get3A_1000 = tpu.vector_load %arg5[%get3A_998, %get3A_999] {strides = array<i32>} : memref<200x128xi32, #tpu.memory_space<vmem>>, vector<1x16xi32>,
      %get3A_1001 = vector.shape_cast %get3A_1000 : vector<1x16xi32> to vector<16xi32>
      %dma_wait3A_1002 = arith.constant 0 : i32
      %dma_wait3A_1003 = arith.constant 48 : i32
      %dma_wait3A_1004 = arith.constant 0 : i32
      %dma_wait3A_1005 = tpu.memref_slice %arg6[%dma_wait3A_1002, %dma_wait3A_1003, %dma_wait3A_1004] : memref<4x128x64xf32, #tpu.memory_space<vmem>> -> memref<1x16x64xf32, #tpu.memory_space<vmem>>
      %dma_wait3A_1006 = tpu.memref_squeeze %dma_wait3A_1005 : memref<1x16x64xf32, #tpu.memory_space<vmem>> -> memref<16x64xf32, #tpu.memory_space<vmem>>
      %dma_wait3A_1007 = arith.constant 0 : i32
      %dma_wait3A_1008 = arith.constant 0 : i32
      %dma_wait3A_1009 = tpu.memref_slice %arg3[%dma_wait3A_1007, %dma_wait3A_1008] : memref<1000000x64xf32, #tpu.memory_space<hbm>> -> memref<1000000x64xf32, #tpu.memory_space<hbm>>
      tpu.wait_indirect_dma semaphore(%arg7 : memref<!tpu.dma_semaphore, #tpu.memory_space<semaphore_mem>>) src(%dma_wait3A_1009 : memref<1000000x64xf32, #tpu.memory_space<hbm>>) dst(%dma_wait3A_1006 : memref<16x64xf32, #tpu.memory_space<vmem>>)
      %get3A_1010 = arith.index_cast %add3A_961 : i32 to index
      %get3A_1011 = arith.constant 64 : index
      %get3A_1012 = tpu.vector_load %arg5[%get3A_1010, %get3A_1011] {strides = array<i32>} : memref<200x128xi32, #tpu.memory_space<vmem>>, vector<1x16xi32>,
      %get3A_1013 = vector.shape_cast %get3A_1012 : vector<1x16xi32> to vector<16xi32>
      %dma_wait3A_1014 = arith.constant 0 : i32
      %dma_wait3A_1015 = arith.constant 64 : i32
      %dma_wait3A_1016 = arith.constant 0 : i32
      %dma_wait3A_1017 = tpu.memref_slice %arg6[%dma_wait3A_1014, %dma_wait3A_1015, %dma_wait3A_1016] : memref<4x128x64xf32, #tpu.memory_space<vmem>> -> memref<1x16x64xf32, #tpu.memory_space<vmem>>
      %dma_wait3A_1018 = tpu.memref_squeeze %dma_wait3A_1017 : memref<1x16x64xf32, #tpu.memory_space<vmem>> -> memref<16x64xf32, #tpu.memory_space<vmem>>
      %dma_wait3A_1019 = arith.constant 0 : i32
      %dma_wait3A_1020 = arith.constant 0 : i32
      %dma_wait3A_1021 = tpu.memref_slice %arg3[%dma_wait3A_1019, %dma_wait3A_1020] : memref<1000000x64xf32, #tpu.memory_space<hbm>> -> memref<1000000x64xf32, #tpu.memory_space<hbm>>
      tpu.wait_indirect_dma semaphore(%arg7 : memref<!tpu.dma_semaphore, #tpu.memory_space<semaphore_mem>>) src(%dma_wait3A_1021 : memref<1000000x64xf32, #tpu.memory_space<hbm>>) dst(%dma_wait3A_1018 : memref<16x64xf32, #tpu.memory_space<vmem>>)
      %get3A_1022 = arith.index_cast %add3A_961 : i32 to index
      %get3A_1023 = arith.constant 80 : index
      %get3A_1024 = tpu.vector_load %arg5[%get3A_1022, %get3A_1023] {strides = array<i32>} : memref<200x128xi32, #tpu.memory_space<vmem>>, vector<1x16xi32>,
      %get3A_1025 = vector.shape_cast %get3A_1024 : vector<1x16xi32> to vector<16xi32>
      %dma_wait3A_1026 = arith.constant 0 : i32
      %dma_wait3A_1027 = arith.constant 80 : i32
      %dma_wait3A_1028 = arith.constant 0 : i32
      %dma_wait3A_1029 = tpu.memref_slice %arg6[%dma_wait3A_1026, %dma_wait3A_1027, %dma_wait3A_1028] : memref<4x128x64xf32, #tpu.memory_space<vmem>> -> memref<1x16x64xf32, #tpu.memory_space<vmem>>
      %dma_wait3A_1030 = tpu.memref_squeeze %dma_wait3A_1029 : memref<1x16x64xf32, #tpu.memory_space<vmem>> -> memref<16x64xf32, #tpu.memory_space<vmem>>
      %dma_wait3A_1031 = arith.constant 0 : i32
      %dma_wait3A_1032 = arith.constant 0 : i32
      %dma_wait3A_1033 = tpu.memref_slice %arg3[%dma_wait3A_1031, %dma_wait3A_1032] : memref<1000000x64xf32, #tpu.memory_space<hbm>> -> memref<1000000x64xf32, #tpu.memory_space<hbm>>
      tpu.wait_indirect_dma semaphore(%arg7 : memref<!tpu.dma_semaphore, #tpu.memory_space<semaphore_mem>>) src(%dma_wait3A_1033 : memref<1000000x64xf32, #tpu.memory_space<hbm>>) dst(%dma_wait3A_1030 : memref<16x64xf32, #tpu.memory_space<vmem>>)
      %get3A_1034 = arith.index_cast %add3A_961 : i32 to index
      %get3A_1035 = arith.constant 96 : index
      %get3A_1036 = tpu.vector_load %arg5[%get3A_1034, %get3A_1035] {strides = array<i32>} : memref<200x128xi32, #tpu.memory_space<vmem>>, vector<1x16xi32>,
      %get3A_1037 = vector.shape_cast %get3A_1036 : vector<1x16xi32> to vector<16xi32>
      %dma_wait3A_1038 = arith.constant 0 : i32
      %dma_wait3A_1039 = arith.constant 96 : i32
      %dma_wait3A_1040 = arith.constant 0 : i32
      %dma_wait3A_1041 = tpu.memref_slice %arg6[%dma_wait3A_1038, %dma_wait3A_1039, %dma_wait3A_1040] : memref<4x128x64xf32, #tpu.memory_space<vmem>> -> memref<1x16x64xf32, #tpu.memory_space<vmem>>
      %dma_wait3A_1042 = tpu.memref_squeeze %dma_wait3A_1041 : memref<1x16x64xf32, #tpu.memory_space<vmem>> -> memref<16x64xf32, #tpu.memory_space<vmem>>
      %dma_wait3A_1043 = arith.constant 0 : i32
      %dma_wait3A_1044 = arith.constant 0 : i32
      %dma_wait3A_1045 = tpu.memref_slice %arg3[%dma_wait3A_1043, %dma_wait3A_1044] : memref<1000000x64xf32, #tpu.memory_space<hbm>> -> memref<1000000x64xf32, #tpu.memory_space<hbm>>
      tpu.wait_indirect_dma semaphore(%arg7 : memref<!tpu.dma_semaphore, #tpu.memory_space<semaphore_mem>>) src(%dma_wait3A_1045 : memref<1000000x64xf32, #tpu.memory_space<hbm>>) dst(%dma_wait3A_1042 : memref<16x64xf32, #tpu.memory_space<vmem>>)
      %get3A_1046 = arith.index_cast %add3A_961 : i32 to index
      %get3A_1047 = arith.constant 112 : index
      %get3A_1048 = tpu.vector_load %arg5[%get3A_1046, %get3A_1047] {strides = array<i32>} : memref<200x128xi32, #tpu.memory_space<vmem>>, vector<1x16xi32>,
      %get3A_1049 = vector.shape_cast %get3A_1048 : vector<1x16xi32> to vector<16xi32>
      %dma_wait3A_1050 = arith.constant 0 : i32
      %dma_wait3A_1051 = arith.constant 112 : i32
      %dma_wait3A_1052 = arith.constant 0 : i32
      %dma_wait3A_1053 = tpu.memref_slice %arg6[%dma_wait3A_1050, %dma_wait3A_1051, %dma_wait3A_1052] : memref<4x128x64xf32, #tpu.memory_space<vmem>> -> memref<1x16x64xf32, #tpu.memory_space<vmem>>
      %dma_wait3A_1054 = tpu.memref_squeeze %dma_wait3A_1053 : memref<1x16x64xf32, #tpu.memory_space<vmem>> -> memref<16x64xf32, #tpu.memory_space<vmem>>
      %dma_wait3A_1055 = arith.constant 0 : i32
      %dma_wait3A_1056 = arith.constant 0 : i32
      %dma_wait3A_1057 = tpu.memref_slice %arg3[%dma_wait3A_1055, %dma_wait3A_1056] : memref<1000000x64xf32, #tpu.memory_space<hbm>> -> memref<1000000x64xf32, #tpu.memory_space<hbm>>
      tpu.wait_indirect_dma semaphore(%arg7 : memref<!tpu.dma_semaphore, #tpu.memory_space<semaphore_mem>>) src(%dma_wait3A_1057 : memref<1000000x64xf32, #tpu.memory_space<hbm>>) dst(%dma_wait3A_1054 : memref<16x64xf32, #tpu.memory_space<vmem>>)
      %mul3A_1058 = arith.constant 128 : i32
      %mul3A_1059 = arith.muli %add3A_961, %mul3A_1058 : i32
      %add3A_1060 = arith.addi %mul3A_2, %mul3A_1059 : i32
      %dma_start3A_1061 = arith.constant 0 : i32
      %dma_start3A_1062 = arith.constant 0 : i32
      %dma_start3A_1063 = arith.constant 0 : i32
      %dma_start3A_1064 = tpu.memref_slice %arg6[%dma_start3A_1061, %dma_start3A_1062, %dma_start3A_1063] : memref<4x128x64xf32, #tpu.memory_space<vmem>> -> memref<1x128x64xf32, #tpu.memory_space<vmem>>
      %dma_start3A_1065 = tpu.memref_squeeze %dma_start3A_1064 : memref<1x128x64xf32, #tpu.memory_space<vmem>> -> memref<128x64xf32, #tpu.memory_space<vmem>>
      %dma_start3A_1066 = arith.constant 0 : i32
      %dma_start3A_1067 = tpu.memref_slice %arg4[%add3A_1060, %dma_start3A_1066] : memref<819200x64xf32, #tpu.memory_space<hbm>> -> memref<128x64xf32, #tpu.memory_space<hbm>>
      %dma_start3A_1068 = arith.constant 0 : i32
      %dma_start3A_1069 = tpu.memref_slice %arg4[%add3A_1060, %dma_start3A_1068] : memref<819200x64xf32, #tpu.memory_space<hbm>> -> memref<128x64xf32, #tpu.memory_space<hbm>>
      %dma_start3A_1070 = arith.constant 0 : i32
      %dma_start3A_1071 = arith.constant 0 : i32
      %dma_start3A_1072 = tpu.memref_slice %arg6[%dma_start3A_1061, %dma_start3A_1070, %dma_start3A_1071] : memref<4x128x64xf32, #tpu.memory_space<vmem>> -> memref<1x128x64xf32, #tpu.memory_space<vmem>>
      %dma_start3A_1073 = tpu.memref_squeeze %dma_start3A_1072 : memref<1x128x64xf32, #tpu.memory_space<vmem>> -> memref<128x64xf32, #tpu.memory_space<vmem>>
      tpu.enqueue_dma source(%dma_start3A_1073 : memref<128x64xf32, #tpu.memory_space<vmem>>) target(%dma_start3A_1069 : memref<128x64xf32, #tpu.memory_space<hbm>>) target_semaphore(%arg11 : memref<!tpu.dma_semaphore, #tpu.memory_space<semaphore_mem>>)
      %mul3A_1074 = arith.constant 4 : i32
      %mul3A_1075 = arith.muli %scan3A_957, %mul3A_1074 : i32
      %add3A_1076 = arith.constant 1 : i32
      %add3A_1077 = arith.addi %mul3A_1075, %add3A_1076 : i32
      %get3A_1078 = arith.index_cast %add3A_1077 : i32 to index
      %get3A_1079 = arith.constant 0 : index
      %get3A_1080 = tpu.vector_load %arg5[%get3A_1078, %get3A_1079] {strides = array<i32>} : memref<200x128xi32, #tpu.memory_space<vmem>>, vector<1x16xi32>,
      %get3A_1081 = vector.shape_cast %get3A_1080 : vector<1x16xi32> to vector<16xi32>
      %dma_wait3A_1082 = arith.constant 1 : i32
      %dma_wait3A_1083 = arith.constant 0 : i32
      %dma_wait3A_1084 = arith.constant 0 : i32
      %dma_wait3A_1085 = tpu.memref_slice %arg6[%dma_wait3A_1082, %dma_wait3A_1083, %dma_wait3A_1084] : memref<4x128x64xf32, #tpu.memory_space<vmem>> -> memref<1x16x64xf32, #tpu.memory_space<vmem>>
      %dma_wait3A_1086 = tpu.memref_squeeze %dma_wait3A_1085 : memref<1x16x64xf32, #tpu.memory_space<vmem>> -> memref<16x64xf32, #tpu.memory_space<vmem>>
      %dma_wait3A_1087 = arith.constant 0 : i32
      %dma_wait3A_1088 = arith.constant 0 : i32
      %dma_wait3A_1089 = tpu.memref_slice %arg3[%dma_wait3A_1087, %dma_wait3A_1088] : memref<1000000x64xf32, #tpu.memory_space<hbm>> -> memref<1000000x64xf32, #tpu.memory_space<hbm>>
      tpu.wait_indirect_dma semaphore(%arg8 : memref<!tpu.dma_semaphore, #tpu.memory_space<semaphore_mem>>) src(%dma_wait3A_1089 : memref<1000000x64xf32, #tpu.memory_space<hbm>>) dst(%dma_wait3A_1086 : memref<16x64xf32, #tpu.memory_space<vmem>>)
      %get3A_1090 = arith.index_cast %add3A_1077 : i32 to index
      %get3A_1091 = arith.constant 16 : index
      %get3A_1092 = tpu.vector_load %arg5[%get3A_1090, %get3A_1091] {strides = array<i32>} : memref<200x128xi32, #tpu.memory_space<vmem>>, vector<1x16xi32>,
      %get3A_1093 = vector.shape_cast %get3A_1092 : vector<1x16xi32> to vector<16xi32>
      %dma_wait3A_1094 = arith.constant 1 : i32
      %dma_wait3A_1095 = arith.constant 16 : i32
      %dma_wait3A_1096 = arith.constant 0 : i32
      %dma_wait3A_1097 = tpu.memref_slice %arg6[%dma_wait3A_1094, %dma_wait3A_1095, %dma_wait3A_1096] : memref<4x128x64xf32, #tpu.memory_space<vmem>> -> memref<1x16x64xf32, #tpu.memory_space<vmem>>
      %dma_wait3A_1098 = tpu.memref_squeeze %dma_wait3A_1097 : memref<1x16x64xf32, #tpu.memory_space<vmem>> -> memref<16x64xf32, #tpu.memory_space<vmem>>
      %dma_wait3A_1099 = arith.constant 0 : i32
      %dma_wait3A_1100 = arith.constant 0 : i32
      %dma_wait3A_1101 = tpu.memref_slice %arg3[%dma_wait3A_1099, %dma_wait3A_1100] : memref<1000000x64xf32, #tpu.memory_space<hbm>> -> memref<1000000x64xf32, #tpu.memory_space<hbm>>
      tpu.wait_indirect_dma semaphore(%arg8 : memref<!tpu.dma_semaphore, #tpu.memory_space<semaphore_mem>>) src(%dma_wait3A_1101 : memref<1000000x64xf32, #tpu.memory_space<hbm>>) dst(%dma_wait3A_1098 : memref<16x64xf32, #tpu.memory_space<vmem>>)
      %get3A_1102 = arith.index_cast %add3A_1077 : i32 to index
      %get3A_1103 = arith.constant 32 : index
      %get3A_1104 = tpu.vector_load %arg5[%get3A_1102, %get3A_1103] {strides = array<i32>} : memref<200x128xi32, #tpu.memory_space<vmem>>, vector<1x16xi32>,
      %get3A_1105 = vector.shape_cast %get3A_1104 : vector<1x16xi32> to vector<16xi32>
      %dma_wait3A_1106 = arith.constant 1 : i32
      %dma_wait3A_1107 = arith.constant 32 : i32
      %dma_wait3A_1108 = arith.constant 0 : i32
      %dma_wait3A_1109 = tpu.memref_slice %arg6[%dma_wait3A_1106, %dma_wait3A_1107, %dma_wait3A_1108] : memref<4x128x64xf32, #tpu.memory_space<vmem>> -> memref<1x16x64xf32, #tpu.memory_space<vmem>>
      %dma_wait3A_1110 = tpu.memref_squeeze %dma_wait3A_1109 : memref<1x16x64xf32, #tpu.memory_space<vmem>> -> memref<16x64xf32, #tpu.memory_space<vmem>>
      %dma_wait3A_1111 = arith.constant 0 : i32
      %dma_wait3A_1112 = arith.constant 0 : i32
      %dma_wait3A_1113 = tpu.memref_slice %arg3[%dma_wait3A_1111, %dma_wait3A_1112] : memref<1000000x64xf32, #tpu.memory_space<hbm>> -> memref<1000000x64xf32, #tpu.memory_space<hbm>>
      tpu.wait_indirect_dma semaphore(%arg8 : memref<!tpu.dma_semaphore, #tpu.memory_space<semaphore_mem>>) src(%dma_wait3A_1113 : memref<1000000x64xf32, #tpu.memory_space<hbm>>) dst(%dma_wait3A_1110 : memref<16x64xf32, #tpu.memory_space<vmem>>)
      %get3A_1114 = arith.index_cast %add3A_1077 : i32 to index
      %get3A_1115 = arith.constant 48 : index
      %get3A_1116 = tpu.vector_load %arg5[%get3A_1114, %get3A_1115] {strides = array<i32>} : memref<200x128xi32, #tpu.memory_space<vmem>>, vector<1x16xi32>,
      %get3A_1117 = vector.shape_cast %get3A_1116 : vector<1x16xi32> to vector<16xi32>
      %dma_wait3A_1118 = arith.constant 1 : i32
      %dma_wait3A_1119 = arith.constant 48 : i32
      %dma_wait3A_1120 = arith.constant 0 : i32
      %dma_wait3A_1121 = tpu.memref_slice %arg6[%dma_wait3A_1118, %dma_wait3A_1119, %dma_wait3A_1120] : memref<4x128x64xf32, #tpu.memory_space<vmem>> -> memref<1x16x64xf32, #tpu.memory_space<vmem>>
      %dma_wait3A_1122 = tpu.memref_squeeze %dma_wait3A_1121 : memref<1x16x64xf32, #tpu.memory_space<vmem>> -> memref<16x64xf32, #tpu.memory_space<vmem>>
      %dma_wait3A_1123 = arith.constant 0 : i32
      %dma_wait3A_1124 = arith.constant 0 : i32
      %dma_wait3A_1125 = tpu.memref_slice %arg3[%dma_wait3A_1123, %dma_wait3A_1124] : memref<1000000x64xf32, #tpu.memory_space<hbm>> -> memref<1000000x64xf32, #tpu.memory_space<hbm>>
      tpu.wait_indirect_dma semaphore(%arg8 : memref<!tpu.dma_semaphore, #tpu.memory_space<semaphore_mem>>) src(%dma_wait3A_1125 : memref<1000000x64xf32, #tpu.memory_space<hbm>>) dst(%dma_wait3A_1122 : memref<16x64xf32, #tpu.memory_space<vmem>>)
      %get3A_1126 = arith.index_cast %add3A_1077 : i32 to index
      %get3A_1127 = arith.constant 64 : index
      %get3A_1128 = tpu.vector_load %arg5[%get3A_1126, %get3A_1127] {strides = array<i32>} : memref<200x128xi32, #tpu.memory_space<vmem>>, vector<1x16xi32>,
      %get3A_1129 = vector.shape_cast %get3A_1128 : vector<1x16xi32> to vector<16xi32>
      %dma_wait3A_1130 = arith.constant 1 : i32
      %dma_wait3A_1131 = arith.constant 64 : i32
      %dma_wait3A_1132 = arith.constant 0 : i32
      %dma_wait3A_1133 = tpu.memref_slice %arg6[%dma_wait3A_1130, %dma_wait3A_1131, %dma_wait3A_1132] : memref<4x128x64xf32, #tpu.memory_space<vmem>> -> memref<1x16x64xf32, #tpu.memory_space<vmem>>
      %dma_wait3A_1134 = tpu.memref_squeeze %dma_wait3A_1133 : memref<1x16x64xf32, #tpu.memory_space<vmem>> -> memref<16x64xf32, #tpu.memory_space<vmem>>
      %dma_wait3A_1135 = arith.constant 0 : i32
      %dma_wait3A_1136 = arith.constant 0 : i32
      %dma_wait3A_1137 = tpu.memref_slice %arg3[%dma_wait3A_1135, %dma_wait3A_1136] : memref<1000000x64xf32, #tpu.memory_space<hbm>> -> memref<1000000x64xf32, #tpu.memory_space<hbm>>
      tpu.wait_indirect_dma semaphore(%arg8 : memref<!tpu.dma_semaphore, #tpu.memory_space<semaphore_mem>>) src(%dma_wait3A_1137 : memref<1000000x64xf32, #tpu.memory_space<hbm>>) dst(%dma_wait3A_1134 : memref<16x64xf32, #tpu.memory_space<vmem>>)
      %get3A_1138 = arith.index_cast %add3A_1077 : i32 to index
      %get3A_1139 = arith.constant 80 : index
      %get3A_1140 = tpu.vector_load %arg5[%get3A_1138, %get3A_1139] {strides = array<i32>} : memref<200x128xi32, #tpu.memory_space<vmem>>, vector<1x16xi32>,
      %get3A_1141 = vector.shape_cast %get3A_1140 : vector<1x16xi32> to vector<16xi32>
      %dma_wait3A_1142 = arith.constant 1 : i32
      %dma_wait3A_1143 = arith.constant 80 : i32
      %dma_wait3A_1144 = arith.constant 0 : i32
      %dma_wait3A_1145 = tpu.memref_slice %arg6[%dma_wait3A_1142, %dma_wait3A_1143, %dma_wait3A_1144] : memref<4x128x64xf32, #tpu.memory_space<vmem>> -> memref<1x16x64xf32, #tpu.memory_space<vmem>>
      %dma_wait3A_1146 = tpu.memref_squeeze %dma_wait3A_1145 : memref<1x16x64xf32, #tpu.memory_space<vmem>> -> memref<16x64xf32, #tpu.memory_space<vmem>>
      %dma_wait3A_1147 = arith.constant 0 : i32
      %dma_wait3A_1148 = arith.constant 0 : i32
      %dma_wait3A_1149 = tpu.memref_slice %arg3[%dma_wait3A_1147, %dma_wait3A_1148] : memref<1000000x64xf32, #tpu.memory_space<hbm>> -> memref<1000000x64xf32, #tpu.memory_space<hbm>>
      tpu.wait_indirect_dma semaphore(%arg8 : memref<!tpu.dma_semaphore, #tpu.memory_space<semaphore_mem>>) src(%dma_wait3A_1149 : memref<1000000x64xf32, #tpu.memory_space<hbm>>) dst(%dma_wait3A_1146 : memref<16x64xf32, #tpu.memory_space<vmem>>)
      %get3A_1150 = arith.index_cast %add3A_1077 : i32 to index
      %get3A_1151 = arith.constant 96 : index
      %get3A_1152 = tpu.vector_load %arg5[%get3A_1150, %get3A_1151] {strides = array<i32>} : memref<200x128xi32, #tpu.memory_space<vmem>>, vector<1x16xi32>,
      %get3A_1153 = vector.shape_cast %get3A_1152 : vector<1x16xi32> to vector<16xi32>
      %dma_wait3A_1154 = arith.constant 1 : i32
      %dma_wait3A_1155 = arith.constant 96 : i32
      %dma_wait3A_1156 = arith.constant 0 : i32
      %dma_wait3A_1157 = tpu.memref_slice %arg6[%dma_wait3A_1154, %dma_wait3A_1155, %dma_wait3A_1156] : memref<4x128x64xf32, #tpu.memory_space<vmem>> -> memref<1x16x64xf32, #tpu.memory_space<vmem>>
      %dma_wait3A_1158 = tpu.memref_squeeze %dma_wait3A_1157 : memref<1x16x64xf32, #tpu.memory_space<vmem>> -> memref<16x64xf32, #tpu.memory_space<vmem>>
      %dma_wait3A_1159 = arith.constant 0 : i32
      %dma_wait3A_1160 = arith.constant 0 : i32
      %dma_wait3A_1161 = tpu.memref_slice %arg3[%dma_wait3A_1159, %dma_wait3A_1160] : memref<1000000x64xf32, #tpu.memory_space<hbm>> -> memref<1000000x64xf32, #tpu.memory_space<hbm>>
      tpu.wait_indirect_dma semaphore(%arg8 : memref<!tpu.dma_semaphore, #tpu.memory_space<semaphore_mem>>) src(%dma_wait3A_1161 : memref<1000000x64xf32, #tpu.memory_space<hbm>>) dst(%dma_wait3A_1158 : memref<16x64xf32, #tpu.memory_space<vmem>>)
      %get3A_1162 = arith.index_cast %add3A_1077 : i32 to index
      %get3A_1163 = arith.constant 112 : index
      %get3A_1164 = tpu.vector_load %arg5[%get3A_1162, %get3A_1163] {strides = array<i32>} : memref<200x128xi32, #tpu.memory_space<vmem>>, vector<1x16xi32>,
      %get3A_1165 = vector.shape_cast %get3A_1164 : vector<1x16xi32> to vector<16xi32>
      %dma_wait3A_1166 = arith.constant 1 : i32
      %dma_wait3A_1167 = arith.constant 112 : i32
      %dma_wait3A_1168 = arith.constant 0 : i32
      %dma_wait3A_1169 = tpu.memref_slice %arg6[%dma_wait3A_1166, %dma_wait3A_1167, %dma_wait3A_1168] : memref<4x128x64xf32, #tpu.memory_space<vmem>> -> memref<1x16x64xf32, #tpu.memory_space<vmem>>
      %dma_wait3A_1170 = tpu.memref_squeeze %dma_wait3A_1169 : memref<1x16x64xf32, #tpu.memory_space<vmem>> -> memref<16x64xf32, #tpu.memory_space<vmem>>
      %dma_wait3A_1171 = arith.constant 0 : i32
      %dma_wait3A_1172 = arith.constant 0 : i32
      %dma_wait3A_1173 = tpu.memref_slice %arg3[%dma_wait3A_1171, %dma_wait3A_1172] : memref<1000000x64xf32, #tpu.memory_space<hbm>> -> memref<1000000x64xf32, #tpu.memory_space<hbm>>
      tpu.wait_indirect_dma semaphore(%arg8 : memref<!tpu.dma_semaphore, #tpu.memory_space<semaphore_mem>>) src(%dma_wait3A_1173 : memref<1000000x64xf32, #tpu.memory_space<hbm>>) dst(%dma_wait3A_1170 : memref<16x64xf32, #tpu.memory_space<vmem>>)
      %mul3A_1174 = arith.constant 128 : i32
      %mul3A_1175 = arith.muli %add3A_1077, %mul3A_1174 : i32
      %add3A_1176 = arith.addi %mul3A_2, %mul3A_1175 : i32
      %dma_start3A_1177 = arith.constant 1 : i32
      %dma_start3A_1178 = arith.constant 0 : i32
      %dma_start3A_1179 = arith.constant 0 : i32
      %dma_start3A_1180 = tpu.memref_slice %arg6[%dma_start3A_1177, %dma_start3A_1178, %dma_start3A_1179] : memref<4x128x64xf32, #tpu.memory_space<vmem>> -> memref<1x128x64xf32, #tpu.memory_space<vmem>>
      %dma_start3A_1181 = tpu.memref_squeeze %dma_start3A_1180 : memref<1x128x64xf32, #tpu.memory_space<vmem>> -> memref<128x64xf32, #tpu.memory_space<vmem>>
      %dma_start3A_1182 = arith.constant 0 : i32
      %dma_start3A_1183 = tpu.memref_slice %arg4[%add3A_1176, %dma_start3A_1182] : memref<819200x64xf32, #tpu.memory_space<hbm>> -> memref<128x64xf32, #tpu.memory_space<hbm>>
      %dma_start3A_1184 = arith.constant 0 : i32
      %dma_start3A_1185 = tpu.memref_slice %arg4[%add3A_1176, %dma_start3A_1184] : memref<819200x64xf32, #tpu.memory_space<hbm>> -> memref<128x64xf32, #tpu.memory_space<hbm>>
      %dma_start3A_1186 = arith.constant 0 : i32
      %dma_start3A_1187 = arith.constant 0 : i32
      %dma_start3A_1188 = tpu.memref_slice %arg6[%dma_start3A_1177, %dma_start3A_1186, %dma_start3A_1187] : memref<4x128x64xf32, #tpu.memory_space<vmem>> -> memref<1x128x64xf32, #tpu.memory_space<vmem>>
      %dma_start3A_1189 = tpu.memref_squeeze %dma_start3A_1188 : memref<1x128x64xf32, #tpu.memory_space<vmem>> -> memref<128x64xf32, #tpu.memory_space<vmem>>
      tpu.enqueue_dma source(%dma_start3A_1189 : memref<128x64xf32, #tpu.memory_space<vmem>>) target(%dma_start3A_1185 : memref<128x64xf32, #tpu.memory_space<hbm>>) target_semaphore(%arg12 : memref<!tpu.dma_semaphore, #tpu.memory_space<semaphore_mem>>)
      %mul3A_1190 = arith.constant 4 : i32
      %mul3A_1191 = arith.muli %scan3A_957, %mul3A_1190 : i32
      %add3A_1192 = arith.constant 2 : i32
      %add3A_1193 = arith.addi %mul3A_1191, %add3A_1192 : i32
      %get3A_1194 = arith.index_cast %add3A_1193 : i32 to index
      %get3A_1195 = arith.constant 0 : index
      %get3A_1196 = tpu.vector_load %arg5[%get3A_1194, %get3A_1195] {strides = array<i32>} : memref<200x128xi32, #tpu.memory_space<vmem>>, vector<1x16xi32>,
      %get3A_1197 = vector.shape_cast %get3A_1196 : vector<1x16xi32> to vector<16xi32>
      %dma_wait3A_1198 = arith.constant 2 : i32
      %dma_wait3A_1199 = arith.constant 0 : i32
      %dma_wait3A_1200 = arith.constant 0 : i32
      %dma_wait3A_1201 = tpu.memref_slice %arg6[%dma_wait3A_1198, %dma_wait3A_1199, %dma_wait3A_1200] : memref<4x128x64xf32, #tpu.memory_space<vmem>> -> memref<1x16x64xf32, #tpu.memory_space<vmem>>
      %dma_wait3A_1202 = tpu.memref_squeeze %dma_wait3A_1201 : memref<1x16x64xf32, #tpu.memory_space<vmem>> -> memref<16x64xf32, #tpu.memory_space<vmem>>
      %dma_wait3A_1203 = arith.constant 0 : i32
      %dma_wait3A_1204 = arith.constant 0 : i32
      %dma_wait3A_1205 = tpu.memref_slice %arg3[%dma_wait3A_1203, %dma_wait3A_1204] : memref<1000000x64xf32, #tpu.memory_space<hbm>> -> memref<1000000x64xf32, #tpu.memory_space<hbm>>
      tpu.wait_indirect_dma semaphore(%arg9 : memref<!tpu.dma_semaphore, #tpu.memory_space<semaphore_mem>>) src(%dma_wait3A_1205 : memref<1000000x64xf32, #tpu.memory_space<hbm>>) dst(%dma_wait3A_1202 : memref<16x64xf32, #tpu.memory_space<vmem>>)
      %get3A_1206 = arith.index_cast %add3A_1193 : i32 to index
      %get3A_1207 = arith.constant 16 : index
      %get3A_1208 = tpu.vector_load %arg5[%get3A_1206, %get3A_1207] {strides = array<i32>} : memref<200x128xi32, #tpu.memory_space<vmem>>, vector<1x16xi32>,
      %get3A_1209 = vector.shape_cast %get3A_1208 : vector<1x16xi32> to vector<16xi32>
      %dma_wait3A_1210 = arith.constant 2 : i32
      %dma_wait3A_1211 = arith.constant 16 : i32
      %dma_wait3A_1212 = arith.constant 0 : i32
      %dma_wait3A_1213 = tpu.memref_slice %arg6[%dma_wait3A_1210, %dma_wait3A_1211, %dma_wait3A_1212] : memref<4x128x64xf32, #tpu.memory_space<vmem>> -> memref<1x16x64xf32, #tpu.memory_space<vmem>>
      %dma_wait3A_1214 = tpu.memref_squeeze %dma_wait3A_1213 : memref<1x16x64xf32, #tpu.memory_space<vmem>> -> memref<16x64xf32, #tpu.memory_space<vmem>>
      %dma_wait3A_1215 = arith.constant 0 : i32
      %dma_wait3A_1216 = arith.constant 0 : i32
      %dma_wait3A_1217 = tpu.memref_slice %arg3[%dma_wait3A_1215, %dma_wait3A_1216] : memref<1000000x64xf32, #tpu.memory_space<hbm>> -> memref<1000000x64xf32, #tpu.memory_space<hbm>>
      tpu.wait_indirect_dma semaphore(%arg9 : memref<!tpu.dma_semaphore, #tpu.memory_space<semaphore_mem>>) src(%dma_wait3A_1217 : memref<1000000x64xf32, #tpu.memory_space<hbm>>) dst(%dma_wait3A_1214 : memref<16x64xf32, #tpu.memory_space<vmem>>)
      %get3A_1218 = arith.index_cast %add3A_1193 : i32 to index
      %get3A_1219 = arith.constant 32 : index
      %get3A_1220 = tpu.vector_load %arg5[%get3A_1218, %get3A_1219] {strides = array<i32>} : memref<200x128xi32, #tpu.memory_space<vmem>>, vector<1x16xi32>,
      %get3A_1221 = vector.shape_cast %get3A_1220 : vector<1x16xi32> to vector<16xi32>
      %dma_wait3A_1222 = arith.constant 2 : i32
      %dma_wait3A_1223 = arith.constant 32 : i32
      %dma_wait3A_1224 = arith.constant 0 : i32
      %dma_wait3A_1225 = tpu.memref_slice %arg6[%dma_wait3A_1222, %dma_wait3A_1223, %dma_wait3A_1224] : memref<4x128x64xf32, #tpu.memory_space<vmem>> -> memref<1x16x64xf32, #tpu.memory_space<vmem>>
      %dma_wait3A_1226 = tpu.memref_squeeze %dma_wait3A_1225 : memref<1x16x64xf32, #tpu.memory_space<vmem>> -> memref<16x64xf32, #tpu.memory_space<vmem>>
      %dma_wait3A_1227 = arith.constant 0 : i32
      %dma_wait3A_1228 = arith.constant 0 : i32
      %dma_wait3A_1229 = tpu.memref_slice %arg3[%dma_wait3A_1227, %dma_wait3A_1228] : memref<1000000x64xf32, #tpu.memory_space<hbm>> -> memref<1000000x64xf32, #tpu.memory_space<hbm>>
      tpu.wait_indirect_dma semaphore(%arg9 : memref<!tpu.dma_semaphore, #tpu.memory_space<semaphore_mem>>) src(%dma_wait3A_1229 : memref<1000000x64xf32, #tpu.memory_space<hbm>>) dst(%dma_wait3A_1226 : memref<16x64xf32, #tpu.memory_space<vmem>>)
      %get3A_1230 = arith.index_cast %add3A_1193 : i32 to index
      %get3A_1231 = arith.constant 48 : index
      %get3A_1232 = tpu.vector_load %arg5[%get3A_1230, %get3A_1231] {strides = array<i32>} : memref<200x128xi32, #tpu.memory_space<vmem>>, vector<1x16xi32>,
      %get3A_1233 = vector.shape_cast %get3A_1232 : vector<1x16xi32> to vector<16xi32>
      %dma_wait3A_1234 = arith.constant 2 : i32
      %dma_wait3A_1235 = arith.constant 48 : i32
      %dma_wait3A_1236 = arith.constant 0 : i32
      %dma_wait3A_1237 = tpu.memref_slice %arg6[%dma_wait3A_1234, %dma_wait3A_1235, %dma_wait3A_1236] : memref<4x128x64xf32, #tpu.memory_space<vmem>> -> memref<1x16x64xf32, #tpu.memory_space<vmem>>
      %dma_wait3A_1238 = tpu.memref_squeeze %dma_wait3A_1237 : memref<1x16x64xf32, #tpu.memory_space<vmem>> -> memref<16x64xf32, #tpu.memory_space<vmem>>
      %dma_wait3A_1239 = arith.constant 0 : i32
      %dma_wait3A_1240 = arith.constant 0 : i32
      %dma_wait3A_1241 = tpu.memref_slice %arg3[%dma_wait3A_1239, %dma_wait3A_1240] : memref<1000000x64xf32, #tpu.memory_space<hbm>> -> memref<1000000x64xf32, #tpu.memory_space<hbm>>
      tpu.wait_indirect_dma semaphore(%arg9 : memref<!tpu.dma_semaphore, #tpu.memory_space<semaphore_mem>>) src(%dma_wait3A_1241 : memref<1000000x64xf32, #tpu.memory_space<hbm>>) dst(%dma_wait3A_1238 : memref<16x64xf32, #tpu.memory_space<vmem>>)
      %get3A_1242 = arith.index_cast %add3A_1193 : i32 to index
      %get3A_1243 = arith.constant 64 : index
      %get3A_1244 = tpu.vector_load %arg5[%get3A_1242, %get3A_1243] {strides = array<i32>} : memref<200x128xi32, #tpu.memory_space<vmem>>, vector<1x16xi32>,
      %get3A_1245 = vector.shape_cast %get3A_1244 : vector<1x16xi32> to vector<16xi32>
      %dma_wait3A_1246 = arith.constant 2 : i32
      %dma_wait3A_1247 = arith.constant 64 : i32
      %dma_wait3A_1248 = arith.constant 0 : i32
      %dma_wait3A_1249 = tpu.memref_slice %arg6[%dma_wait3A_1246, %dma_wait3A_1247, %dma_wait3A_1248] : memref<4x128x64xf32, #tpu.memory_space<vmem>> -> memref<1x16x64xf32, #tpu.memory_space<vmem>>
      %dma_wait3A_1250 = tpu.memref_squeeze %dma_wait3A_1249 : memref<1x16x64xf32, #tpu.memory_space<vmem>> -> memref<16x64xf32, #tpu.memory_space<vmem>>
      %dma_wait3A_1251 = arith.constant 0 : i32
      %dma_wait3A_1252 = arith.constant 0 : i32
      %dma_wait3A_1253 = tpu.memref_slice %arg3[%dma_wait3A_1251, %dma_wait3A_1252] : memref<1000000x64xf32, #tpu.memory_space<hbm>> -> memref<1000000x64xf32, #tpu.memory_space<hbm>>
      tpu.wait_indirect_dma semaphore(%arg9 : memref<!tpu.dma_semaphore, #tpu.memory_space<semaphore_mem>>) src(%dma_wait3A_1253 : memref<1000000x64xf32, #tpu.memory_space<hbm>>) dst(%dma_wait3A_1250 : memref<16x64xf32, #tpu.memory_space<vmem>>)
      %get3A_1254 = arith.index_cast %add3A_1193 : i32 to index
      %get3A_1255 = arith.constant 80 : index
      %get3A_1256 = tpu.vector_load %arg5[%get3A_1254, %get3A_1255] {strides = array<i32>} : memref<200x128xi32, #tpu.memory_space<vmem>>, vector<1x16xi32>,
      %get3A_1257 = vector.shape_cast %get3A_1256 : vector<1x16xi32> to vector<16xi32>
      %dma_wait3A_1258 = arith.constant 2 : i32
      %dma_wait3A_1259 = arith.constant 80 : i32
      %dma_wait3A_1260 = arith.constant 0 : i32
      %dma_wait3A_1261 = tpu.memref_slice %arg6[%dma_wait3A_1258, %dma_wait3A_1259, %dma_wait3A_1260] : memref<4x128x64xf32, #tpu.memory_space<vmem>> -> memref<1x16x64xf32, #tpu.memory_space<vmem>>
      %dma_wait3A_1262 = tpu.memref_squeeze %dma_wait3A_1261 : memref<1x16x64xf32, #tpu.memory_space<vmem>> -> memref<16x64xf32, #tpu.memory_space<vmem>>
      %dma_wait3A_1263 = arith.constant 0 : i32
      %dma_wait3A_1264 = arith.constant 0 : i32
      %dma_wait3A_1265 = tpu.memref_slice %arg3[%dma_wait3A_1263, %dma_wait3A_1264] : memref<1000000x64xf32, #tpu.memory_space<hbm>> -> memref<1000000x64xf32, #tpu.memory_space<hbm>>
      tpu.wait_indirect_dma semaphore(%arg9 : memref<!tpu.dma_semaphore, #tpu.memory_space<semaphore_mem>>) src(%dma_wait3A_1265 : memref<1000000x64xf32, #tpu.memory_space<hbm>>) dst(%dma_wait3A_1262 : memref<16x64xf32, #tpu.memory_space<vmem>>)
      %get3A_1266 = arith.index_cast %add3A_1193 : i32 to index
      %get3A_1267 = arith.constant 96 : index
      %get3A_1268 = tpu.vector_load %arg5[%get3A_1266, %get3A_1267] {strides = array<i32>} : memref<200x128xi32, #tpu.memory_space<vmem>>, vector<1x16xi32>,
      %get3A_1269 = vector.shape_cast %get3A_1268 : vector<1x16xi32> to vector<16xi32>
      %dma_wait3A_1270 = arith.constant 2 : i32
      %dma_wait3A_1271 = arith.constant 96 : i32
      %dma_wait3A_1272 = arith.constant 0 : i32
      %dma_wait3A_1273 = tpu.memref_slice %arg6[%dma_wait3A_1270, %dma_wait3A_1271, %dma_wait3A_1272] : memref<4x128x64xf32, #tpu.memory_space<vmem>> -> memref<1x16x64xf32, #tpu.memory_space<vmem>>
      %dma_wait3A_1274 = tpu.memref_squeeze %dma_wait3A_1273 : memref<1x16x64xf32, #tpu.memory_space<vmem>> -> memref<16x64xf32, #tpu.memory_space<vmem>>
      %dma_wait3A_1275 = arith.constant 0 : i32
      %dma_wait3A_1276 = arith.constant 0 : i32
      %dma_wait3A_1277 = tpu.memref_slice %arg3[%dma_wait3A_1275, %dma_wait3A_1276] : memref<1000000x64xf32, #tpu.memory_space<hbm>> -> memref<1000000x64xf32, #tpu.memory_space<hbm>>
      tpu.wait_indirect_dma semaphore(%arg9 : memref<!tpu.dma_semaphore, #tpu.memory_space<semaphore_mem>>) src(%dma_wait3A_1277 : memref<1000000x64xf32, #tpu.memory_space<hbm>>) dst(%dma_wait3A_1274 : memref<16x64xf32, #tpu.memory_space<vmem>>)
      %get3A_1278 = arith.index_cast %add3A_1193 : i32 to index
      %get3A_1279 = arith.constant 112 : index
      %get3A_1280 = tpu.vector_load %arg5[%get3A_1278, %get3A_1279] {strides = array<i32>} : memref<200x128xi32, #tpu.memory_space<vmem>>, vector<1x16xi32>,
      %get3A_1281 = vector.shape_cast %get3A_1280 : vector<1x16xi32> to vector<16xi32>
      %dma_wait3A_1282 = arith.constant 2 : i32
      %dma_wait3A_1283 = arith.constant 112 : i32
      %dma_wait3A_1284 = arith.constant 0 : i32
      %dma_wait3A_1285 = tpu.memref_slice %arg6[%dma_wait3A_1282, %dma_wait3A_1283, %dma_wait3A_1284] : memref<4x128x64xf32, #tpu.memory_space<vmem>> -> memref<1x16x64xf32, #tpu.memory_space<vmem>>
      %dma_wait3A_1286 = tpu.memref_squeeze %dma_wait3A_1285 : memref<1x16x64xf32, #tpu.memory_space<vmem>> -> memref<16x64xf32, #tpu.memory_space<vmem>>
      %dma_wait3A_1287 = arith.constant 0 : i32
      %dma_wait3A_1288 = arith.constant 0 : i32
      %dma_wait3A_1289 = tpu.memref_slice %arg3[%dma_wait3A_1287, %dma_wait3A_1288] : memref<1000000x64xf32, #tpu.memory_space<hbm>> -> memref<1000000x64xf32, #tpu.memory_space<hbm>>
      tpu.wait_indirect_dma semaphore(%arg9 : memref<!tpu.dma_semaphore, #tpu.memory_space<semaphore_mem>>) src(%dma_wait3A_1289 : memref<1000000x64xf32, #tpu.memory_space<hbm>>) dst(%dma_wait3A_1286 : memref<16x64xf32, #tpu.memory_space<vmem>>)
      %mul3A_1290 = arith.constant 128 : i32
      %mul3A_1291 = arith.muli %add3A_1193, %mul3A_1290 : i32
      %add3A_1292 = arith.addi %mul3A_2, %mul3A_1291 : i32
      %dma_start3A_1293 = arith.constant 2 : i32
      %dma_start3A_1294 = arith.constant 0 : i32
      %dma_start3A_1295 = arith.constant 0 : i32
      %dma_start3A_1296 = tpu.memref_slice %arg6[%dma_start3A_1293, %dma_start3A_1294, %dma_start3A_1295] : memref<4x128x64xf32, #tpu.memory_space<vmem>> -> memref<1x128x64xf32, #tpu.memory_space<vmem>>
      %dma_start3A_1297 = tpu.memref_squeeze %dma_start3A_1296 : memref<1x128x64xf32, #tpu.memory_space<vmem>> -> memref<128x64xf32, #tpu.memory_space<vmem>>
      %dma_start3A_1298 = arith.constant 0 : i32
      %dma_start3A_1299 = tpu.memref_slice %arg4[%add3A_1292, %dma_start3A_1298] : memref<819200x64xf32, #tpu.memory_space<hbm>> -> memref<128x64xf32, #tpu.memory_space<hbm>>
      %dma_start3A_1300 = arith.constant 0 : i32
      %dma_start3A_1301 = tpu.memref_slice %arg4[%add3A_1292, %dma_start3A_1300] : memref<819200x64xf32, #tpu.memory_space<hbm>> -> memref<128x64xf32, #tpu.memory_space<hbm>>
      %dma_start3A_1302 = arith.constant 0 : i32
      %dma_start3A_1303 = arith.constant 0 : i32
      %dma_start3A_1304 = tpu.memref_slice %arg6[%dma_start3A_1293, %dma_start3A_1302, %dma_start3A_1303] : memref<4x128x64xf32, #tpu.memory_space<vmem>> -> memref<1x128x64xf32, #tpu.memory_space<vmem>>
      %dma_start3A_1305 = tpu.memref_squeeze %dma_start3A_1304 : memref<1x128x64xf32, #tpu.memory_space<vmem>> -> memref<128x64xf32, #tpu.memory_space<vmem>>
      tpu.enqueue_dma source(%dma_start3A_1305 : memref<128x64xf32, #tpu.memory_space<vmem>>) target(%dma_start3A_1301 : memref<128x64xf32, #tpu.memory_space<hbm>>) target_semaphore(%arg13 : memref<!tpu.dma_semaphore, #tpu.memory_space<semaphore_mem>>)
      %mul3A_1306 = arith.constant 4 : i32
      %mul3A_1307 = arith.muli %scan3A_957, %mul3A_1306 : i32
      %add3A_1308 = arith.constant 3 : i32
      %add3A_1309 = arith.addi %mul3A_1307, %add3A_1308 : i32
      %get3A_1310 = arith.index_cast %add3A_1309 : i32 to index
      %get3A_1311 = arith.constant 0 : index
      %get3A_1312 = tpu.vector_load %arg5[%get3A_1310, %get3A_1311] {strides = array<i32>} : memref<200x128xi32, #tpu.memory_space<vmem>>, vector<1x16xi32>,
      %get3A_1313 = vector.shape_cast %get3A_1312 : vector<1x16xi32> to vector<16xi32>
      %dma_wait3A_1314 = arith.constant 3 : i32
      %dma_wait3A_1315 = arith.constant 0 : i32
      %dma_wait3A_1316 = arith.constant 0 : i32
      %dma_wait3A_1317 = tpu.memref_slice %arg6[%dma_wait3A_1314, %dma_wait3A_1315, %dma_wait3A_1316] : memref<4x128x64xf32, #tpu.memory_space<vmem>> -> memref<1x16x64xf32, #tpu.memory_space<vmem>>
      %dma_wait3A_1318 = tpu.memref_squeeze %dma_wait3A_1317 : memref<1x16x64xf32, #tpu.memory_space<vmem>> -> memref<16x64xf32, #tpu.memory_space<vmem>>
      %dma_wait3A_1319 = arith.constant 0 : i32
      %dma_wait3A_1320 = arith.constant 0 : i32
      %dma_wait3A_1321 = tpu.memref_slice %arg3[%dma_wait3A_1319, %dma_wait3A_1320] : memref<1000000x64xf32, #tpu.memory_space<hbm>> -> memref<1000000x64xf32, #tpu.memory_space<hbm>>
      tpu.wait_indirect_dma semaphore(%arg10 : memref<!tpu.dma_semaphore, #tpu.memory_space<semaphore_mem>>) src(%dma_wait3A_1321 : memref<1000000x64xf32, #tpu.memory_space<hbm>>) dst(%dma_wait3A_1318 : memref<16x64xf32, #tpu.memory_space<vmem>>)
      %get3A_1322 = arith.index_cast %add3A_1309 : i32 to index
      %get3A_1323 = arith.constant 16 : index
      %get3A_1324 = tpu.vector_load %arg5[%get3A_1322, %get3A_1323] {strides = array<i32>} : memref<200x128xi32, #tpu.memory_space<vmem>>, vector<1x16xi32>,
      %get3A_1325 = vector.shape_cast %get3A_1324 : vector<1x16xi32> to vector<16xi32>
      %dma_wait3A_1326 = arith.constant 3 : i32
      %dma_wait3A_1327 = arith.constant 16 : i32
      %dma_wait3A_1328 = arith.constant 0 : i32
      %dma_wait3A_1329 = tpu.memref_slice %arg6[%dma_wait3A_1326, %dma_wait3A_1327, %dma_wait3A_1328] : memref<4x128x64xf32, #tpu.memory_space<vmem>> -> memref<1x16x64xf32, #tpu.memory_space<vmem>>
      %dma_wait3A_1330 = tpu.memref_squeeze %dma_wait3A_1329 : memref<1x16x64xf32, #tpu.memory_space<vmem>> -> memref<16x64xf32, #tpu.memory_space<vmem>>
      %dma_wait3A_1331 = arith.constant 0 : i32
      %dma_wait3A_1332 = arith.constant 0 : i32
      %dma_wait3A_1333 = tpu.memref_slice %arg3[%dma_wait3A_1331, %dma_wait3A_1332] : memref<1000000x64xf32, #tpu.memory_space<hbm>> -> memref<1000000x64xf32, #tpu.memory_space<hbm>>
      tpu.wait_indirect_dma semaphore(%arg10 : memref<!tpu.dma_semaphore, #tpu.memory_space<semaphore_mem>>) src(%dma_wait3A_1333 : memref<1000000x64xf32, #tpu.memory_space<hbm>>) dst(%dma_wait3A_1330 : memref<16x64xf32, #tpu.memory_space<vmem>>)
      %get3A_1334 = arith.index_cast %add3A_1309 : i32 to index
      %get3A_1335 = arith.constant 32 : index
      %get3A_1336 = tpu.vector_load %arg5[%get3A_1334, %get3A_1335] {strides = array<i32>} : memref<200x128xi32, #tpu.memory_space<vmem>>, vector<1x16xi32>,
      %get3A_1337 = vector.shape_cast %get3A_1336 : vector<1x16xi32> to vector<16xi32>
      %dma_wait3A_1338 = arith.constant 3 : i32
      %dma_wait3A_1339 = arith.constant 32 : i32
      %dma_wait3A_1340 = arith.constant 0 : i32
      %dma_wait3A_1341 = tpu.memref_slice %arg6[%dma_wait3A_1338, %dma_wait3A_1339, %dma_wait3A_1340] : memref<4x128x64xf32, #tpu.memory_space<vmem>> -> memref<1x16x64xf32, #tpu.memory_space<vmem>>
      %dma_wait3A_1342 = tpu.memref_squeeze %dma_wait3A_1341 : memref<1x16x64xf32, #tpu.memory_space<vmem>> -> memref<16x64xf32, #tpu.memory_space<vmem>>
      %dma_wait3A_1343 = arith.constant 0 : i32
      %dma_wait3A_1344 = arith.constant 0 : i32
      %dma_wait3A_1345 = tpu.memref_slice %arg3[%dma_wait3A_1343, %dma_wait3A_1344] : memref<1000000x64xf32, #tpu.memory_space<hbm>> -> memref<1000000x64xf32, #tpu.memory_space<hbm>>
      tpu.wait_indirect_dma semaphore(%arg10 : memref<!tpu.dma_semaphore, #tpu.memory_space<semaphore_mem>>) src(%dma_wait3A_1345 : memref<1000000x64xf32, #tpu.memory_space<hbm>>) dst(%dma_wait3A_1342 : memref<16x64xf32, #tpu.memory_space<vmem>>)
      %get3A_1346 = arith.index_cast %add3A_1309 : i32 to index
      %get3A_1347 = arith.constant 48 : index
      %get3A_1348 = tpu.vector_load %arg5[%get3A_1346, %get3A_1347] {strides = array<i32>} : memref<200x128xi32, #tpu.memory_space<vmem>>, vector<1x16xi32>,
      %get3A_1349 = vector.shape_cast %get3A_1348 : vector<1x16xi32> to vector<16xi32>
      %dma_wait3A_1350 = arith.constant 3 : i32
      %dma_wait3A_1351 = arith.constant 48 : i32
      %dma_wait3A_1352 = arith.constant 0 : i32
      %dma_wait3A_1353 = tpu.memref_slice %arg6[%dma_wait3A_1350, %dma_wait3A_1351, %dma_wait3A_1352] : memref<4x128x64xf32, #tpu.memory_space<vmem>> -> memref<1x16x64xf32, #tpu.memory_space<vmem>>
      %dma_wait3A_1354 = tpu.memref_squeeze %dma_wait3A_1353 : memref<1x16x64xf32, #tpu.memory_space<vmem>> -> memref<16x64xf32, #tpu.memory_space<vmem>>
      %dma_wait3A_1355 = arith.constant 0 : i32
      %dma_wait3A_1356 = arith.constant 0 : i32
      %dma_wait3A_1357 = tpu.memref_slice %arg3[%dma_wait3A_1355, %dma_wait3A_1356] : memref<1000000x64xf32, #tpu.memory_space<hbm>> -> memref<1000000x64xf32, #tpu.memory_space<hbm>>
      tpu.wait_indirect_dma semaphore(%arg10 : memref<!tpu.dma_semaphore, #tpu.memory_space<semaphore_mem>>) src(%dma_wait3A_1357 : memref<1000000x64xf32, #tpu.memory_space<hbm>>) dst(%dma_wait3A_1354 : memref<16x64xf32, #tpu.memory_space<vmem>>)
      %get3A_1358 = arith.index_cast %add3A_1309 : i32 to index
      %get3A_1359 = arith.constant 64 : index
      %get3A_1360 = tpu.vector_load %arg5[%get3A_1358, %get3A_1359] {strides = array<i32>} : memref<200x128xi32, #tpu.memory_space<vmem>>, vector<1x16xi32>,
      %get3A_1361 = vector.shape_cast %get3A_1360 : vector<1x16xi32> to vector<16xi32>
      %dma_wait3A_1362 = arith.constant 3 : i32
      %dma_wait3A_1363 = arith.constant 64 : i32
      %dma_wait3A_1364 = arith.constant 0 : i32
      %dma_wait3A_1365 = tpu.memref_slice %arg6[%dma_wait3A_1362, %dma_wait3A_1363, %dma_wait3A_1364] : memref<4x128x64xf32, #tpu.memory_space<vmem>> -> memref<1x16x64xf32, #tpu.memory_space<vmem>>
      %dma_wait3A_1366 = tpu.memref_squeeze %dma_wait3A_1365 : memref<1x16x64xf32, #tpu.memory_space<vmem>> -> memref<16x64xf32, #tpu.memory_space<vmem>>
      %dma_wait3A_1367 = arith.constant 0 : i32
      %dma_wait3A_1368 = arith.constant 0 : i32
      %dma_wait3A_1369 = tpu.memref_slice %arg3[%dma_wait3A_1367, %dma_wait3A_1368] : memref<1000000x64xf32, #tpu.memory_space<hbm>> -> memref<1000000x64xf32, #tpu.memory_space<hbm>>
      tpu.wait_indirect_dma semaphore(%arg10 : memref<!tpu.dma_semaphore, #tpu.memory_space<semaphore_mem>>) src(%dma_wait3A_1369 : memref<1000000x64xf32, #tpu.memory_space<hbm>>) dst(%dma_wait3A_1366 : memref<16x64xf32, #tpu.memory_space<vmem>>)
      %get3A_1370 = arith.index_cast %add3A_1309 : i32 to index
      %get3A_1371 = arith.constant 80 : index
      %get3A_1372 = tpu.vector_load %arg5[%get3A_1370, %get3A_1371] {strides = array<i32>} : memref<200x128xi32, #tpu.memory_space<vmem>>, vector<1x16xi32>,
      %get3A_1373 = vector.shape_cast %get3A_1372 : vector<1x16xi32> to vector<16xi32>
      %dma_wait3A_1374 = arith.constant 3 : i32
      %dma_wait3A_1375 = arith.constant 80 : i32
      %dma_wait3A_1376 = arith.constant 0 : i32
      %dma_wait3A_1377 = tpu.memref_slice %arg6[%dma_wait3A_1374, %dma_wait3A_1375, %dma_wait3A_1376] : memref<4x128x64xf32, #tpu.memory_space<vmem>> -> memref<1x16x64xf32, #tpu.memory_space<vmem>>
      %dma_wait3A_1378 = tpu.memref_squeeze %dma_wait3A_1377 : memref<1x16x64xf32, #tpu.memory_space<vmem>> -> memref<16x64xf32, #tpu.memory_space<vmem>>
      %dma_wait3A_1379 = arith.constant 0 : i32
      %dma_wait3A_1380 = arith.constant 0 : i32
      %dma_wait3A_1381 = tpu.memref_slice %arg3[%dma_wait3A_1379, %dma_wait3A_1380] : memref<1000000x64xf32, #tpu.memory_space<hbm>> -> memref<1000000x64xf32, #tpu.memory_space<hbm>>
      tpu.wait_indirect_dma semaphore(%arg10 : memref<!tpu.dma_semaphore, #tpu.memory_space<semaphore_mem>>) src(%dma_wait3A_1381 : memref<1000000x64xf32, #tpu.memory_space<hbm>>) dst(%dma_wait3A_1378 : memref<16x64xf32, #tpu.memory_space<vmem>>)
      %get3A_1382 = arith.index_cast %add3A_1309 : i32 to index
      %get3A_1383 = arith.constant 96 : index
      %get3A_1384 = tpu.vector_load %arg5[%get3A_1382, %get3A_1383] {strides = array<i32>} : memref<200x128xi32, #tpu.memory_space<vmem>>, vector<1x16xi32>,
      %get3A_1385 = vector.shape_cast %get3A_1384 : vector<1x16xi32> to vector<16xi32>
      %dma_wait3A_1386 = arith.constant 3 : i32
      %dma_wait3A_1387 = arith.constant 96 : i32
      %dma_wait3A_1388 = arith.constant 0 : i32
      %dma_wait3A_1389 = tpu.memref_slice %arg6[%dma_wait3A_1386, %dma_wait3A_1387, %dma_wait3A_1388] : memref<4x128x64xf32, #tpu.memory_space<vmem>> -> memref<1x16x64xf32, #tpu.memory_space<vmem>>
      %dma_wait3A_1390 = tpu.memref_squeeze %dma_wait3A_1389 : memref<1x16x64xf32, #tpu.memory_space<vmem>> -> memref<16x64xf32, #tpu.memory_space<vmem>>
      %dma_wait3A_1391 = arith.constant 0 : i32
      %dma_wait3A_1392 = arith.constant 0 : i32
      %dma_wait3A_1393 = tpu.memref_slice %arg3[%dma_wait3A_1391, %dma_wait3A_1392] : memref<1000000x64xf32, #tpu.memory_space<hbm>> -> memref<1000000x64xf32, #tpu.memory_space<hbm>>
      tpu.wait_indirect_dma semaphore(%arg10 : memref<!tpu.dma_semaphore, #tpu.memory_space<semaphore_mem>>) src(%dma_wait3A_1393 : memref<1000000x64xf32, #tpu.memory_space<hbm>>) dst(%dma_wait3A_1390 : memref<16x64xf32, #tpu.memory_space<vmem>>)
      %get3A_1394 = arith.index_cast %add3A_1309 : i32 to index
      %get3A_1395 = arith.constant 112 : index
      %get3A_1396 = tpu.vector_load %arg5[%get3A_1394, %get3A_1395] {strides = array<i32>} : memref<200x128xi32, #tpu.memory_space<vmem>>, vector<1x16xi32>,
      %get3A_1397 = vector.shape_cast %get3A_1396 : vector<1x16xi32> to vector<16xi32>
      %dma_wait3A_1398 = arith.constant 3 : i32
      %dma_wait3A_1399 = arith.constant 112 : i32
      %dma_wait3A_1400 = arith.constant 0 : i32
      %dma_wait3A_1401 = tpu.memref_slice %arg6[%dma_wait3A_1398, %dma_wait3A_1399, %dma_wait3A_1400] : memref<4x128x64xf32, #tpu.memory_space<vmem>> -> memref<1x16x64xf32, #tpu.memory_space<vmem>>
      %dma_wait3A_1402 = tpu.memref_squeeze %dma_wait3A_1401 : memref<1x16x64xf32, #tpu.memory_space<vmem>> -> memref<16x64xf32, #tpu.memory_space<vmem>>
      %dma_wait3A_1403 = arith.constant 0 : i32
      %dma_wait3A_1404 = arith.constant 0 : i32
      %dma_wait3A_1405 = tpu.memref_slice %arg3[%dma_wait3A_1403, %dma_wait3A_1404] : memref<1000000x64xf32, #tpu.memory_space<hbm>> -> memref<1000000x64xf32, #tpu.memory_space<hbm>>
      tpu.wait_indirect_dma semaphore(%arg10 : memref<!tpu.dma_semaphore, #tpu.memory_space<semaphore_mem>>) src(%dma_wait3A_1405 : memref<1000000x64xf32, #tpu.memory_space<hbm>>) dst(%dma_wait3A_1402 : memref<16x64xf32, #tpu.memory_space<vmem>>)
      %mul3A_1406 = arith.constant 128 : i32
      %mul3A_1407 = arith.muli %add3A_1309, %mul3A_1406 : i32
      %add3A_1408 = arith.addi %mul3A_2, %mul3A_1407 : i32
      %dma_start3A_1409 = arith.constant 3 : i32
      %dma_start3A_1410 = arith.constant 0 : i32
      %dma_start3A_1411 = arith.constant 0 : i32
      %dma_start3A_1412 = tpu.memref_slice %arg6[%dma_start3A_1409, %dma_start3A_1410, %dma_start3A_1411] : memref<4x128x64xf32, #tpu.memory_space<vmem>> -> memref<1x128x64xf32, #tpu.memory_space<vmem>>
      %dma_start3A_1413 = tpu.memref_squeeze %dma_start3A_1412 : memref<1x128x64xf32, #tpu.memory_space<vmem>> -> memref<128x64xf32, #tpu.memory_space<vmem>>
      %dma_start3A_1414 = arith.constant 0 : i32
      %dma_start3A_1415 = tpu.memref_slice %arg4[%add3A_1408, %dma_start3A_1414] : memref<819200x64xf32, #tpu.memory_space<hbm>> -> memref<128x64xf32, #tpu.memory_space<hbm>>
      %dma_start3A_1416 = arith.constant 0 : i32
      %dma_start3A_1417 = tpu.memref_slice %arg4[%add3A_1408, %dma_start3A_1416] : memref<819200x64xf32, #tpu.memory_space<hbm>> -> memref<128x64xf32, #tpu.memory_space<hbm>>
      %dma_start3A_1418 = arith.constant 0 : i32
      %dma_start3A_1419 = arith.constant 0 : i32
      %dma_start3A_1420 = tpu.memref_slice %arg6[%dma_start3A_1409, %dma_start3A_1418, %dma_start3A_1419] : memref<4x128x64xf32, #tpu.memory_space<vmem>> -> memref<1x128x64xf32, #tpu.memory_space<vmem>>
      %dma_start3A_1421 = tpu.memref_squeeze %dma_start3A_1420 : memref<1x128x64xf32, #tpu.memory_space<vmem>> -> memref<128x64xf32, #tpu.memory_space<vmem>>
      tpu.enqueue_dma source(%dma_start3A_1421 : memref<128x64xf32, #tpu.memory_space<vmem>>) target(%dma_start3A_1417 : memref<128x64xf32, #tpu.memory_space<hbm>>) target_semaphore(%arg14 : memref<!tpu.dma_semaphore, #tpu.memory_space<semaphore_mem>>)
      %mul3A_1422 = arith.constant 4 : i32
      %mul3A_1423 = arith.muli %scan3A_957, %mul3A_1422 : i32
      %add3A_1424 = arith.constant 0 : i32
      %add3A_1425 = arith.addi %mul3A_1423, %add3A_1424 : i32
      %mul3A_1426 = arith.constant 128 : i32
      %mul3A_1427 = arith.muli %add3A_1425, %mul3A_1426 : i32
      %add3A_1428 = arith.addi %mul3A_2, %mul3A_1427 : i32
      %dma_wait3A_1429 = arith.constant 0 : i32
      %dma_wait3A_1430 = arith.constant 0 : i32
      %dma_wait3A_1431 = arith.constant 0 : i32
      %dma_wait3A_1432 = tpu.memref_slice %arg6[%dma_wait3A_1429, %dma_wait3A_1430, %dma_wait3A_1431] : memref<4x128x64xf32, #tpu.memory_space<vmem>> -> memref<1x128x64xf32, #tpu.memory_space<vmem>>
      %dma_wait3A_1433 = tpu.memref_squeeze %dma_wait3A_1432 : memref<1x128x64xf32, #tpu.memory_space<vmem>> -> memref<128x64xf32, #tpu.memory_space<vmem>>
      %dma_wait3A_1434 = arith.constant 0 : i32
      %dma_wait3A_1435 = tpu.memref_slice %arg4[%add3A_1428, %dma_wait3A_1434] : memref<819200x64xf32, #tpu.memory_space<hbm>> -> memref<128x64xf32, #tpu.memory_space<hbm>>
      %dma_wait3A_1436 = arith.constant 0 : i32
      %dma_wait3A_1437 = tpu.memref_slice %arg4[%add3A_1428, %dma_wait3A_1436] : memref<819200x64xf32, #tpu.memory_space<hbm>> -> memref<128x64xf32, #tpu.memory_space<hbm>>
      %dma_wait3A_1438 = arith.constant 0 : i32
      %dma_wait3A_1439 = arith.constant 0 : i32
      %dma_wait3A_1440 = tpu.memref_slice %arg6[%dma_wait3A_1429, %dma_wait3A_1438, %dma_wait3A_1439] : memref<4x128x64xf32, #tpu.memory_space<vmem>> -> memref<1x128x64xf32, #tpu.memory_space<vmem>>
      %dma_wait3A_1441 = tpu.memref_squeeze %dma_wait3A_1440 : memref<1x128x64xf32, #tpu.memory_space<vmem>> -> memref<128x64xf32, #tpu.memory_space<vmem>>
      tpu.wait_dma2 semaphore(%arg11 : memref<!tpu.dma_semaphore, #tpu.memory_space<semaphore_mem>>) src(%dma_wait3A_1441 : memref<128x64xf32, #tpu.memory_space<vmem>>) dst(%dma_wait3A_1437 : memref<128x64xf32, #tpu.memory_space<hbm>>)
      %add3A_1442 = arith.constant 4 : i32
      %add3A_1443 = arith.addi %add3A_1425, %add3A_1442 : i32
      %get3A_1444 = arith.index_cast %add3A_1443 : i32 to index
      %get3A_1445 = arith.constant 0 : index
      %get3A_1446 = tpu.vector_load %arg5[%get3A_1444, %get3A_1445] {strides = array<i32>} : memref<200x128xi32, #tpu.memory_space<vmem>>, vector<1x16xi32>,
      %get3A_1447 = vector.shape_cast %get3A_1446 : vector<1x16xi32> to vector<16xi32>
      %dma_start3A_1448 = arith.constant 0 : i32
      %dma_start3A_1449 = arith.constant 0 : i32
      %dma_start3A_1450 = arith.constant 0 : i32
      %dma_start3A_1451 = tpu.memref_slice %arg6[%dma_start3A_1448, %dma_start3A_1449, %dma_start3A_1450] : memref<4x128x64xf32, #tpu.memory_space<vmem>> -> memref<1x16x64xf32, #tpu.memory_space<vmem>>
      %dma_start3A_1452 = tpu.memref_squeeze %dma_start3A_1451 : memref<1x16x64xf32, #tpu.memory_space<vmem>> -> memref<16x64xf32, #tpu.memory_space<vmem>>
      %dma_start3A_1453 = arith.constant 0 : i32
      %dma_start3A_1454 = arith.constant 0 : i32
      %dma_start3A_1455 = tpu.memref_slice %arg3[%dma_start3A_1453, %dma_start3A_1454] : memref<1000000x64xf32, #tpu.memory_space<hbm>> -> memref<1000000x64xf32, #tpu.memory_space<hbm>>
      tpu.enqueue_indirect_dma source(%dma_start3A_1455 : memref<1000000x64xf32, #tpu.memory_space<hbm>>) target(%dma_start3A_1452 : memref<16x64xf32, #tpu.memory_space<vmem>>) offsets(%get3A_1447 : vector<16xi32>) semaphore(%arg7 : memref<!tpu.dma_semaphore, #tpu.memory_space<semaphore_mem>>)
      %get3A_1456 = arith.index_cast %add3A_1443 : i32 to index
      %get3A_1457 = arith.constant 16 : index
      %get3A_1458 = tpu.vector_load %arg5[%get3A_1456, %get3A_1457] {strides = array<i32>} : memref<200x128xi32, #tpu.memory_space<vmem>>, vector<1x16xi32>,
      %get3A_1459 = vector.shape_cast %get3A_1458 : vector<1x16xi32> to vector<16xi32>
      %dma_start3A_1460 = arith.constant 0 : i32
      %dma_start3A_1461 = arith.constant 16 : i32
      %dma_start3A_1462 = arith.constant 0 : i32
      %dma_start3A_1463 = tpu.memref_slice %arg6[%dma_start3A_1460, %dma_start3A_1461, %dma_start3A_1462] : memref<4x128x64xf32, #tpu.memory_space<vmem>> -> memref<1x16x64xf32, #tpu.memory_space<vmem>>
      %dma_start3A_1464 = tpu.memref_squeeze %dma_start3A_1463 : memref<1x16x64xf32, #tpu.memory_space<vmem>> -> memref<16x64xf32, #tpu.memory_space<vmem>>
      %dma_start3A_1465 = arith.constant 0 : i32
      %dma_start3A_1466 = arith.constant 0 : i32
      %dma_start3A_1467 = tpu.memref_slice %arg3[%dma_start3A_1465, %dma_start3A_1466] : memref<1000000x64xf32, #tpu.memory_space<hbm>> -> memref<1000000x64xf32, #tpu.memory_space<hbm>>
      tpu.enqueue_indirect_dma source(%dma_start3A_1467 : memref<1000000x64xf32, #tpu.memory_space<hbm>>) target(%dma_start3A_1464 : memref<16x64xf32, #tpu.memory_space<vmem>>) offsets(%get3A_1459 : vector<16xi32>) semaphore(%arg7 : memref<!tpu.dma_semaphore, #tpu.memory_space<semaphore_mem>>)
      %get3A_1468 = arith.index_cast %add3A_1443 : i32 to index
      %get3A_1469 = arith.constant 32 : index
      %get3A_1470 = tpu.vector_load %arg5[%get3A_1468, %get3A_1469] {strides = array<i32>} : memref<200x128xi32, #tpu.memory_space<vmem>>, vector<1x16xi32>,
      %get3A_1471 = vector.shape_cast %get3A_1470 : vector<1x16xi32> to vector<16xi32>
      %dma_start3A_1472 = arith.constant 0 : i32
      %dma_start3A_1473 = arith.constant 32 : i32
      %dma_start3A_1474 = arith.constant 0 : i32
      %dma_start3A_1475 = tpu.memref_slice %arg6[%dma_start3A_1472, %dma_start3A_1473, %dma_start3A_1474] : memref<4x128x64xf32, #tpu.memory_space<vmem>> -> memref<1x16x64xf32, #tpu.memory_space<vmem>>
      %dma_start3A_1476 = tpu.memref_squeeze %dma_start3A_1475 : memref<1x16x64xf32, #tpu.memory_space<vmem>> -> memref<16x64xf32, #tpu.memory_space<vmem>>
      %dma_start3A_1477 = arith.constant 0 : i32
      %dma_start3A_1478 = arith.constant 0 : i32
      %dma_start3A_1479 = tpu.memref_slice %arg3[%dma_start3A_1477, %dma_start3A_1478] : memref<1000000x64xf32, #tpu.memory_space<hbm>> -> memref<1000000x64xf32, #tpu.memory_space<hbm>>
      tpu.enqueue_indirect_dma source(%dma_start3A_1479 : memref<1000000x64xf32, #tpu.memory_space<hbm>>) target(%dma_start3A_1476 : memref<16x64xf32, #tpu.memory_space<vmem>>) offsets(%get3A_1471 : vector<16xi32>) semaphore(%arg7 : memref<!tpu.dma_semaphore, #tpu.memory_space<semaphore_mem>>)
      %get3A_1480 = arith.index_cast %add3A_1443 : i32 to index
      %get3A_1481 = arith.constant 48 : index
      %get3A_1482 = tpu.vector_load %arg5[%get3A_1480, %get3A_1481] {strides = array<i32>} : memref<200x128xi32, #tpu.memory_space<vmem>>, vector<1x16xi32>,
      %get3A_1483 = vector.shape_cast %get3A_1482 : vector<1x16xi32> to vector<16xi32>
      %dma_start3A_1484 = arith.constant 0 : i32
      %dma_start3A_1485 = arith.constant 48 : i32
      %dma_start3A_1486 = arith.constant 0 : i32
      %dma_start3A_1487 = tpu.memref_slice %arg6[%dma_start3A_1484, %dma_start3A_1485, %dma_start3A_1486] : memref<4x128x64xf32, #tpu.memory_space<vmem>> -> memref<1x16x64xf32, #tpu.memory_space<vmem>>
      %dma_start3A_1488 = tpu.memref_squeeze %dma_start3A_1487 : memref<1x16x64xf32, #tpu.memory_space<vmem>> -> memref<16x64xf32, #tpu.memory_space<vmem>>
      %dma_start3A_1489 = arith.constant 0 : i32
      %dma_start3A_1490 = arith.constant 0 : i32
      %dma_start3A_1491 = tpu.memref_slice %arg3[%dma_start3A_1489, %dma_start3A_1490] : memref<1000000x64xf32, #tpu.memory_space<hbm>> -> memref<1000000x64xf32, #tpu.memory_space<hbm>>
      tpu.enqueue_indirect_dma source(%dma_start3A_1491 : memref<1000000x64xf32, #tpu.memory_space<hbm>>) target(%dma_start3A_1488 : memref<16x64xf32, #tpu.memory_space<vmem>>) offsets(%get3A_1483 : vector<16xi32>) semaphore(%arg7 : memref<!tpu.dma_semaphore, #tpu.memory_space<semaphore_mem>>)
      %get3A_1492 = arith.index_cast %add3A_1443 : i32 to index
      %get3A_1493 = arith.constant 64 : index
      %get3A_1494 = tpu.vector_load %arg5[%get3A_1492, %get3A_1493] {strides = array<i32>} : memref<200x128xi32, #tpu.memory_space<vmem>>, vector<1x16xi32>,
      %get3A_1495 = vector.shape_cast %get3A_1494 : vector<1x16xi32> to vector<16xi32>
      %dma_start3A_1496 = arith.constant 0 : i32
      %dma_start3A_1497 = arith.constant 64 : i32
      %dma_start3A_1498 = arith.constant 0 : i32
      %dma_start3A_1499 = tpu.memref_slice %arg6[%dma_start3A_1496, %dma_start3A_1497, %dma_start3A_1498] : memref<4x128x64xf32, #tpu.memory_space<vmem>> -> memref<1x16x64xf32, #tpu.memory_space<vmem>>
      %dma_start3A_1500 = tpu.memref_squeeze %dma_start3A_1499 : memref<1x16x64xf32, #tpu.memory_space<vmem>> -> memref<16x64xf32, #tpu.memory_space<vmem>>
      %dma_start3A_1501 = arith.constant 0 : i32
      %dma_start3A_1502 = arith.constant 0 : i32
      %dma_start3A_1503 = tpu.memref_slice %arg3[%dma_start3A_1501, %dma_start3A_1502] : memref<1000000x64xf32, #tpu.memory_space<hbm>> -> memref<1000000x64xf32, #tpu.memory_space<hbm>>
      tpu.enqueue_indirect_dma source(%dma_start3A_1503 : memref<1000000x64xf32, #tpu.memory_space<hbm>>) target(%dma_start3A_1500 : memref<16x64xf32, #tpu.memory_space<vmem>>) offsets(%get3A_1495 : vector<16xi32>) semaphore(%arg7 : memref<!tpu.dma_semaphore, #tpu.memory_space<semaphore_mem>>)
      %get3A_1504 = arith.index_cast %add3A_1443 : i32 to index
      %get3A_1505 = arith.constant 80 : index
      %get3A_1506 = tpu.vector_load %arg5[%get3A_1504, %get3A_1505] {strides = array<i32>} : memref<200x128xi32, #tpu.memory_space<vmem>>, vector<1x16xi32>,
      %get3A_1507 = vector.shape_cast %get3A_1506 : vector<1x16xi32> to vector<16xi32>
      %dma_start3A_1508 = arith.constant 0 : i32
      %dma_start3A_1509 = arith.constant 80 : i32
      %dma_start3A_1510 = arith.constant 0 : i32
      %dma_start3A_1511 = tpu.memref_slice %arg6[%dma_start3A_1508, %dma_start3A_1509, %dma_start3A_1510] : memref<4x128x64xf32, #tpu.memory_space<vmem>> -> memref<1x16x64xf32, #tpu.memory_space<vmem>>
      %dma_start3A_1512 = tpu.memref_squeeze %dma_start3A_1511 : memref<1x16x64xf32, #tpu.memory_space<vmem>> -> memref<16x64xf32, #tpu.memory_space<vmem>>
      %dma_start3A_1513 = arith.constant 0 : i32
      %dma_start3A_1514 = arith.constant 0 : i32
      %dma_start3A_1515 = tpu.memref_slice %arg3[%dma_start3A_1513, %dma_start3A_1514] : memref<1000000x64xf32, #tpu.memory_space<hbm>> -> memref<1000000x64xf32, #tpu.memory_space<hbm>>
      tpu.enqueue_indirect_dma source(%dma_start3A_1515 : memref<1000000x64xf32, #tpu.memory_space<hbm>>) target(%dma_start3A_1512 : memref<16x64xf32, #tpu.memory_space<vmem>>) offsets(%get3A_1507 : vector<16xi32>) semaphore(%arg7 : memref<!tpu.dma_semaphore, #tpu.memory_space<semaphore_mem>>)
      %get3A_1516 = arith.index_cast %add3A_1443 : i32 to index
      %get3A_1517 = arith.constant 96 : index
      %get3A_1518 = tpu.vector_load %arg5[%get3A_1516, %get3A_1517] {strides = array<i32>} : memref<200x128xi32, #tpu.memory_space<vmem>>, vector<1x16xi32>,
      %get3A_1519 = vector.shape_cast %get3A_1518 : vector<1x16xi32> to vector<16xi32>
      %dma_start3A_1520 = arith.constant 0 : i32
      %dma_start3A_1521 = arith.constant 96 : i32
      %dma_start3A_1522 = arith.constant 0 : i32
      %dma_start3A_1523 = tpu.memref_slice %arg6[%dma_start3A_1520, %dma_start3A_1521, %dma_start3A_1522] : memref<4x128x64xf32, #tpu.memory_space<vmem>> -> memref<1x16x64xf32, #tpu.memory_space<vmem>>
      %dma_start3A_1524 = tpu.memref_squeeze %dma_start3A_1523 : memref<1x16x64xf32, #tpu.memory_space<vmem>> -> memref<16x64xf32, #tpu.memory_space<vmem>>
      %dma_start3A_1525 = arith.constant 0 : i32
      %dma_start3A_1526 = arith.constant 0 : i32
      %dma_start3A_1527 = tpu.memref_slice %arg3[%dma_start3A_1525, %dma_start3A_1526] : memref<1000000x64xf32, #tpu.memory_space<hbm>> -> memref<1000000x64xf32, #tpu.memory_space<hbm>>
      tpu.enqueue_indirect_dma source(%dma_start3A_1527 : memref<1000000x64xf32, #tpu.memory_space<hbm>>) target(%dma_start3A_1524 : memref<16x64xf32, #tpu.memory_space<vmem>>) offsets(%get3A_1519 : vector<16xi32>) semaphore(%arg7 : memref<!tpu.dma_semaphore, #tpu.memory_space<semaphore_mem>>)
      %get3A_1528 = arith.index_cast %add3A_1443 : i32 to index
      %get3A_1529 = arith.constant 112 : index
      %get3A_1530 = tpu.vector_load %arg5[%get3A_1528, %get3A_1529] {strides = array<i32>} : memref<200x128xi32, #tpu.memory_space<vmem>>, vector<1x16xi32>,
      %get3A_1531 = vector.shape_cast %get3A_1530 : vector<1x16xi32> to vector<16xi32>
      %dma_start3A_1532 = arith.constant 0 : i32
      %dma_start3A_1533 = arith.constant 112 : i32
      %dma_start3A_1534 = arith.constant 0 : i32
      %dma_start3A_1535 = tpu.memref_slice %arg6[%dma_start3A_1532, %dma_start3A_1533, %dma_start3A_1534] : memref<4x128x64xf32, #tpu.memory_space<vmem>> -> memref<1x16x64xf32, #tpu.memory_space<vmem>>
      %dma_start3A_1536 = tpu.memref_squeeze %dma_start3A_1535 : memref<1x16x64xf32, #tpu.memory_space<vmem>> -> memref<16x64xf32, #tpu.memory_space<vmem>>
      %dma_start3A_1537 = arith.constant 0 : i32
      %dma_start3A_1538 = arith.constant 0 : i32
      %dma_start3A_1539 = tpu.memref_slice %arg3[%dma_start3A_1537, %dma_start3A_1538] : memref<1000000x64xf32, #tpu.memory_space<hbm>> -> memref<1000000x64xf32, #tpu.memory_space<hbm>>
      tpu.enqueue_indirect_dma source(%dma_start3A_1539 : memref<1000000x64xf32, #tpu.memory_space<hbm>>) target(%dma_start3A_1536 : memref<16x64xf32, #tpu.memory_space<vmem>>) offsets(%get3A_1531 : vector<16xi32>) semaphore(%arg7 : memref<!tpu.dma_semaphore, #tpu.memory_space<semaphore_mem>>)
      %mul3A_1540 = arith.constant 4 : i32
      %mul3A_1541 = arith.muli %scan3A_957, %mul3A_1540 : i32
      %add3A_1542 = arith.constant 1 : i32
      %add3A_1543 = arith.addi %mul3A_1541, %add3A_1542 : i32
      %mul3A_1544 = arith.constant 128 : i32
      %mul3A_1545 = arith.muli %add3A_1543, %mul3A_1544 : i32
      %add3A_1546 = arith.addi %mul3A_2, %mul3A_1545 : i32
      %dma_wait3A_1547 = arith.constant 1 : i32
      %dma_wait3A_1548 = arith.constant 0 : i32
      %dma_wait3A_1549 = arith.constant 0 : i32
      %dma_wait3A_1550 = tpu.memref_slice %arg6[%dma_wait3A_1547, %dma_wait3A_1548, %dma_wait3A_1549] : memref<4x128x64xf32, #tpu.memory_space<vmem>> -> memref<1x128x64xf32, #tpu.memory_space<vmem>>
      %dma_wait3A_1551 = tpu.memref_squeeze %dma_wait3A_1550 : memref<1x128x64xf32, #tpu.memory_space<vmem>> -> memref<128x64xf32, #tpu.memory_space<vmem>>
      %dma_wait3A_1552 = arith.constant 0 : i32
      %dma_wait3A_1553 = tpu.memref_slice %arg4[%add3A_1546, %dma_wait3A_1552] : memref<819200x64xf32, #tpu.memory_space<hbm>> -> memref<128x64xf32, #tpu.memory_space<hbm>>
      %dma_wait3A_1554 = arith.constant 0 : i32
      %dma_wait3A_1555 = tpu.memref_slice %arg4[%add3A_1546, %dma_wait3A_1554] : memref<819200x64xf32, #tpu.memory_space<hbm>> -> memref<128x64xf32, #tpu.memory_space<hbm>>
      %dma_wait3A_1556 = arith.constant 0 : i32
      %dma_wait3A_1557 = arith.constant 0 : i32
      %dma_wait3A_1558 = tpu.memref_slice %arg6[%dma_wait3A_1547, %dma_wait3A_1556, %dma_wait3A_1557] : memref<4x128x64xf32, #tpu.memory_space<vmem>> -> memref<1x128x64xf32, #tpu.memory_space<vmem>>
      %dma_wait3A_1559 = tpu.memref_squeeze %dma_wait3A_1558 : memref<1x128x64xf32, #tpu.memory_space<vmem>> -> memref<128x64xf32, #tpu.memory_space<vmem>>
      tpu.wait_dma2 semaphore(%arg12 : memref<!tpu.dma_semaphore, #tpu.memory_space<semaphore_mem>>) src(%dma_wait3A_1559 : memref<128x64xf32, #tpu.memory_space<vmem>>) dst(%dma_wait3A_1555 : memref<128x64xf32, #tpu.memory_space<hbm>>)
      %add3A_1560 = arith.constant 4 : i32
      %add3A_1561 = arith.addi %add3A_1543, %add3A_1560 : i32
      %get3A_1562 = arith.index_cast %add3A_1561 : i32 to index
      %get3A_1563 = arith.constant 0 : index
      %get3A_1564 = tpu.vector_load %arg5[%get3A_1562, %get3A_1563] {strides = array<i32>} : memref<200x128xi32, #tpu.memory_space<vmem>>, vector<1x16xi32>,
      %get3A_1565 = vector.shape_cast %get3A_1564 : vector<1x16xi32> to vector<16xi32>
      %dma_start3A_1566 = arith.constant 1 : i32
      %dma_start3A_1567 = arith.constant 0 : i32
      %dma_start3A_1568 = arith.constant 0 : i32
      %dma_start3A_1569 = tpu.memref_slice %arg6[%dma_start3A_1566, %dma_start3A_1567, %dma_start3A_1568] : memref<4x128x64xf32, #tpu.memory_space<vmem>> -> memref<1x16x64xf32, #tpu.memory_space<vmem>>
      %dma_start3A_1570 = tpu.memref_squeeze %dma_start3A_1569 : memref<1x16x64xf32, #tpu.memory_space<vmem>> -> memref<16x64xf32, #tpu.memory_space<vmem>>
      %dma_start3A_1571 = arith.constant 0 : i32
      %dma_start3A_1572 = arith.constant 0 : i32
      %dma_start3A_1573 = tpu.memref_slice %arg3[%dma_start3A_1571, %dma_start3A_1572] : memref<1000000x64xf32, #tpu.memory_space<hbm>> -> memref<1000000x64xf32, #tpu.memory_space<hbm>>
      tpu.enqueue_indirect_dma source(%dma_start3A_1573 : memref<1000000x64xf32, #tpu.memory_space<hbm>>) target(%dma_start3A_1570 : memref<16x64xf32, #tpu.memory_space<vmem>>) offsets(%get3A_1565 : vector<16xi32>) semaphore(%arg8 : memref<!tpu.dma_semaphore, #tpu.memory_space<semaphore_mem>>)
      %get3A_1574 = arith.index_cast %add3A_1561 : i32 to index
      %get3A_1575 = arith.constant 16 : index
      %get3A_1576 = tpu.vector_load %arg5[%get3A_1574, %get3A_1575] {strides = array<i32>} : memref<200x128xi32, #tpu.memory_space<vmem>>, vector<1x16xi32>,
      %get3A_1577 = vector.shape_cast %get3A_1576 : vector<1x16xi32> to vector<16xi32>
      %dma_start3A_1578 = arith.constant 1 : i32
      %dma_start3A_1579 = arith.constant 16 : i32
      %dma_start3A_1580 = arith.constant 0 : i32
      %dma_start3A_1581 = tpu.memref_slice %arg6[%dma_start3A_1578, %dma_start3A_1579, %dma_start3A_1580] : memref<4x128x64xf32, #tpu.memory_space<vmem>> -> memref<1x16x64xf32, #tpu.memory_space<vmem>>
      %dma_start3A_1582 = tpu.memref_squeeze %dma_start3A_1581 : memref<1x16x64xf32, #tpu.memory_space<vmem>> -> memref<16x64xf32, #tpu.memory_space<vmem>>
      %dma_start3A_1583 = arith.constant 0 : i32
      %dma_start3A_1584 = arith.constant 0 : i32
      %dma_start3A_1585 = tpu.memref_slice %arg3[%dma_start3A_1583, %dma_start3A_1584] : memref<1000000x64xf32, #tpu.memory_space<hbm>> -> memref<1000000x64xf32, #tpu.memory_space<hbm>>
      tpu.enqueue_indirect_dma source(%dma_start3A_1585 : memref<1000000x64xf32, #tpu.memory_space<hbm>>) target(%dma_start3A_1582 : memref<16x64xf32, #tpu.memory_space<vmem>>) offsets(%get3A_1577 : vector<16xi32>) semaphore(%arg8 : memref<!tpu.dma_semaphore, #tpu.memory_space<semaphore_mem>>)
      %get3A_1586 = arith.index_cast %add3A_1561 : i32 to index
      %get3A_1587 = arith.constant 32 : index
      %get3A_1588 = tpu.vector_load %arg5[%get3A_1586, %get3A_1587] {strides = array<i32>} : memref<200x128xi32, #tpu.memory_space<vmem>>, vector<1x16xi32>,
      %get3A_1589 = vector.shape_cast %get3A_1588 : vector<1x16xi32> to vector<16xi32>
      %dma_start3A_1590 = arith.constant 1 : i32
      %dma_start3A_1591 = arith.constant 32 : i32
      %dma_start3A_1592 = arith.constant 0 : i32
      %dma_start3A_1593 = tpu.memref_slice %arg6[%dma_start3A_1590, %dma_start3A_1591, %dma_start3A_1592] : memref<4x128x64xf32, #tpu.memory_space<vmem>> -> memref<1x16x64xf32, #tpu.memory_space<vmem>>
      %dma_start3A_1594 = tpu.memref_squeeze %dma_start3A_1593 : memref<1x16x64xf32, #tpu.memory_space<vmem>> -> memref<16x64xf32, #tpu.memory_space<vmem>>
      %dma_start3A_1595 = arith.constant 0 : i32
      %dma_start3A_1596 = arith.constant 0 : i32
      %dma_start3A_1597 = tpu.memref_slice %arg3[%dma_start3A_1595, %dma_start3A_1596] : memref<1000000x64xf32, #tpu.memory_space<hbm>> -> memref<1000000x64xf32, #tpu.memory_space<hbm>>
      tpu.enqueue_indirect_dma source(%dma_start3A_1597 : memref<1000000x64xf32, #tpu.memory_space<hbm>>) target(%dma_start3A_1594 : memref<16x64xf32, #tpu.memory_space<vmem>>) offsets(%get3A_1589 : vector<16xi32>) semaphore(%arg8 : memref<!tpu.dma_semaphore, #tpu.memory_space<semaphore_mem>>)
      %get3A_1598 = arith.index_cast %add3A_1561 : i32 to index
      %get3A_1599 = arith.constant 48 : index
      %get3A_1600 = tpu.vector_load %arg5[%get3A_1598, %get3A_1599] {strides = array<i32>} : memref<200x128xi32, #tpu.memory_space<vmem>>, vector<1x16xi32>,
      %get3A_1601 = vector.shape_cast %get3A_1600 : vector<1x16xi32> to vector<16xi32>
      %dma_start3A_1602 = arith.constant 1 : i32
      %dma_start3A_1603 = arith.constant 48 : i32
      %dma_start3A_1604 = arith.constant 0 : i32
      %dma_start3A_1605 = tpu.memref_slice %arg6[%dma_start3A_1602, %dma_start3A_1603, %dma_start3A_1604] : memref<4x128x64xf32, #tpu.memory_space<vmem>> -> memref<1x16x64xf32, #tpu.memory_space<vmem>>
      %dma_start3A_1606 = tpu.memref_squeeze %dma_start3A_1605 : memref<1x16x64xf32, #tpu.memory_space<vmem>> -> memref<16x64xf32, #tpu.memory_space<vmem>>
      %dma_start3A_1607 = arith.constant 0 : i32
      %dma_start3A_1608 = arith.constant 0 : i32
      %dma_start3A_1609 = tpu.memref_slice %arg3[%dma_start3A_1607, %dma_start3A_1608] : memref<1000000x64xf32, #tpu.memory_space<hbm>> -> memref<1000000x64xf32, #tpu.memory_space<hbm>>
      tpu.enqueue_indirect_dma source(%dma_start3A_1609 : memref<1000000x64xf32, #tpu.memory_space<hbm>>) target(%dma_start3A_1606 : memref<16x64xf32, #tpu.memory_space<vmem>>) offsets(%get3A_1601 : vector<16xi32>) semaphore(%arg8 : memref<!tpu.dma_semaphore, #tpu.memory_space<semaphore_mem>>)
      %get3A_1610 = arith.index_cast %add3A_1561 : i32 to index
      %get3A_1611 = arith.constant 64 : index
      %get3A_1612 = tpu.vector_load %arg5[%get3A_1610, %get3A_1611] {strides = array<i32>} : memref<200x128xi32, #tpu.memory_space<vmem>>, vector<1x16xi32>,
      %get3A_1613 = vector.shape_cast %get3A_1612 : vector<1x16xi32> to vector<16xi32>
      %dma_start3A_1614 = arith.constant 1 : i32
      %dma_start3A_1615 = arith.constant 64 : i32
      %dma_start3A_1616 = arith.constant 0 : i32
      %dma_start3A_1617 = tpu.memref_slice %arg6[%dma_start3A_1614, %dma_start3A_1615, %dma_start3A_1616] : memref<4x128x64xf32, #tpu.memory_space<vmem>> -> memref<1x16x64xf32, #tpu.memory_space<vmem>>
      %dma_start3A_1618 = tpu.memref_squeeze %dma_start3A_1617 : memref<1x16x64xf32, #tpu.memory_space<vmem>> -> memref<16x64xf32, #tpu.memory_space<vmem>>
      %dma_start3A_1619 = arith.constant 0 : i32
      %dma_start3A_1620 = arith.constant 0 : i32
      %dma_start3A_1621 = tpu.memref_slice %arg3[%dma_start3A_1619, %dma_start3A_1620] : memref<1000000x64xf32, #tpu.memory_space<hbm>> -> memref<1000000x64xf32, #tpu.memory_space<hbm>>
      tpu.enqueue_indirect_dma source(%dma_start3A_1621 : memref<1000000x64xf32, #tpu.memory_space<hbm>>) target(%dma_start3A_1618 : memref<16x64xf32, #tpu.memory_space<vmem>>) offsets(%get3A_1613 : vector<16xi32>) semaphore(%arg8 : memref<!tpu.dma_semaphore, #tpu.memory_space<semaphore_mem>>)
      %get3A_1622 = arith.index_cast %add3A_1561 : i32 to index
      %get3A_1623 = arith.constant 80 : index
      %get3A_1624 = tpu.vector_load %arg5[%get3A_1622, %get3A_1623] {strides = array<i32>} : memref<200x128xi32, #tpu.memory_space<vmem>>, vector<1x16xi32>,
      %get3A_1625 = vector.shape_cast %get3A_1624 : vector<1x16xi32> to vector<16xi32>
      %dma_start3A_1626 = arith.constant 1 : i32
      %dma_start3A_1627 = arith.constant 80 : i32
      %dma_start3A_1628 = arith.constant 0 : i32
      %dma_start3A_1629 = tpu.memref_slice %arg6[%dma_start3A_1626, %dma_start3A_1627, %dma_start3A_1628] : memref<4x128x64xf32, #tpu.memory_space<vmem>> -> memref<1x16x64xf32, #tpu.memory_space<vmem>>
      %dma_start3A_1630 = tpu.memref_squeeze %dma_start3A_1629 : memref<1x16x64xf32, #tpu.memory_space<vmem>> -> memref<16x64xf32, #tpu.memory_space<vmem>>
      %dma_start3A_1631 = arith.constant 0 : i32
      %dma_start3A_1632 = arith.constant 0 : i32
      %dma_start3A_1633 = tpu.memref_slice %arg3[%dma_start3A_1631, %dma_start3A_1632] : memref<1000000x64xf32, #tpu.memory_space<hbm>> -> memref<1000000x64xf32, #tpu.memory_space<hbm>>
      tpu.enqueue_indirect_dma source(%dma_start3A_1633 : memref<1000000x64xf32, #tpu.memory_space<hbm>>) target(%dma_start3A_1630 : memref<16x64xf32, #tpu.memory_space<vmem>>) offsets(%get3A_1625 : vector<16xi32>) semaphore(%arg8 : memref<!tpu.dma_semaphore, #tpu.memory_space<semaphore_mem>>)
      %get3A_1634 = arith.index_cast %add3A_1561 : i32 to index
      %get3A_1635 = arith.constant 96 : index
      %get3A_1636 = tpu.vector_load %arg5[%get3A_1634, %get3A_1635] {strides = array<i32>} : memref<200x128xi32, #tpu.memory_space<vmem>>, vector<1x16xi32>,
      %get3A_1637 = vector.shape_cast %get3A_1636 : vector<1x16xi32> to vector<16xi32>
      %dma_start3A_1638 = arith.constant 1 : i32
      %dma_start3A_1639 = arith.constant 96 : i32
      %dma_start3A_1640 = arith.constant 0 : i32
      %dma_start3A_1641 = tpu.memref_slice %arg6[%dma_start3A_1638, %dma_start3A_1639, %dma_start3A_1640] : memref<4x128x64xf32, #tpu.memory_space<vmem>> -> memref<1x16x64xf32, #tpu.memory_space<vmem>>
      %dma_start3A_1642 = tpu.memref_squeeze %dma_start3A_1641 : memref<1x16x64xf32, #tpu.memory_space<vmem>> -> memref<16x64xf32, #tpu.memory_space<vmem>>
      %dma_start3A_1643 = arith.constant 0 : i32
      %dma_start3A_1644 = arith.constant 0 : i32
      %dma_start3A_1645 = tpu.memref_slice %arg3[%dma_start3A_1643, %dma_start3A_1644] : memref<1000000x64xf32, #tpu.memory_space<hbm>> -> memref<1000000x64xf32, #tpu.memory_space<hbm>>
      tpu.enqueue_indirect_dma source(%dma_start3A_1645 : memref<1000000x64xf32, #tpu.memory_space<hbm>>) target(%dma_start3A_1642 : memref<16x64xf32, #tpu.memory_space<vmem>>) offsets(%get3A_1637 : vector<16xi32>) semaphore(%arg8 : memref<!tpu.dma_semaphore, #tpu.memory_space<semaphore_mem>>)
      %get3A_1646 = arith.index_cast %add3A_1561 : i32 to index
      %get3A_1647 = arith.constant 112 : index
      %get3A_1648 = tpu.vector_load %arg5[%get3A_1646, %get3A_1647] {strides = array<i32>} : memref<200x128xi32, #tpu.memory_space<vmem>>, vector<1x16xi32>,
      %get3A_1649 = vector.shape_cast %get3A_1648 : vector<1x16xi32> to vector<16xi32>
      %dma_start3A_1650 = arith.constant 1 : i32
      %dma_start3A_1651 = arith.constant 112 : i32
      %dma_start3A_1652 = arith.constant 0 : i32
      %dma_start3A_1653 = tpu.memref_slice %arg6[%dma_start3A_1650, %dma_start3A_1651, %dma_start3A_1652] : memref<4x128x64xf32, #tpu.memory_space<vmem>> -> memref<1x16x64xf32, #tpu.memory_space<vmem>>
      %dma_start3A_1654 = tpu.memref_squeeze %dma_start3A_1653 : memref<1x16x64xf32, #tpu.memory_space<vmem>> -> memref<16x64xf32, #tpu.memory_space<vmem>>
      %dma_start3A_1655 = arith.constant 0 : i32
      %dma_start3A_1656 = arith.constant 0 : i32
      %dma_start3A_1657 = tpu.memref_slice %arg3[%dma_start3A_1655, %dma_start3A_1656] : memref<1000000x64xf32, #tpu.memory_space<hbm>> -> memref<1000000x64xf32, #tpu.memory_space<hbm>>
      tpu.enqueue_indirect_dma source(%dma_start3A_1657 : memref<1000000x64xf32, #tpu.memory_space<hbm>>) target(%dma_start3A_1654 : memref<16x64xf32, #tpu.memory_space<vmem>>) offsets(%get3A_1649 : vector<16xi32>) semaphore(%arg8 : memref<!tpu.dma_semaphore, #tpu.memory_space<semaphore_mem>>)
      %mul3A_1658 = arith.constant 4 : i32
      %mul3A_1659 = arith.muli %scan3A_957, %mul3A_1658 : i32
      %add3A_1660 = arith.constant 2 : i32
      %add3A_1661 = arith.addi %mul3A_1659, %add3A_1660 : i32
      %mul3A_1662 = arith.constant 128 : i32
      %mul3A_1663 = arith.muli %add3A_1661, %mul3A_1662 : i32
      %add3A_1664 = arith.addi %mul3A_2, %mul3A_1663 : i32
      %dma_wait3A_1665 = arith.constant 2 : i32
      %dma_wait3A_1666 = arith.constant 0 : i32
      %dma_wait3A_1667 = arith.constant 0 : i32
      %dma_wait3A_1668 = tpu.memref_slice %arg6[%dma_wait3A_1665, %dma_wait3A_1666, %dma_wait3A_1667] : memref<4x128x64xf32, #tpu.memory_space<vmem>> -> memref<1x128x64xf32, #tpu.memory_space<vmem>>
      %dma_wait3A_1669 = tpu.memref_squeeze %dma_wait3A_1668 : memref<1x128x64xf32, #tpu.memory_space<vmem>> -> memref<128x64xf32, #tpu.memory_space<vmem>>
      %dma_wait3A_1670 = arith.constant 0 : i32
      %dma_wait3A_1671 = tpu.memref_slice %arg4[%add3A_1664, %dma_wait3A_1670] : memref<819200x64xf32, #tpu.memory_space<hbm>> -> memref<128x64xf32, #tpu.memory_space<hbm>>
      %dma_wait3A_1672 = arith.constant 0 : i32
      %dma_wait3A_1673 = tpu.memref_slice %arg4[%add3A_1664, %dma_wait3A_1672] : memref<819200x64xf32, #tpu.memory_space<hbm>> -> memref<128x64xf32, #tpu.memory_space<hbm>>
      %dma_wait3A_1674 = arith.constant 0 : i32
      %dma_wait3A_1675 = arith.constant 0 : i32
      %dma_wait3A_1676 = tpu.memref_slice %arg6[%dma_wait3A_1665, %dma_wait3A_1674, %dma_wait3A_1675] : memref<4x128x64xf32, #tpu.memory_space<vmem>> -> memref<1x128x64xf32, #tpu.memory_space<vmem>>
      %dma_wait3A_1677 = tpu.memref_squeeze %dma_wait3A_1676 : memref<1x128x64xf32, #tpu.memory_space<vmem>> -> memref<128x64xf32, #tpu.memory_space<vmem>>
      tpu.wait_dma2 semaphore(%arg13 : memref<!tpu.dma_semaphore, #tpu.memory_space<semaphore_mem>>) src(%dma_wait3A_1677 : memref<128x64xf32, #tpu.memory_space<vmem>>) dst(%dma_wait3A_1673 : memref<128x64xf32, #tpu.memory_space<hbm>>)
      %add3A_1678 = arith.constant 4 : i32
      %add3A_1679 = arith.addi %add3A_1661, %add3A_1678 : i32
      %get3A_1680 = arith.index_cast %add3A_1679 : i32 to index
      %get3A_1681 = arith.constant 0 : index
      %get3A_1682 = tpu.vector_load %arg5[%get3A_1680, %get3A_1681] {strides = array<i32>} : memref<200x128xi32, #tpu.memory_space<vmem>>, vector<1x16xi32>,
      %get3A_1683 = vector.shape_cast %get3A_1682 : vector<1x16xi32> to vector<16xi32>
      %dma_start3A_1684 = arith.constant 2 : i32
      %dma_start3A_1685 = arith.constant 0 : i32
      %dma_start3A_1686 = arith.constant 0 : i32
      %dma_start3A_1687 = tpu.memref_slice %arg6[%dma_start3A_1684, %dma_start3A_1685, %dma_start3A_1686] : memref<4x128x64xf32, #tpu.memory_space<vmem>> -> memref<1x16x64xf32, #tpu.memory_space<vmem>>
      %dma_start3A_1688 = tpu.memref_squeeze %dma_start3A_1687 : memref<1x16x64xf32, #tpu.memory_space<vmem>> -> memref<16x64xf32, #tpu.memory_space<vmem>>
      %dma_start3A_1689 = arith.constant 0 : i32
      %dma_start3A_1690 = arith.constant 0 : i32
      %dma_start3A_1691 = tpu.memref_slice %arg3[%dma_start3A_1689, %dma_start3A_1690] : memref<1000000x64xf32, #tpu.memory_space<hbm>> -> memref<1000000x64xf32, #tpu.memory_space<hbm>>
      tpu.enqueue_indirect_dma source(%dma_start3A_1691 : memref<1000000x64xf32, #tpu.memory_space<hbm>>) target(%dma_start3A_1688 : memref<16x64xf32, #tpu.memory_space<vmem>>) offsets(%get3A_1683 : vector<16xi32>) semaphore(%arg9 : memref<!tpu.dma_semaphore, #tpu.memory_space<semaphore_mem>>)
      %get3A_1692 = arith.index_cast %add3A_1679 : i32 to index
      %get3A_1693 = arith.constant 16 : index
      %get3A_1694 = tpu.vector_load %arg5[%get3A_1692, %get3A_1693] {strides = array<i32>} : memref<200x128xi32, #tpu.memory_space<vmem>>, vector<1x16xi32>,
      %get3A_1695 = vector.shape_cast %get3A_1694 : vector<1x16xi32> to vector<16xi32>
      %dma_start3A_1696 = arith.constant 2 : i32
      %dma_start3A_1697 = arith.constant 16 : i32
      %dma_start3A_1698 = arith.constant 0 : i32
      %dma_start3A_1699 = tpu.memref_slice %arg6[%dma_start3A_1696, %dma_start3A_1697, %dma_start3A_1698] : memref<4x128x64xf32, #tpu.memory_space<vmem>> -> memref<1x16x64xf32, #tpu.memory_space<vmem>>
      %dma_start3A_1700 = tpu.memref_squeeze %dma_start3A_1699 : memref<1x16x64xf32, #tpu.memory_space<vmem>> -> memref<16x64xf32, #tpu.memory_space<vmem>>
      %dma_start3A_1701 = arith.constant 0 : i32
      %dma_start3A_1702 = arith.constant 0 : i32
      %dma_start3A_1703 = tpu.memref_slice %arg3[%dma_start3A_1701, %dma_start3A_1702] : memref<1000000x64xf32, #tpu.memory_space<hbm>> -> memref<1000000x64xf32, #tpu.memory_space<hbm>>
      tpu.enqueue_indirect_dma source(%dma_start3A_1703 : memref<1000000x64xf32, #tpu.memory_space<hbm>>) target(%dma_start3A_1700 : memref<16x64xf32, #tpu.memory_space<vmem>>) offsets(%get3A_1695 : vector<16xi32>) semaphore(%arg9 : memref<!tpu.dma_semaphore, #tpu.memory_space<semaphore_mem>>)
      %get3A_1704 = arith.index_cast %add3A_1679 : i32 to index
      %get3A_1705 = arith.constant 32 : index
      %get3A_1706 = tpu.vector_load %arg5[%get3A_1704, %get3A_1705] {strides = array<i32>} : memref<200x128xi32, #tpu.memory_space<vmem>>, vector<1x16xi32>,
      %get3A_1707 = vector.shape_cast %get3A_1706 : vector<1x16xi32> to vector<16xi32>
      %dma_start3A_1708 = arith.constant 2 : i32
      %dma_start3A_1709 = arith.constant 32 : i32
      %dma_start3A_1710 = arith.constant 0 : i32
      %dma_start3A_1711 = tpu.memref_slice %arg6[%dma_start3A_1708, %dma_start3A_1709, %dma_start3A_1710] : memref<4x128x64xf32, #tpu.memory_space<vmem>> -> memref<1x16x64xf32, #tpu.memory_space<vmem>>
      %dma_start3A_1712 = tpu.memref_squeeze %dma_start3A_1711 : memref<1x16x64xf32, #tpu.memory_space<vmem>> -> memref<16x64xf32, #tpu.memory_space<vmem>>
      %dma_start3A_1713 = arith.constant 0 : i32
      %dma_start3A_1714 = arith.constant 0 : i32
      %dma_start3A_1715 = tpu.memref_slice %arg3[%dma_start3A_1713, %dma_start3A_1714] : memref<1000000x64xf32, #tpu.memory_space<hbm>> -> memref<1000000x64xf32, #tpu.memory_space<hbm>>
      tpu.enqueue_indirect_dma source(%dma_start3A_1715 : memref<1000000x64xf32, #tpu.memory_space<hbm>>) target(%dma_start3A_1712 : memref<16x64xf32, #tpu.memory_space<vmem>>) offsets(%get3A_1707 : vector<16xi32>) semaphore(%arg9 : memref<!tpu.dma_semaphore, #tpu.memory_space<semaphore_mem>>)
      %get3A_1716 = arith.index_cast %add3A_1679 : i32 to index
      %get3A_1717 = arith.constant 48 : index
      %get3A_1718 = tpu.vector_load %arg5[%get3A_1716, %get3A_1717] {strides = array<i32>} : memref<200x128xi32, #tpu.memory_space<vmem>>, vector<1x16xi32>,
      %get3A_1719 = vector.shape_cast %get3A_1718 : vector<1x16xi32> to vector<16xi32>
      %dma_start3A_1720 = arith.constant 2 : i32
      %dma_start3A_1721 = arith.constant 48 : i32
      %dma_start3A_1722 = arith.constant 0 : i32
      %dma_start3A_1723 = tpu.memref_slice %arg6[%dma_start3A_1720, %dma_start3A_1721, %dma_start3A_1722] : memref<4x128x64xf32, #tpu.memory_space<vmem>> -> memref<1x16x64xf32, #tpu.memory_space<vmem>>
      %dma_start3A_1724 = tpu.memref_squeeze %dma_start3A_1723 : memref<1x16x64xf32, #tpu.memory_space<vmem>> -> memref<16x64xf32, #tpu.memory_space<vmem>>
      %dma_start3A_1725 = arith.constant 0 : i32
      %dma_start3A_1726 = arith.constant 0 : i32
      %dma_start3A_1727 = tpu.memref_slice %arg3[%dma_start3A_1725, %dma_start3A_1726] : memref<1000000x64xf32, #tpu.memory_space<hbm>> -> memref<1000000x64xf32, #tpu.memory_space<hbm>>
      tpu.enqueue_indirect_dma source(%dma_start3A_1727 : memref<1000000x64xf32, #tpu.memory_space<hbm>>) target(%dma_start3A_1724 : memref<16x64xf32, #tpu.memory_space<vmem>>) offsets(%get3A_1719 : vector<16xi32>) semaphore(%arg9 : memref<!tpu.dma_semaphore, #tpu.memory_space<semaphore_mem>>)
      %get3A_1728 = arith.index_cast %add3A_1679 : i32 to index
      %get3A_1729 = arith.constant 64 : index
      %get3A_1730 = tpu.vector_load %arg5[%get3A_1728, %get3A_1729] {strides = array<i32>} : memref<200x128xi32, #tpu.memory_space<vmem>>, vector<1x16xi32>,
      %get3A_1731 = vector.shape_cast %get3A_1730 : vector<1x16xi32> to vector<16xi32>
      %dma_start3A_1732 = arith.constant 2 : i32
      %dma_start3A_1733 = arith.constant 64 : i32
      %dma_start3A_1734 = arith.constant 0 : i32
      %dma_start3A_1735 = tpu.memref_slice %arg6[%dma_start3A_1732, %dma_start3A_1733, %dma_start3A_1734] : memref<4x128x64xf32, #tpu.memory_space<vmem>> -> memref<1x16x64xf32, #tpu.memory_space<vmem>>
      %dma_start3A_1736 = tpu.memref_squeeze %dma_start3A_1735 : memref<1x16x64xf32, #tpu.memory_space<vmem>> -> memref<16x64xf32, #tpu.memory_space<vmem>>
      %dma_start3A_1737 = arith.constant 0 : i32
      %dma_start3A_1738 = arith.constant 0 : i32
      %dma_start3A_1739 = tpu.memref_slice %arg3[%dma_start3A_1737, %dma_start3A_1738] : memref<1000000x64xf32, #tpu.memory_space<hbm>> -> memref<1000000x64xf32, #tpu.memory_space<hbm>>
      tpu.enqueue_indirect_dma source(%dma_start3A_1739 : memref<1000000x64xf32, #tpu.memory_space<hbm>>) target(%dma_start3A_1736 : memref<16x64xf32, #tpu.memory_space<vmem>>) offsets(%get3A_1731 : vector<16xi32>) semaphore(%arg9 : memref<!tpu.dma_semaphore, #tpu.memory_space<semaphore_mem>>)
      %get3A_1740 = arith.index_cast %add3A_1679 : i32 to index
      %get3A_1741 = arith.constant 80 : index
      %get3A_1742 = tpu.vector_load %arg5[%get3A_1740, %get3A_1741] {strides = array<i32>} : memref<200x128xi32, #tpu.memory_space<vmem>>, vector<1x16xi32>,
      %get3A_1743 = vector.shape_cast %get3A_1742 : vector<1x16xi32> to vector<16xi32>
      %dma_start3A_1744 = arith.constant 2 : i32
      %dma_start3A_1745 = arith.constant 80 : i32
      %dma_start3A_1746 = arith.constant 0 : i32
      %dma_start3A_1747 = tpu.memref_slice %arg6[%dma_start3A_1744, %dma_start3A_1745, %dma_start3A_1746] : memref<4x128x64xf32, #tpu.memory_space<vmem>> -> memref<1x16x64xf32, #tpu.memory_space<vmem>>
      %dma_start3A_1748 = tpu.memref_squeeze %dma_start3A_1747 : memref<1x16x64xf32, #tpu.memory_space<vmem>> -> memref<16x64xf32, #tpu.memory_space<vmem>>
      %dma_start3A_1749 = arith.constant 0 : i32
      %dma_start3A_1750 = arith.constant 0 : i32
      %dma_start3A_1751 = tpu.memref_slice %arg3[%dma_start3A_1749, %dma_start3A_1750] : memref<1000000x64xf32, #tpu.memory_space<hbm>> -> memref<1000000x64xf32, #tpu.memory_space<hbm>>
      tpu.enqueue_indirect_dma source(%dma_start3A_1751 : memref<1000000x64xf32, #tpu.memory_space<hbm>>) target(%dma_start3A_1748 : memref<16x64xf32, #tpu.memory_space<vmem>>) offsets(%get3A_1743 : vector<16xi32>) semaphore(%arg9 : memref<!tpu.dma_semaphore, #tpu.memory_space<semaphore_mem>>)
      %get3A_1752 = arith.index_cast %add3A_1679 : i32 to index
      %get3A_1753 = arith.constant 96 : index
      %get3A_1754 = tpu.vector_load %arg5[%get3A_1752, %get3A_1753] {strides = array<i32>} : memref<200x128xi32, #tpu.memory_space<vmem>>, vector<1x16xi32>,
      %get3A_1755 = vector.shape_cast %get3A_1754 : vector<1x16xi32> to vector<16xi32>
      %dma_start3A_1756 = arith.constant 2 : i32
      %dma_start3A_1757 = arith.constant 96 : i32
      %dma_start3A_1758 = arith.constant 0 : i32
      %dma_start3A_1759 = tpu.memref_slice %arg6[%dma_start3A_1756, %dma_start3A_1757, %dma_start3A_1758] : memref<4x128x64xf32, #tpu.memory_space<vmem>> -> memref<1x16x64xf32, #tpu.memory_space<vmem>>
      %dma_start3A_1760 = tpu.memref_squeeze %dma_start3A_1759 : memref<1x16x64xf32, #tpu.memory_space<vmem>> -> memref<16x64xf32, #tpu.memory_space<vmem>>
      %dma_start3A_1761 = arith.constant 0 : i32
      %dma_start3A_1762 = arith.constant 0 : i32
      %dma_start3A_1763 = tpu.memref_slice %arg3[%dma_start3A_1761, %dma_start3A_1762] : memref<1000000x64xf32, #tpu.memory_space<hbm>> -> memref<1000000x64xf32, #tpu.memory_space<hbm>>
      tpu.enqueue_indirect_dma source(%dma_start3A_1763 : memref<1000000x64xf32, #tpu.memory_space<hbm>>) target(%dma_start3A_1760 : memref<16x64xf32, #tpu.memory_space<vmem>>) offsets(%get3A_1755 : vector<16xi32>) semaphore(%arg9 : memref<!tpu.dma_semaphore, #tpu.memory_space<semaphore_mem>>)
      %get3A_1764 = arith.index_cast %add3A_1679 : i32 to index
      %get3A_1765 = arith.constant 112 : index
      %get3A_1766 = tpu.vector_load %arg5[%get3A_1764, %get3A_1765] {strides = array<i32>} : memref<200x128xi32, #tpu.memory_space<vmem>>, vector<1x16xi32>,
      %get3A_1767 = vector.shape_cast %get3A_1766 : vector<1x16xi32> to vector<16xi32>
      %dma_start3A_1768 = arith.constant 2 : i32
      %dma_start3A_1769 = arith.constant 112 : i32
      %dma_start3A_1770 = arith.constant 0 : i32
      %dma_start3A_1771 = tpu.memref_slice %arg6[%dma_start3A_1768, %dma_start3A_1769, %dma_start3A_1770] : memref<4x128x64xf32, #tpu.memory_space<vmem>> -> memref<1x16x64xf32, #tpu.memory_space<vmem>>
      %dma_start3A_1772 = tpu.memref_squeeze %dma_start3A_1771 : memref<1x16x64xf32, #tpu.memory_space<vmem>> -> memref<16x64xf32, #tpu.memory_space<vmem>>
      %dma_start3A_1773 = arith.constant 0 : i32
      %dma_start3A_1774 = arith.constant 0 : i32
      %dma_start3A_1775 = tpu.memref_slice %arg3[%dma_start3A_1773, %dma_start3A_1774] : memref<1000000x64xf32, #tpu.memory_space<hbm>> -> memref<1000000x64xf32, #tpu.memory_space<hbm>>
      tpu.enqueue_indirect_dma source(%dma_start3A_1775 : memref<1000000x64xf32, #tpu.memory_space<hbm>>) target(%dma_start3A_1772 : memref<16x64xf32, #tpu.memory_space<vmem>>) offsets(%get3A_1767 : vector<16xi32>) semaphore(%arg9 : memref<!tpu.dma_semaphore, #tpu.memory_space<semaphore_mem>>)
      %mul3A_1776 = arith.constant 4 : i32
      %mul3A_1777 = arith.muli %scan3A_957, %mul3A_1776 : i32
      %add3A_1778 = arith.constant 3 : i32
      %add3A_1779 = arith.addi %mul3A_1777, %add3A_1778 : i32
      %mul3A_1780 = arith.constant 128 : i32
      %mul3A_1781 = arith.muli %add3A_1779, %mul3A_1780 : i32
      %add3A_1782 = arith.addi %mul3A_2, %mul3A_1781 : i32
      %dma_wait3A_1783 = arith.constant 3 : i32
      %dma_wait3A_1784 = arith.constant 0 : i32
      %dma_wait3A_1785 = arith.constant 0 : i32
      %dma_wait3A_1786 = tpu.memref_slice %arg6[%dma_wait3A_1783, %dma_wait3A_1784, %dma_wait3A_1785] : memref<4x128x64xf32, #tpu.memory_space<vmem>> -> memref<1x128x64xf32, #tpu.memory_space<vmem>>
      %dma_wait3A_1787 = tpu.memref_squeeze %dma_wait3A_1786 : memref<1x128x64xf32, #tpu.memory_space<vmem>> -> memref<128x64xf32, #tpu.memory_space<vmem>>
      %dma_wait3A_1788 = arith.constant 0 : i32
      %dma_wait3A_1789 = tpu.memref_slice %arg4[%add3A_1782, %dma_wait3A_1788] : memref<819200x64xf32, #tpu.memory_space<hbm>> -> memref<128x64xf32, #tpu.memory_space<hbm>>
      %dma_wait3A_1790 = arith.constant 0 : i32
      %dma_wait3A_1791 = tpu.memref_slice %arg4[%add3A_1782, %dma_wait3A_1790] : memref<819200x64xf32, #tpu.memory_space<hbm>> -> memref<128x64xf32, #tpu.memory_space<hbm>>
      %dma_wait3A_1792 = arith.constant 0 : i32
      %dma_wait3A_1793 = arith.constant 0 : i32
      %dma_wait3A_1794 = tpu.memref_slice %arg6[%dma_wait3A_1783, %dma_wait3A_1792, %dma_wait3A_1793] : memref<4x128x64xf32, #tpu.memory_space<vmem>> -> memref<1x128x64xf32, #tpu.memory_space<vmem>>
      %dma_wait3A_1795 = tpu.memref_squeeze %dma_wait3A_1794 : memref<1x128x64xf32, #tpu.memory_space<vmem>> -> memref<128x64xf32, #tpu.memory_space<vmem>>
      tpu.wait_dma2 semaphore(%arg14 : memref<!tpu.dma_semaphore, #tpu.memory_space<semaphore_mem>>) src(%dma_wait3A_1795 : memref<128x64xf32, #tpu.memory_space<vmem>>) dst(%dma_wait3A_1791 : memref<128x64xf32, #tpu.memory_space<hbm>>)
      %add3A_1796 = arith.constant 4 : i32
      %add3A_1797 = arith.addi %add3A_1779, %add3A_1796 : i32
      %get3A_1798 = arith.index_cast %add3A_1797 : i32 to index
      %get3A_1799 = arith.constant 0 : index
      %get3A_1800 = tpu.vector_load %arg5[%get3A_1798, %get3A_1799] {strides = array<i32>} : memref<200x128xi32, #tpu.memory_space<vmem>>, vector<1x16xi32>,
      %get3A_1801 = vector.shape_cast %get3A_1800 : vector<1x16xi32> to vector<16xi32>
      %dma_start3A_1802 = arith.constant 3 : i32
      %dma_start3A_1803 = arith.constant 0 : i32
      %dma_start3A_1804 = arith.constant 0 : i32
      %dma_start3A_1805 = tpu.memref_slice %arg6[%dma_start3A_1802, %dma_start3A_1803, %dma_start3A_1804] : memref<4x128x64xf32, #tpu.memory_space<vmem>> -> memref<1x16x64xf32, #tpu.memory_space<vmem>>
      %dma_start3A_1806 = tpu.memref_squeeze %dma_start3A_1805 : memref<1x16x64xf32, #tpu.memory_space<vmem>> -> memref<16x64xf32, #tpu.memory_space<vmem>>
      %dma_start3A_1807 = arith.constant 0 : i32
      %dma_start3A_1808 = arith.constant 0 : i32
      %dma_start3A_1809 = tpu.memref_slice %arg3[%dma_start3A_1807, %dma_start3A_1808] : memref<1000000x64xf32, #tpu.memory_space<hbm>> -> memref<1000000x64xf32, #tpu.memory_space<hbm>>
      tpu.enqueue_indirect_dma source(%dma_start3A_1809 : memref<1000000x64xf32, #tpu.memory_space<hbm>>) target(%dma_start3A_1806 : memref<16x64xf32, #tpu.memory_space<vmem>>) offsets(%get3A_1801 : vector<16xi32>) semaphore(%arg10 : memref<!tpu.dma_semaphore, #tpu.memory_space<semaphore_mem>>)
      %get3A_1810 = arith.index_cast %add3A_1797 : i32 to index
      %get3A_1811 = arith.constant 16 : index
      %get3A_1812 = tpu.vector_load %arg5[%get3A_1810, %get3A_1811] {strides = array<i32>} : memref<200x128xi32, #tpu.memory_space<vmem>>, vector<1x16xi32>,
      %get3A_1813 = vector.shape_cast %get3A_1812 : vector<1x16xi32> to vector<16xi32>
      %dma_start3A_1814 = arith.constant 3 : i32
      %dma_start3A_1815 = arith.constant 16 : i32
      %dma_start3A_1816 = arith.constant 0 : i32
      %dma_start3A_1817 = tpu.memref_slice %arg6[%dma_start3A_1814, %dma_start3A_1815, %dma_start3A_1816] : memref<4x128x64xf32, #tpu.memory_space<vmem>> -> memref<1x16x64xf32, #tpu.memory_space<vmem>>
      %dma_start3A_1818 = tpu.memref_squeeze %dma_start3A_1817 : memref<1x16x64xf32, #tpu.memory_space<vmem>> -> memref<16x64xf32, #tpu.memory_space<vmem>>
      %dma_start3A_1819 = arith.constant 0 : i32
      %dma_start3A_1820 = arith.constant 0 : i32
      %dma_start3A_1821 = tpu.memref_slice %arg3[%dma_start3A_1819, %dma_start3A_1820] : memref<1000000x64xf32, #tpu.memory_space<hbm>> -> memref<1000000x64xf32, #tpu.memory_space<hbm>>
      tpu.enqueue_indirect_dma source(%dma_start3A_1821 : memref<1000000x64xf32, #tpu.memory_space<hbm>>) target(%dma_start3A_1818 : memref<16x64xf32, #tpu.memory_space<vmem>>) offsets(%get3A_1813 : vector<16xi32>) semaphore(%arg10 : memref<!tpu.dma_semaphore, #tpu.memory_space<semaphore_mem>>)
      %get3A_1822 = arith.index_cast %add3A_1797 : i32 to index
      %get3A_1823 = arith.constant 32 : index
      %get3A_1824 = tpu.vector_load %arg5[%get3A_1822, %get3A_1823] {strides = array<i32>} : memref<200x128xi32, #tpu.memory_space<vmem>>, vector<1x16xi32>,
      %get3A_1825 = vector.shape_cast %get3A_1824 : vector<1x16xi32> to vector<16xi32>
      %dma_start3A_1826 = arith.constant 3 : i32
      %dma_start3A_1827 = arith.constant 32 : i32
      %dma_start3A_1828 = arith.constant 0 : i32
      %dma_start3A_1829 = tpu.memref_slice %arg6[%dma_start3A_1826, %dma_start3A_1827, %dma_start3A_1828] : memref<4x128x64xf32, #tpu.memory_space<vmem>> -> memref<1x16x64xf32, #tpu.memory_space<vmem>>
      %dma_start3A_1830 = tpu.memref_squeeze %dma_start3A_1829 : memref<1x16x64xf32, #tpu.memory_space<vmem>> -> memref<16x64xf32, #tpu.memory_space<vmem>>
      %dma_start3A_1831 = arith.constant 0 : i32
      %dma_start3A_1832 = arith.constant 0 : i32
      %dma_start3A_1833 = tpu.memref_slice %arg3[%dma_start3A_1831, %dma_start3A_1832] : memref<1000000x64xf32, #tpu.memory_space<hbm>> -> memref<1000000x64xf32, #tpu.memory_space<hbm>>
      tpu.enqueue_indirect_dma source(%dma_start3A_1833 : memref<1000000x64xf32, #tpu.memory_space<hbm>>) target(%dma_start3A_1830 : memref<16x64xf32, #tpu.memory_space<vmem>>) offsets(%get3A_1825 : vector<16xi32>) semaphore(%arg10 : memref<!tpu.dma_semaphore, #tpu.memory_space<semaphore_mem>>)
      %get3A_1834 = arith.index_cast %add3A_1797 : i32 to index
      %get3A_1835 = arith.constant 48 : index
      %get3A_1836 = tpu.vector_load %arg5[%get3A_1834, %get3A_1835] {strides = array<i32>} : memref<200x128xi32, #tpu.memory_space<vmem>>, vector<1x16xi32>,
      %get3A_1837 = vector.shape_cast %get3A_1836 : vector<1x16xi32> to vector<16xi32>
      %dma_start3A_1838 = arith.constant 3 : i32
      %dma_start3A_1839 = arith.constant 48 : i32
      %dma_start3A_1840 = arith.constant 0 : i32
      %dma_start3A_1841 = tpu.memref_slice %arg6[%dma_start3A_1838, %dma_start3A_1839, %dma_start3A_1840] : memref<4x128x64xf32, #tpu.memory_space<vmem>> -> memref<1x16x64xf32, #tpu.memory_space<vmem>>
      %dma_start3A_1842 = tpu.memref_squeeze %dma_start3A_1841 : memref<1x16x64xf32, #tpu.memory_space<vmem>> -> memref<16x64xf32, #tpu.memory_space<vmem>>
      %dma_start3A_1843 = arith.constant 0 : i32
      %dma_start3A_1844 = arith.constant 0 : i32
      %dma_start3A_1845 = tpu.memref_slice %arg3[%dma_start3A_1843, %dma_start3A_1844] : memref<1000000x64xf32, #tpu.memory_space<hbm>> -> memref<1000000x64xf32, #tpu.memory_space<hbm>>
      tpu.enqueue_indirect_dma source(%dma_start3A_1845 : memref<1000000x64xf32, #tpu.memory_space<hbm>>) target(%dma_start3A_1842 : memref<16x64xf32, #tpu.memory_space<vmem>>) offsets(%get3A_1837 : vector<16xi32>) semaphore(%arg10 : memref<!tpu.dma_semaphore, #tpu.memory_space<semaphore_mem>>)
      %get3A_1846 = arith.index_cast %add3A_1797 : i32 to index
      %get3A_1847 = arith.constant 64 : index
      %get3A_1848 = tpu.vector_load %arg5[%get3A_1846, %get3A_1847] {strides = array<i32>} : memref<200x128xi32, #tpu.memory_space<vmem>>, vector<1x16xi32>,
      %get3A_1849 = vector.shape_cast %get3A_1848 : vector<1x16xi32> to vector<16xi32>
      %dma_start3A_1850 = arith.constant 3 : i32
      %dma_start3A_1851 = arith.constant 64 : i32
      %dma_start3A_1852 = arith.constant 0 : i32
      %dma_start3A_1853 = tpu.memref_slice %arg6[%dma_start3A_1850, %dma_start3A_1851, %dma_start3A_1852] : memref<4x128x64xf32, #tpu.memory_space<vmem>> -> memref<1x16x64xf32, #tpu.memory_space<vmem>>
      %dma_start3A_1854 = tpu.memref_squeeze %dma_start3A_1853 : memref<1x16x64xf32, #tpu.memory_space<vmem>> -> memref<16x64xf32, #tpu.memory_space<vmem>>
      %dma_start3A_1855 = arith.constant 0 : i32
      %dma_start3A_1856 = arith.constant 0 : i32
      %dma_start3A_1857 = tpu.memref_slice %arg3[%dma_start3A_1855, %dma_start3A_1856] : memref<1000000x64xf32, #tpu.memory_space<hbm>> -> memref<1000000x64xf32, #tpu.memory_space<hbm>>
      tpu.enqueue_indirect_dma source(%dma_start3A_1857 : memref<1000000x64xf32, #tpu.memory_space<hbm>>) target(%dma_start3A_1854 : memref<16x64xf32, #tpu.memory_space<vmem>>) offsets(%get3A_1849 : vector<16xi32>) semaphore(%arg10 : memref<!tpu.dma_semaphore, #tpu.memory_space<semaphore_mem>>)
      %get3A_1858 = arith.index_cast %add3A_1797 : i32 to index
      %get3A_1859 = arith.constant 80 : index
      %get3A_1860 = tpu.vector_load %arg5[%get3A_1858, %get3A_1859] {strides = array<i32>} : memref<200x128xi32, #tpu.memory_space<vmem>>, vector<1x16xi32>,
      %get3A_1861 = vector.shape_cast %get3A_1860 : vector<1x16xi32> to vector<16xi32>
      %dma_start3A_1862 = arith.constant 3 : i32
      %dma_start3A_1863 = arith.constant 80 : i32
      %dma_start3A_1864 = arith.constant 0 : i32
      %dma_start3A_1865 = tpu.memref_slice %arg6[%dma_start3A_1862, %dma_start3A_1863, %dma_start3A_1864] : memref<4x128x64xf32, #tpu.memory_space<vmem>> -> memref<1x16x64xf32, #tpu.memory_space<vmem>>
      %dma_start3A_1866 = tpu.memref_squeeze %dma_start3A_1865 : memref<1x16x64xf32, #tpu.memory_space<vmem>> -> memref<16x64xf32, #tpu.memory_space<vmem>>
      %dma_start3A_1867 = arith.constant 0 : i32
      %dma_start3A_1868 = arith.constant 0 : i32
      %dma_start3A_1869 = tpu.memref_slice %arg3[%dma_start3A_1867, %dma_start3A_1868] : memref<1000000x64xf32, #tpu.memory_space<hbm>> -> memref<1000000x64xf32, #tpu.memory_space<hbm>>
      tpu.enqueue_indirect_dma source(%dma_start3A_1869 : memref<1000000x64xf32, #tpu.memory_space<hbm>>) target(%dma_start3A_1866 : memref<16x64xf32, #tpu.memory_space<vmem>>) offsets(%get3A_1861 : vector<16xi32>) semaphore(%arg10 : memref<!tpu.dma_semaphore, #tpu.memory_space<semaphore_mem>>)
      %get3A_1870 = arith.index_cast %add3A_1797 : i32 to index
      %get3A_1871 = arith.constant 96 : index
      %get3A_1872 = tpu.vector_load %arg5[%get3A_1870, %get3A_1871] {strides = array<i32>} : memref<200x128xi32, #tpu.memory_space<vmem>>, vector<1x16xi32>,
      %get3A_1873 = vector.shape_cast %get3A_1872 : vector<1x16xi32> to vector<16xi32>
      %dma_start3A_1874 = arith.constant 3 : i32
      %dma_start3A_1875 = arith.constant 96 : i32
      %dma_start3A_1876 = arith.constant 0 : i32
      %dma_start3A_1877 = tpu.memref_slice %arg6[%dma_start3A_1874, %dma_start3A_1875, %dma_start3A_1876] : memref<4x128x64xf32, #tpu.memory_space<vmem>> -> memref<1x16x64xf32, #tpu.memory_space<vmem>>
      %dma_start3A_1878 = tpu.memref_squeeze %dma_start3A_1877 : memref<1x16x64xf32, #tpu.memory_space<vmem>> -> memref<16x64xf32, #tpu.memory_space<vmem>>
      %dma_start3A_1879 = arith.constant 0 : i32
      %dma_start3A_1880 = arith.constant 0 : i32
      %dma_start3A_1881 = tpu.memref_slice %arg3[%dma_start3A_1879, %dma_start3A_1880] : memref<1000000x64xf32, #tpu.memory_space<hbm>> -> memref<1000000x64xf32, #tpu.memory_space<hbm>>
      tpu.enqueue_indirect_dma source(%dma_start3A_1881 : memref<1000000x64xf32, #tpu.memory_space<hbm>>) target(%dma_start3A_1878 : memref<16x64xf32, #tpu.memory_space<vmem>>) offsets(%get3A_1873 : vector<16xi32>) semaphore(%arg10 : memref<!tpu.dma_semaphore, #tpu.memory_space<semaphore_mem>>)
      %get3A_1882 = arith.index_cast %add3A_1797 : i32 to index
      %get3A_1883 = arith.constant 112 : index
      %get3A_1884 = tpu.vector_load %arg5[%get3A_1882, %get3A_1883] {strides = array<i32>} : memref<200x128xi32, #tpu.memory_space<vmem>>, vector<1x16xi32>,
      %get3A_1885 = vector.shape_cast %get3A_1884 : vector<1x16xi32> to vector<16xi32>
      %dma_start3A_1886 = arith.constant 3 : i32
      %dma_start3A_1887 = arith.constant 112 : i32
      %dma_start3A_1888 = arith.constant 0 : i32
      %dma_start3A_1889 = tpu.memref_slice %arg6[%dma_start3A_1886, %dma_start3A_1887, %dma_start3A_1888] : memref<4x128x64xf32, #tpu.memory_space<vmem>> -> memref<1x16x64xf32, #tpu.memory_space<vmem>>
      %dma_start3A_1890 = tpu.memref_squeeze %dma_start3A_1889 : memref<1x16x64xf32, #tpu.memory_space<vmem>> -> memref<16x64xf32, #tpu.memory_space<vmem>>
      %dma_start3A_1891 = arith.constant 0 : i32
      %dma_start3A_1892 = arith.constant 0 : i32
      %dma_start3A_1893 = tpu.memref_slice %arg3[%dma_start3A_1891, %dma_start3A_1892] : memref<1000000x64xf32, #tpu.memory_space<hbm>> -> memref<1000000x64xf32, #tpu.memory_space<hbm>>
      tpu.enqueue_indirect_dma source(%dma_start3A_1893 : memref<1000000x64xf32, #tpu.memory_space<hbm>>) target(%dma_start3A_1890 : memref<16x64xf32, #tpu.memory_space<vmem>>) offsets(%get3A_1885 : vector<16xi32>) semaphore(%arg10 : memref<!tpu.dma_semaphore, #tpu.memory_space<semaphore_mem>>)
    }
    %scan3A_421 = arith.constant 49 : i32
    %get3A_422 = arith.constant 196 : i32
    %get3A_423 = arith.index_cast %get3A_422 : i32 to index
    %get3A_424 = arith.constant 0 : index
    %get3A_425 = tpu.vector_load %arg5[%get3A_423, %get3A_424] {strides = array<i32>} : memref<200x128xi32, #tpu.memory_space<vmem>>, vector<1x16xi32>,
    %get3A_426 = vector.shape_cast %get3A_425 : vector<1x16xi32> to vector<16xi32>
    %dma_wait3A = arith.constant 0 : i32
    %dma_wait3A_427 = arith.constant 0 : i32
    %dma_wait3A_428 = arith.constant 0 : i32
    %dma_wait3A_429 = tpu.memref_slice %arg6[%dma_wait3A, %dma_wait3A_427, %dma_wait3A_428] : memref<4x128x64xf32, #tpu.memory_space<vmem>> -> memref<1x16x64xf32, #tpu.memory_space<vmem>>
    %dma_wait3A_430 = tpu.memref_squeeze %dma_wait3A_429 : memref<1x16x64xf32, #tpu.memory_space<vmem>> -> memref<16x64xf32, #tpu.memory_space<vmem>>
    %dma_wait3A_431 = arith.constant 0 : i32
    %dma_wait3A_432 = arith.constant 0 : i32
    %dma_wait3A_433 = tpu.memref_slice %arg3[%dma_wait3A_431, %dma_wait3A_432] : memref<1000000x64xf32, #tpu.memory_space<hbm>> -> memref<1000000x64xf32, #tpu.memory_space<hbm>>
    tpu.wait_indirect_dma semaphore(%arg7 : memref<!tpu.dma_semaphore, #tpu.memory_space<semaphore_mem>>) src(%dma_wait3A_433 : memref<1000000x64xf32, #tpu.memory_space<hbm>>) dst(%dma_wait3A_430 : memref<16x64xf32, #tpu.memory_space<vmem>>)
    %get3A_434 = arith.constant 196 : i32
    %get3A_435 = arith.index_cast %get3A_434 : i32 to index
    %get3A_436 = arith.constant 16 : index
    %get3A_437 = tpu.vector_load %arg5[%get3A_435, %get3A_436] {strides = array<i32>} : memref<200x128xi32, #tpu.memory_space<vmem>>, vector<1x16xi32>,
    %get3A_438 = vector.shape_cast %get3A_437 : vector<1x16xi32> to vector<16xi32>
    %dma_wait3A_439 = arith.constant 0 : i32
    %dma_wait3A_440 = arith.constant 16 : i32
    %dma_wait3A_441 = arith.constant 0 : i32
    %dma_wait3A_442 = tpu.memref_slice %arg6[%dma_wait3A_439, %dma_wait3A_440, %dma_wait3A_441] : memref<4x128x64xf32, #tpu.memory_space<vmem>> -> memref<1x16x64xf32, #tpu.memory_space<vmem>>
    %dma_wait3A_443 = tpu.memref_squeeze %dma_wait3A_442 : memref<1x16x64xf32, #tpu.memory_space<vmem>> -> memref<16x64xf32, #tpu.memory_space<vmem>>
    %dma_wait3A_444 = arith.constant 0 : i32
    %dma_wait3A_445 = arith.constant 0 : i32
    %dma_wait3A_446 = tpu.memref_slice %arg3[%dma_wait3A_444, %dma_wait3A_445] : memref<1000000x64xf32, #tpu.memory_space<hbm>> -> memref<1000000x64xf32, #tpu.memory_space<hbm>>
    tpu.wait_indirect_dma semaphore(%arg7 : memref<!tpu.dma_semaphore, #tpu.memory_space<semaphore_mem>>) src(%dma_wait3A_446 : memref<1000000x64xf32, #tpu.memory_space<hbm>>) dst(%dma_wait3A_443 : memref<16x64xf32, #tpu.memory_space<vmem>>)
    %get3A_447 = arith.constant 196 : i32
    %get3A_448 = arith.index_cast %get3A_447 : i32 to index
    %get3A_449 = arith.constant 32 : index
    %get3A_450 = tpu.vector_load %arg5[%get3A_448, %get3A_449] {strides = array<i32>} : memref<200x128xi32, #tpu.memory_space<vmem>>, vector<1x16xi32>,
    %get3A_451 = vector.shape_cast %get3A_450 : vector<1x16xi32> to vector<16xi32>
    %dma_wait3A_452 = arith.constant 0 : i32
    %dma_wait3A_453 = arith.constant 32 : i32
    %dma_wait3A_454 = arith.constant 0 : i32
    %dma_wait3A_455 = tpu.memref_slice %arg6[%dma_wait3A_452, %dma_wait3A_453, %dma_wait3A_454] : memref<4x128x64xf32, #tpu.memory_space<vmem>> -> memref<1x16x64xf32, #tpu.memory_space<vmem>>
    %dma_wait3A_456 = tpu.memref_squeeze %dma_wait3A_455 : memref<1x16x64xf32, #tpu.memory_space<vmem>> -> memref<16x64xf32, #tpu.memory_space<vmem>>
    %dma_wait3A_457 = arith.constant 0 : i32
    %dma_wait3A_458 = arith.constant 0 : i32
    %dma_wait3A_459 = tpu.memref_slice %arg3[%dma_wait3A_457, %dma_wait3A_458] : memref<1000000x64xf32, #tpu.memory_space<hbm>> -> memref<1000000x64xf32, #tpu.memory_space<hbm>>
    tpu.wait_indirect_dma semaphore(%arg7 : memref<!tpu.dma_semaphore, #tpu.memory_space<semaphore_mem>>) src(%dma_wait3A_459 : memref<1000000x64xf32, #tpu.memory_space<hbm>>) dst(%dma_wait3A_456 : memref<16x64xf32, #tpu.memory_space<vmem>>)
    %get3A_460 = arith.constant 196 : i32
    %get3A_461 = arith.index_cast %get3A_460 : i32 to index
    %get3A_462 = arith.constant 48 : index
    %get3A_463 = tpu.vector_load %arg5[%get3A_461, %get3A_462] {strides = array<i32>} : memref<200x128xi32, #tpu.memory_space<vmem>>, vector<1x16xi32>,
    %get3A_464 = vector.shape_cast %get3A_463 : vector<1x16xi32> to vector<16xi32>
    %dma_wait3A_465 = arith.constant 0 : i32
    %dma_wait3A_466 = arith.constant 48 : i32
    %dma_wait3A_467 = arith.constant 0 : i32
    %dma_wait3A_468 = tpu.memref_slice %arg6[%dma_wait3A_465, %dma_wait3A_466, %dma_wait3A_467] : memref<4x128x64xf32, #tpu.memory_space<vmem>> -> memref<1x16x64xf32, #tpu.memory_space<vmem>>
    %dma_wait3A_469 = tpu.memref_squeeze %dma_wait3A_468 : memref<1x16x64xf32, #tpu.memory_space<vmem>> -> memref<16x64xf32, #tpu.memory_space<vmem>>
    %dma_wait3A_470 = arith.constant 0 : i32
    %dma_wait3A_471 = arith.constant 0 : i32
    %dma_wait3A_472 = tpu.memref_slice %arg3[%dma_wait3A_470, %dma_wait3A_471] : memref<1000000x64xf32, #tpu.memory_space<hbm>> -> memref<1000000x64xf32, #tpu.memory_space<hbm>>
    tpu.wait_indirect_dma semaphore(%arg7 : memref<!tpu.dma_semaphore, #tpu.memory_space<semaphore_mem>>) src(%dma_wait3A_472 : memref<1000000x64xf32, #tpu.memory_space<hbm>>) dst(%dma_wait3A_469 : memref<16x64xf32, #tpu.memory_space<vmem>>)
    %get3A_473 = arith.constant 196 : i32
    %get3A_474 = arith.index_cast %get3A_473 : i32 to index
    %get3A_475 = arith.constant 64 : index
    %get3A_476 = tpu.vector_load %arg5[%get3A_474, %get3A_475] {strides = array<i32>} : memref<200x128xi32, #tpu.memory_space<vmem>>, vector<1x16xi32>,
    %get3A_477 = vector.shape_cast %get3A_476 : vector<1x16xi32> to vector<16xi32>
    %dma_wait3A_478 = arith.constant 0 : i32
    %dma_wait3A_479 = arith.constant 64 : i32
    %dma_wait3A_480 = arith.constant 0 : i32
    %dma_wait3A_481 = tpu.memref_slice %arg6[%dma_wait3A_478, %dma_wait3A_479, %dma_wait3A_480] : memref<4x128x64xf32, #tpu.memory_space<vmem>> -> memref<1x16x64xf32, #tpu.memory_space<vmem>>
    %dma_wait3A_482 = tpu.memref_squeeze %dma_wait3A_481 : memref<1x16x64xf32, #tpu.memory_space<vmem>> -> memref<16x64xf32, #tpu.memory_space<vmem>>
    %dma_wait3A_483 = arith.constant 0 : i32
    %dma_wait3A_484 = arith.constant 0 : i32
    %dma_wait3A_485 = tpu.memref_slice %arg3[%dma_wait3A_483, %dma_wait3A_484] : memref<1000000x64xf32, #tpu.memory_space<hbm>> -> memref<1000000x64xf32, #tpu.memory_space<hbm>>
    tpu.wait_indirect_dma semaphore(%arg7 : memref<!tpu.dma_semaphore, #tpu.memory_space<semaphore_mem>>) src(%dma_wait3A_485 : memref<1000000x64xf32, #tpu.memory_space<hbm>>) dst(%dma_wait3A_482 : memref<16x64xf32, #tpu.memory_space<vmem>>)
    %get3A_486 = arith.constant 196 : i32
    %get3A_487 = arith.index_cast %get3A_486 : i32 to index
    %get3A_488 = arith.constant 80 : index
    %get3A_489 = tpu.vector_load %arg5[%get3A_487, %get3A_488] {strides = array<i32>} : memref<200x128xi32, #tpu.memory_space<vmem>>, vector<1x16xi32>,
    %get3A_490 = vector.shape_cast %get3A_489 : vector<1x16xi32> to vector<16xi32>
    %dma_wait3A_491 = arith.constant 0 : i32
    %dma_wait3A_492 = arith.constant 80 : i32
    %dma_wait3A_493 = arith.constant 0 : i32
    %dma_wait3A_494 = tpu.memref_slice %arg6[%dma_wait3A_491, %dma_wait3A_492, %dma_wait3A_493] : memref<4x128x64xf32, #tpu.memory_space<vmem>> -> memref<1x16x64xf32, #tpu.memory_space<vmem>>
    %dma_wait3A_495 = tpu.memref_squeeze %dma_wait3A_494 : memref<1x16x64xf32, #tpu.memory_space<vmem>> -> memref<16x64xf32, #tpu.memory_space<vmem>>
    %dma_wait3A_496 = arith.constant 0 : i32
    %dma_wait3A_497 = arith.constant 0 : i32
    %dma_wait3A_498 = tpu.memref_slice %arg3[%dma_wait3A_496, %dma_wait3A_497] : memref<1000000x64xf32, #tpu.memory_space<hbm>> -> memref<1000000x64xf32, #tpu.memory_space<hbm>>
    tpu.wait_indirect_dma semaphore(%arg7 : memref<!tpu.dma_semaphore, #tpu.memory_space<semaphore_mem>>) src(%dma_wait3A_498 : memref<1000000x64xf32, #tpu.memory_space<hbm>>) dst(%dma_wait3A_495 : memref<16x64xf32, #tpu.memory_space<vmem>>)
    %get3A_499 = arith.constant 196 : i32
    %get3A_500 = arith.index_cast %get3A_499 : i32 to index
    %get3A_501 = arith.constant 96 : index
    %get3A_502 = tpu.vector_load %arg5[%get3A_500, %get3A_501] {strides = array<i32>} : memref<200x128xi32, #tpu.memory_space<vmem>>, vector<1x16xi32>,
    %get3A_503 = vector.shape_cast %get3A_502 : vector<1x16xi32> to vector<16xi32>
    %dma_wait3A_504 = arith.constant 0 : i32
    %dma_wait3A_505 = arith.constant 96 : i32
    %dma_wait3A_506 = arith.constant 0 : i32
    %dma_wait3A_507 = tpu.memref_slice %arg6[%dma_wait3A_504, %dma_wait3A_505, %dma_wait3A_506] : memref<4x128x64xf32, #tpu.memory_space<vmem>> -> memref<1x16x64xf32, #tpu.memory_space<vmem>>
    %dma_wait3A_508 = tpu.memref_squeeze %dma_wait3A_507 : memref<1x16x64xf32, #tpu.memory_space<vmem>> -> memref<16x64xf32, #tpu.memory_space<vmem>>
    %dma_wait3A_509 = arith.constant 0 : i32
    %dma_wait3A_510 = arith.constant 0 : i32
    %dma_wait3A_511 = tpu.memref_slice %arg3[%dma_wait3A_509, %dma_wait3A_510] : memref<1000000x64xf32, #tpu.memory_space<hbm>> -> memref<1000000x64xf32, #tpu.memory_space<hbm>>
    tpu.wait_indirect_dma semaphore(%arg7 : memref<!tpu.dma_semaphore, #tpu.memory_space<semaphore_mem>>) src(%dma_wait3A_511 : memref<1000000x64xf32, #tpu.memory_space<hbm>>) dst(%dma_wait3A_508 : memref<16x64xf32, #tpu.memory_space<vmem>>)
    %get3A_512 = arith.constant 196 : i32
    %get3A_513 = arith.index_cast %get3A_512 : i32 to index
    %get3A_514 = arith.constant 112 : index
    %get3A_515 = tpu.vector_load %arg5[%get3A_513, %get3A_514] {strides = array<i32>} : memref<200x128xi32, #tpu.memory_space<vmem>>, vector<1x16xi32>,
    %get3A_516 = vector.shape_cast %get3A_515 : vector<1x16xi32> to vector<16xi32>
    %dma_wait3A_517 = arith.constant 0 : i32
    %dma_wait3A_518 = arith.constant 112 : i32
    %dma_wait3A_519 = arith.constant 0 : i32
    %dma_wait3A_520 = tpu.memref_slice %arg6[%dma_wait3A_517, %dma_wait3A_518, %dma_wait3A_519] : memref<4x128x64xf32, #tpu.memory_space<vmem>> -> memref<1x16x64xf32, #tpu.memory_space<vmem>>
    %dma_wait3A_521 = tpu.memref_squeeze %dma_wait3A_520 : memref<1x16x64xf32, #tpu.memory_space<vmem>> -> memref<16x64xf32, #tpu.memory_space<vmem>>
    %dma_wait3A_522 = arith.constant 0 : i32
    %dma_wait3A_523 = arith.constant 0 : i32
    %dma_wait3A_524 = tpu.memref_slice %arg3[%dma_wait3A_522, %dma_wait3A_523] : memref<1000000x64xf32, #tpu.memory_space<hbm>> -> memref<1000000x64xf32, #tpu.memory_space<hbm>>
    tpu.wait_indirect_dma semaphore(%arg7 : memref<!tpu.dma_semaphore, #tpu.memory_space<semaphore_mem>>) src(%dma_wait3A_524 : memref<1000000x64xf32, #tpu.memory_space<hbm>>) dst(%dma_wait3A_521 : memref<16x64xf32, #tpu.memory_space<vmem>>)
    %add3A_525 = arith.constant 25088 : i32
    %add3A_526 = arith.addi %mul3A_2, %add3A_525 : i32
    %dma_start3A_527 = arith.constant 0 : i32
    %dma_start3A_528 = arith.constant 0 : i32
    %dma_start3A_529 = arith.constant 0 : i32
    %dma_start3A_530 = tpu.memref_slice %arg6[%dma_start3A_527, %dma_start3A_528, %dma_start3A_529] : memref<4x128x64xf32, #tpu.memory_space<vmem>> -> memref<1x128x64xf32, #tpu.memory_space<vmem>>
    %dma_start3A_531 = tpu.memref_squeeze %dma_start3A_530 : memref<1x128x64xf32, #tpu.memory_space<vmem>> -> memref<128x64xf32, #tpu.memory_space<vmem>>
    %dma_start3A_532 = arith.constant 0 : i32
    %dma_start3A_533 = tpu.memref_slice %arg4[%add3A_526, %dma_start3A_532] : memref<819200x64xf32, #tpu.memory_space<hbm>> -> memref<128x64xf32, #tpu.memory_space<hbm>>
    %dma_start3A_534 = arith.constant 0 : i32
    %dma_start3A_535 = tpu.memref_slice %arg4[%add3A_526, %dma_start3A_534] : memref<819200x64xf32, #tpu.memory_space<hbm>> -> memref<128x64xf32, #tpu.memory_space<hbm>>
    %dma_start3A_536 = arith.constant 0 : i32
    %dma_start3A_537 = arith.constant 0 : i32
    %dma_start3A_538 = tpu.memref_slice %arg6[%dma_start3A_527, %dma_start3A_536, %dma_start3A_537] : memref<4x128x64xf32, #tpu.memory_space<vmem>> -> memref<1x128x64xf32, #tpu.memory_space<vmem>>
    %dma_start3A_539 = tpu.memref_squeeze %dma_start3A_538 : memref<1x128x64xf32, #tpu.memory_space<vmem>> -> memref<128x64xf32, #tpu.memory_space<vmem>>
    tpu.enqueue_dma source(%dma_start3A_539 : memref<128x64xf32, #tpu.memory_space<vmem>>) target(%dma_start3A_535 : memref<128x64xf32, #tpu.memory_space<hbm>>) target_semaphore(%arg11 : memref<!tpu.dma_semaphore, #tpu.memory_space<semaphore_mem>>)
    %get3A_540 = arith.constant 197 : i32
    %get3A_541 = arith.index_cast %get3A_540 : i32 to index
    %get3A_542 = arith.constant 0 : index
    %get3A_543 = tpu.vector_load %arg5[%get3A_541, %get3A_542] {strides = array<i32>} : memref<200x128xi32, #tpu.memory_space<vmem>>, vector<1x16xi32>,
    %get3A_544 = vector.shape_cast %get3A_543 : vector<1x16xi32> to vector<16xi32>
    %dma_wait3A_545 = arith.constant 1 : i32
    %dma_wait3A_546 = arith.constant 0 : i32
    %dma_wait3A_547 = arith.constant 0 : i32
    %dma_wait3A_548 = tpu.memref_slice %arg6[%dma_wait3A_545, %dma_wait3A_546, %dma_wait3A_547] : memref<4x128x64xf32, #tpu.memory_space<vmem>> -> memref<1x16x64xf32, #tpu.memory_space<vmem>>
    %dma_wait3A_549 = tpu.memref_squeeze %dma_wait3A_548 : memref<1x16x64xf32, #tpu.memory_space<vmem>> -> memref<16x64xf32, #tpu.memory_space<vmem>>
    %dma_wait3A_550 = arith.constant 0 : i32
    %dma_wait3A_551 = arith.constant 0 : i32
    %dma_wait3A_552 = tpu.memref_slice %arg3[%dma_wait3A_550, %dma_wait3A_551] : memref<1000000x64xf32, #tpu.memory_space<hbm>> -> memref<1000000x64xf32, #tpu.memory_space<hbm>>
    tpu.wait_indirect_dma semaphore(%arg8 : memref<!tpu.dma_semaphore, #tpu.memory_space<semaphore_mem>>) src(%dma_wait3A_552 : memref<1000000x64xf32, #tpu.memory_space<hbm>>) dst(%dma_wait3A_549 : memref<16x64xf32, #tpu.memory_space<vmem>>)
    %get3A_553 = arith.constant 197 : i32
    %get3A_554 = arith.index_cast %get3A_553 : i32 to index
    %get3A_555 = arith.constant 16 : index
    %get3A_556 = tpu.vector_load %arg5[%get3A_554, %get3A_555] {strides = array<i32>} : memref<200x128xi32, #tpu.memory_space<vmem>>, vector<1x16xi32>,
    %get3A_557 = vector.shape_cast %get3A_556 : vector<1x16xi32> to vector<16xi32>
    %dma_wait3A_558 = arith.constant 1 : i32
    %dma_wait3A_559 = arith.constant 16 : i32
    %dma_wait3A_560 = arith.constant 0 : i32
    %dma_wait3A_561 = tpu.memref_slice %arg6[%dma_wait3A_558, %dma_wait3A_559, %dma_wait3A_560] : memref<4x128x64xf32, #tpu.memory_space<vmem>> -> memref<1x16x64xf32, #tpu.memory_space<vmem>>
    %dma_wait3A_562 = tpu.memref_squeeze %dma_wait3A_561 : memref<1x16x64xf32, #tpu.memory_space<vmem>> -> memref<16x64xf32, #tpu.memory_space<vmem>>
    %dma_wait3A_563 = arith.constant 0 : i32
    %dma_wait3A_564 = arith.constant 0 : i32
    %dma_wait3A_565 = tpu.memref_slice %arg3[%dma_wait3A_563, %dma_wait3A_564] : memref<1000000x64xf32, #tpu.memory_space<hbm>> -> memref<1000000x64xf32, #tpu.memory_space<hbm>>
    tpu.wait_indirect_dma semaphore(%arg8 : memref<!tpu.dma_semaphore, #tpu.memory_space<semaphore_mem>>) src(%dma_wait3A_565 : memref<1000000x64xf32, #tpu.memory_space<hbm>>) dst(%dma_wait3A_562 : memref<16x64xf32, #tpu.memory_space<vmem>>)
    %get3A_566 = arith.constant 197 : i32
    %get3A_567 = arith.index_cast %get3A_566 : i32 to index
    %get3A_568 = arith.constant 32 : index
    %get3A_569 = tpu.vector_load %arg5[%get3A_567, %get3A_568] {strides = array<i32>} : memref<200x128xi32, #tpu.memory_space<vmem>>, vector<1x16xi32>,
    %get3A_570 = vector.shape_cast %get3A_569 : vector<1x16xi32> to vector<16xi32>
    %dma_wait3A_571 = arith.constant 1 : i32
    %dma_wait3A_572 = arith.constant 32 : i32
    %dma_wait3A_573 = arith.constant 0 : i32
    %dma_wait3A_574 = tpu.memref_slice %arg6[%dma_wait3A_571, %dma_wait3A_572, %dma_wait3A_573] : memref<4x128x64xf32, #tpu.memory_space<vmem>> -> memref<1x16x64xf32, #tpu.memory_space<vmem>>
    %dma_wait3A_575 = tpu.memref_squeeze %dma_wait3A_574 : memref<1x16x64xf32, #tpu.memory_space<vmem>> -> memref<16x64xf32, #tpu.memory_space<vmem>>
    %dma_wait3A_576 = arith.constant 0 : i32
    %dma_wait3A_577 = arith.constant 0 : i32
    %dma_wait3A_578 = tpu.memref_slice %arg3[%dma_wait3A_576, %dma_wait3A_577] : memref<1000000x64xf32, #tpu.memory_space<hbm>> -> memref<1000000x64xf32, #tpu.memory_space<hbm>>
    tpu.wait_indirect_dma semaphore(%arg8 : memref<!tpu.dma_semaphore, #tpu.memory_space<semaphore_mem>>) src(%dma_wait3A_578 : memref<1000000x64xf32, #tpu.memory_space<hbm>>) dst(%dma_wait3A_575 : memref<16x64xf32, #tpu.memory_space<vmem>>)
    %get3A_579 = arith.constant 197 : i32
    %get3A_580 = arith.index_cast %get3A_579 : i32 to index
    %get3A_581 = arith.constant 48 : index
    %get3A_582 = tpu.vector_load %arg5[%get3A_580, %get3A_581] {strides = array<i32>} : memref<200x128xi32, #tpu.memory_space<vmem>>, vector<1x16xi32>,
    %get3A_583 = vector.shape_cast %get3A_582 : vector<1x16xi32> to vector<16xi32>
    %dma_wait3A_584 = arith.constant 1 : i32
    %dma_wait3A_585 = arith.constant 48 : i32
    %dma_wait3A_586 = arith.constant 0 : i32
    %dma_wait3A_587 = tpu.memref_slice %arg6[%dma_wait3A_584, %dma_wait3A_585, %dma_wait3A_586] : memref<4x128x64xf32, #tpu.memory_space<vmem>> -> memref<1x16x64xf32, #tpu.memory_space<vmem>>
    %dma_wait3A_588 = tpu.memref_squeeze %dma_wait3A_587 : memref<1x16x64xf32, #tpu.memory_space<vmem>> -> memref<16x64xf32, #tpu.memory_space<vmem>>
    %dma_wait3A_589 = arith.constant 0 : i32
    %dma_wait3A_590 = arith.constant 0 : i32
    %dma_wait3A_591 = tpu.memref_slice %arg3[%dma_wait3A_589, %dma_wait3A_590] : memref<1000000x64xf32, #tpu.memory_space<hbm>> -> memref<1000000x64xf32, #tpu.memory_space<hbm>>
    tpu.wait_indirect_dma semaphore(%arg8 : memref<!tpu.dma_semaphore, #tpu.memory_space<semaphore_mem>>) src(%dma_wait3A_591 : memref<1000000x64xf32, #tpu.memory_space<hbm>>) dst(%dma_wait3A_588 : memref<16x64xf32, #tpu.memory_space<vmem>>)
    %get3A_592 = arith.constant 197 : i32
    %get3A_593 = arith.index_cast %get3A_592 : i32 to index
    %get3A_594 = arith.constant 64 : index
    %get3A_595 = tpu.vector_load %arg5[%get3A_593, %get3A_594] {strides = array<i32>} : memref<200x128xi32, #tpu.memory_space<vmem>>, vector<1x16xi32>,
    %get3A_596 = vector.shape_cast %get3A_595 : vector<1x16xi32> to vector<16xi32>
    %dma_wait3A_597 = arith.constant 1 : i32
    %dma_wait3A_598 = arith.constant 64 : i32
    %dma_wait3A_599 = arith.constant 0 : i32
    %dma_wait3A_600 = tpu.memref_slice %arg6[%dma_wait3A_597, %dma_wait3A_598, %dma_wait3A_599] : memref<4x128x64xf32, #tpu.memory_space<vmem>> -> memref<1x16x64xf32, #tpu.memory_space<vmem>>
    %dma_wait3A_601 = tpu.memref_squeeze %dma_wait3A_600 : memref<1x16x64xf32, #tpu.memory_space<vmem>> -> memref<16x64xf32, #tpu.memory_space<vmem>>
    %dma_wait3A_602 = arith.constant 0 : i32
    %dma_wait3A_603 = arith.constant 0 : i32
    %dma_wait3A_604 = tpu.memref_slice %arg3[%dma_wait3A_602, %dma_wait3A_603] : memref<1000000x64xf32, #tpu.memory_space<hbm>> -> memref<1000000x64xf32, #tpu.memory_space<hbm>>
    tpu.wait_indirect_dma semaphore(%arg8 : memref<!tpu.dma_semaphore, #tpu.memory_space<semaphore_mem>>) src(%dma_wait3A_604 : memref<1000000x64xf32, #tpu.memory_space<hbm>>) dst(%dma_wait3A_601 : memref<16x64xf32, #tpu.memory_space<vmem>>)
    %get3A_605 = arith.constant 197 : i32
    %get3A_606 = arith.index_cast %get3A_605 : i32 to index
    %get3A_607 = arith.constant 80 : index
    %get3A_608 = tpu.vector_load %arg5[%get3A_606, %get3A_607] {strides = array<i32>} : memref<200x128xi32, #tpu.memory_space<vmem>>, vector<1x16xi32>,
    %get3A_609 = vector.shape_cast %get3A_608 : vector<1x16xi32> to vector<16xi32>
    %dma_wait3A_610 = arith.constant 1 : i32
    %dma_wait3A_611 = arith.constant 80 : i32
    %dma_wait3A_612 = arith.constant 0 : i32
    %dma_wait3A_613 = tpu.memref_slice %arg6[%dma_wait3A_610, %dma_wait3A_611, %dma_wait3A_612] : memref<4x128x64xf32, #tpu.memory_space<vmem>> -> memref<1x16x64xf32, #tpu.memory_space<vmem>>
    %dma_wait3A_614 = tpu.memref_squeeze %dma_wait3A_613 : memref<1x16x64xf32, #tpu.memory_space<vmem>> -> memref<16x64xf32, #tpu.memory_space<vmem>>
    %dma_wait3A_615 = arith.constant 0 : i32
    %dma_wait3A_616 = arith.constant 0 : i32
    %dma_wait3A_617 = tpu.memref_slice %arg3[%dma_wait3A_615, %dma_wait3A_616] : memref<1000000x64xf32, #tpu.memory_space<hbm>> -> memref<1000000x64xf32, #tpu.memory_space<hbm>>
    tpu.wait_indirect_dma semaphore(%arg8 : memref<!tpu.dma_semaphore, #tpu.memory_space<semaphore_mem>>) src(%dma_wait3A_617 : memref<1000000x64xf32, #tpu.memory_space<hbm>>) dst(%dma_wait3A_614 : memref<16x64xf32, #tpu.memory_space<vmem>>)
    %get3A_618 = arith.constant 197 : i32
    %get3A_619 = arith.index_cast %get3A_618 : i32 to index
    %get3A_620 = arith.constant 96 : index
    %get3A_621 = tpu.vector_load %arg5[%get3A_619, %get3A_620] {strides = array<i32>} : memref<200x128xi32, #tpu.memory_space<vmem>>, vector<1x16xi32>,
    %get3A_622 = vector.shape_cast %get3A_621 : vector<1x16xi32> to vector<16xi32>
    %dma_wait3A_623 = arith.constant 1 : i32
    %dma_wait3A_624 = arith.constant 96 : i32
    %dma_wait3A_625 = arith.constant 0 : i32
    %dma_wait3A_626 = tpu.memref_slice %arg6[%dma_wait3A_623, %dma_wait3A_624, %dma_wait3A_625] : memref<4x128x64xf32, #tpu.memory_space<vmem>> -> memref<1x16x64xf32, #tpu.memory_space<vmem>>
    %dma_wait3A_627 = tpu.memref_squeeze %dma_wait3A_626 : memref<1x16x64xf32, #tpu.memory_space<vmem>> -> memref<16x64xf32, #tpu.memory_space<vmem>>
    %dma_wait3A_628 = arith.constant 0 : i32
    %dma_wait3A_629 = arith.constant 0 : i32
    %dma_wait3A_630 = tpu.memref_slice %arg3[%dma_wait3A_628, %dma_wait3A_629] : memref<1000000x64xf32, #tpu.memory_space<hbm>> -> memref<1000000x64xf32, #tpu.memory_space<hbm>>
    tpu.wait_indirect_dma semaphore(%arg8 : memref<!tpu.dma_semaphore, #tpu.memory_space<semaphore_mem>>) src(%dma_wait3A_630 : memref<1000000x64xf32, #tpu.memory_space<hbm>>) dst(%dma_wait3A_627 : memref<16x64xf32, #tpu.memory_space<vmem>>)
    %get3A_631 = arith.constant 197 : i32
    %get3A_632 = arith.index_cast %get3A_631 : i32 to index
    %get3A_633 = arith.constant 112 : index
    %get3A_634 = tpu.vector_load %arg5[%get3A_632, %get3A_633] {strides = array<i32>} : memref<200x128xi32, #tpu.memory_space<vmem>>, vector<1x16xi32>,
    %get3A_635 = vector.shape_cast %get3A_634 : vector<1x16xi32> to vector<16xi32>
    %dma_wait3A_636 = arith.constant 1 : i32
    %dma_wait3A_637 = arith.constant 112 : i32
    %dma_wait3A_638 = arith.constant 0 : i32
    %dma_wait3A_639 = tpu.memref_slice %arg6[%dma_wait3A_636, %dma_wait3A_637, %dma_wait3A_638] : memref<4x128x64xf32, #tpu.memory_space<vmem>> -> memref<1x16x64xf32, #tpu.memory_space<vmem>>
    %dma_wait3A_640 = tpu.memref_squeeze %dma_wait3A_639 : memref<1x16x64xf32, #tpu.memory_space<vmem>> -> memref<16x64xf32, #tpu.memory_space<vmem>>
    %dma_wait3A_641 = arith.constant 0 : i32
    %dma_wait3A_642 = arith.constant 0 : i32
    %dma_wait3A_643 = tpu.memref_slice %arg3[%dma_wait3A_641, %dma_wait3A_642] : memref<1000000x64xf32, #tpu.memory_space<hbm>> -> memref<1000000x64xf32, #tpu.memory_space<hbm>>
    tpu.wait_indirect_dma semaphore(%arg8 : memref<!tpu.dma_semaphore, #tpu.memory_space<semaphore_mem>>) src(%dma_wait3A_643 : memref<1000000x64xf32, #tpu.memory_space<hbm>>) dst(%dma_wait3A_640 : memref<16x64xf32, #tpu.memory_space<vmem>>)
    %add3A_644 = arith.constant 25216 : i32
    %add3A_645 = arith.addi %mul3A_2, %add3A_644 : i32
    %dma_start3A_646 = arith.constant 1 : i32
    %dma_start3A_647 = arith.constant 0 : i32
    %dma_start3A_648 = arith.constant 0 : i32
    %dma_start3A_649 = tpu.memref_slice %arg6[%dma_start3A_646, %dma_start3A_647, %dma_start3A_648] : memref<4x128x64xf32, #tpu.memory_space<vmem>> -> memref<1x128x64xf32, #tpu.memory_space<vmem>>
    %dma_start3A_650 = tpu.memref_squeeze %dma_start3A_649 : memref<1x128x64xf32, #tpu.memory_space<vmem>> -> memref<128x64xf32, #tpu.memory_space<vmem>>
    %dma_start3A_651 = arith.constant 0 : i32
    %dma_start3A_652 = tpu.memref_slice %arg4[%add3A_645, %dma_start3A_651] : memref<819200x64xf32, #tpu.memory_space<hbm>> -> memref<128x64xf32, #tpu.memory_space<hbm>>
    %dma_start3A_653 = arith.constant 0 : i32
    %dma_start3A_654 = tpu.memref_slice %arg4[%add3A_645, %dma_start3A_653] : memref<819200x64xf32, #tpu.memory_space<hbm>> -> memref<128x64xf32, #tpu.memory_space<hbm>>
    %dma_start3A_655 = arith.constant 0 : i32
    %dma_start3A_656 = arith.constant 0 : i32
    %dma_start3A_657 = tpu.memref_slice %arg6[%dma_start3A_646, %dma_start3A_655, %dma_start3A_656] : memref<4x128x64xf32, #tpu.memory_space<vmem>> -> memref<1x128x64xf32, #tpu.memory_space<vmem>>
    %dma_start3A_658 = tpu.memref_squeeze %dma_start3A_657 : memref<1x128x64xf32, #tpu.memory_space<vmem>> -> memref<128x64xf32, #tpu.memory_space<vmem>>
    tpu.enqueue_dma source(%dma_start3A_658 : memref<128x64xf32, #tpu.memory_space<vmem>>) target(%dma_start3A_654 : memref<128x64xf32, #tpu.memory_space<hbm>>) target_semaphore(%arg12 : memref<!tpu.dma_semaphore, #tpu.memory_space<semaphore_mem>>)
    %get3A_659 = arith.constant 198 : i32
    %get3A_660 = arith.index_cast %get3A_659 : i32 to index
    %get3A_661 = arith.constant 0 : index
    %get3A_662 = tpu.vector_load %arg5[%get3A_660, %get3A_661] {strides = array<i32>} : memref<200x128xi32, #tpu.memory_space<vmem>>, vector<1x16xi32>,
    %get3A_663 = vector.shape_cast %get3A_662 : vector<1x16xi32> to vector<16xi32>
    %dma_wait3A_664 = arith.constant 2 : i32
    %dma_wait3A_665 = arith.constant 0 : i32
    %dma_wait3A_666 = arith.constant 0 : i32
    %dma_wait3A_667 = tpu.memref_slice %arg6[%dma_wait3A_664, %dma_wait3A_665, %dma_wait3A_666] : memref<4x128x64xf32, #tpu.memory_space<vmem>> -> memref<1x16x64xf32, #tpu.memory_space<vmem>>
    %dma_wait3A_668 = tpu.memref_squeeze %dma_wait3A_667 : memref<1x16x64xf32, #tpu.memory_space<vmem>> -> memref<16x64xf32, #tpu.memory_space<vmem>>
    %dma_wait3A_669 = arith.constant 0 : i32
    %dma_wait3A_670 = arith.constant 0 : i32
    %dma_wait3A_671 = tpu.memref_slice %arg3[%dma_wait3A_669, %dma_wait3A_670] : memref<1000000x64xf32, #tpu.memory_space<hbm>> -> memref<1000000x64xf32, #tpu.memory_space<hbm>>
    tpu.wait_indirect_dma semaphore(%arg9 : memref<!tpu.dma_semaphore, #tpu.memory_space<semaphore_mem>>) src(%dma_wait3A_671 : memref<1000000x64xf32, #tpu.memory_space<hbm>>) dst(%dma_wait3A_668 : memref<16x64xf32, #tpu.memory_space<vmem>>)
    %get3A_672 = arith.constant 198 : i32
    %get3A_673 = arith.index_cast %get3A_672 : i32 to index
    %get3A_674 = arith.constant 16 : index
    %get3A_675 = tpu.vector_load %arg5[%get3A_673, %get3A_674] {strides = array<i32>} : memref<200x128xi32, #tpu.memory_space<vmem>>, vector<1x16xi32>,
    %get3A_676 = vector.shape_cast %get3A_675 : vector<1x16xi32> to vector<16xi32>
    %dma_wait3A_677 = arith.constant 2 : i32
    %dma_wait3A_678 = arith.constant 16 : i32
    %dma_wait3A_679 = arith.constant 0 : i32
    %dma_wait3A_680 = tpu.memref_slice %arg6[%dma_wait3A_677, %dma_wait3A_678, %dma_wait3A_679] : memref<4x128x64xf32, #tpu.memory_space<vmem>> -> memref<1x16x64xf32, #tpu.memory_space<vmem>>
    %dma_wait3A_681 = tpu.memref_squeeze %dma_wait3A_680 : memref<1x16x64xf32, #tpu.memory_space<vmem>> -> memref<16x64xf32, #tpu.memory_space<vmem>>
    %dma_wait3A_682 = arith.constant 0 : i32
    %dma_wait3A_683 = arith.constant 0 : i32
    %dma_wait3A_684 = tpu.memref_slice %arg3[%dma_wait3A_682, %dma_wait3A_683] : memref<1000000x64xf32, #tpu.memory_space<hbm>> -> memref<1000000x64xf32, #tpu.memory_space<hbm>>
    tpu.wait_indirect_dma semaphore(%arg9 : memref<!tpu.dma_semaphore, #tpu.memory_space<semaphore_mem>>) src(%dma_wait3A_684 : memref<1000000x64xf32, #tpu.memory_space<hbm>>) dst(%dma_wait3A_681 : memref<16x64xf32, #tpu.memory_space<vmem>>)
    %get3A_685 = arith.constant 198 : i32
    %get3A_686 = arith.index_cast %get3A_685 : i32 to index
    %get3A_687 = arith.constant 32 : index
    %get3A_688 = tpu.vector_load %arg5[%get3A_686, %get3A_687] {strides = array<i32>} : memref<200x128xi32, #tpu.memory_space<vmem>>, vector<1x16xi32>,
    %get3A_689 = vector.shape_cast %get3A_688 : vector<1x16xi32> to vector<16xi32>
    %dma_wait3A_690 = arith.constant 2 : i32
    %dma_wait3A_691 = arith.constant 32 : i32
    %dma_wait3A_692 = arith.constant 0 : i32
    %dma_wait3A_693 = tpu.memref_slice %arg6[%dma_wait3A_690, %dma_wait3A_691, %dma_wait3A_692] : memref<4x128x64xf32, #tpu.memory_space<vmem>> -> memref<1x16x64xf32, #tpu.memory_space<vmem>>
    %dma_wait3A_694 = tpu.memref_squeeze %dma_wait3A_693 : memref<1x16x64xf32, #tpu.memory_space<vmem>> -> memref<16x64xf32, #tpu.memory_space<vmem>>
    %dma_wait3A_695 = arith.constant 0 : i32
    %dma_wait3A_696 = arith.constant 0 : i32
    %dma_wait3A_697 = tpu.memref_slice %arg3[%dma_wait3A_695, %dma_wait3A_696] : memref<1000000x64xf32, #tpu.memory_space<hbm>> -> memref<1000000x64xf32, #tpu.memory_space<hbm>>
    tpu.wait_indirect_dma semaphore(%arg9 : memref<!tpu.dma_semaphore, #tpu.memory_space<semaphore_mem>>) src(%dma_wait3A_697 : memref<1000000x64xf32, #tpu.memory_space<hbm>>) dst(%dma_wait3A_694 : memref<16x64xf32, #tpu.memory_space<vmem>>)
    %get3A_698 = arith.constant 198 : i32
    %get3A_699 = arith.index_cast %get3A_698 : i32 to index
    %get3A_700 = arith.constant 48 : index
    %get3A_701 = tpu.vector_load %arg5[%get3A_699, %get3A_700] {strides = array<i32>} : memref<200x128xi32, #tpu.memory_space<vmem>>, vector<1x16xi32>,
    %get3A_702 = vector.shape_cast %get3A_701 : vector<1x16xi32> to vector<16xi32>
    %dma_wait3A_703 = arith.constant 2 : i32
    %dma_wait3A_704 = arith.constant 48 : i32
    %dma_wait3A_705 = arith.constant 0 : i32
    %dma_wait3A_706 = tpu.memref_slice %arg6[%dma_wait3A_703, %dma_wait3A_704, %dma_wait3A_705] : memref<4x128x64xf32, #tpu.memory_space<vmem>> -> memref<1x16x64xf32, #tpu.memory_space<vmem>>
    %dma_wait3A_707 = tpu.memref_squeeze %dma_wait3A_706 : memref<1x16x64xf32, #tpu.memory_space<vmem>> -> memref<16x64xf32, #tpu.memory_space<vmem>>
    %dma_wait3A_708 = arith.constant 0 : i32
    %dma_wait3A_709 = arith.constant 0 : i32
    %dma_wait3A_710 = tpu.memref_slice %arg3[%dma_wait3A_708, %dma_wait3A_709] : memref<1000000x64xf32, #tpu.memory_space<hbm>> -> memref<1000000x64xf32, #tpu.memory_space<hbm>>
    tpu.wait_indirect_dma semaphore(%arg9 : memref<!tpu.dma_semaphore, #tpu.memory_space<semaphore_mem>>) src(%dma_wait3A_710 : memref<1000000x64xf32, #tpu.memory_space<hbm>>) dst(%dma_wait3A_707 : memref<16x64xf32, #tpu.memory_space<vmem>>)
    %get3A_711 = arith.constant 198 : i32
    %get3A_712 = arith.index_cast %get3A_711 : i32 to index
    %get3A_713 = arith.constant 64 : index
    %get3A_714 = tpu.vector_load %arg5[%get3A_712, %get3A_713] {strides = array<i32>} : memref<200x128xi32, #tpu.memory_space<vmem>>, vector<1x16xi32>,
    %get3A_715 = vector.shape_cast %get3A_714 : vector<1x16xi32> to vector<16xi32>
    %dma_wait3A_716 = arith.constant 2 : i32
    %dma_wait3A_717 = arith.constant 64 : i32
    %dma_wait3A_718 = arith.constant 0 : i32
    %dma_wait3A_719 = tpu.memref_slice %arg6[%dma_wait3A_716, %dma_wait3A_717, %dma_wait3A_718] : memref<4x128x64xf32, #tpu.memory_space<vmem>> -> memref<1x16x64xf32, #tpu.memory_space<vmem>>
    %dma_wait3A_720 = tpu.memref_squeeze %dma_wait3A_719 : memref<1x16x64xf32, #tpu.memory_space<vmem>> -> memref<16x64xf32, #tpu.memory_space<vmem>>
    %dma_wait3A_721 = arith.constant 0 : i32
    %dma_wait3A_722 = arith.constant 0 : i32
    %dma_wait3A_723 = tpu.memref_slice %arg3[%dma_wait3A_721, %dma_wait3A_722] : memref<1000000x64xf32, #tpu.memory_space<hbm>> -> memref<1000000x64xf32, #tpu.memory_space<hbm>>
    tpu.wait_indirect_dma semaphore(%arg9 : memref<!tpu.dma_semaphore, #tpu.memory_space<semaphore_mem>>) src(%dma_wait3A_723 : memref<1000000x64xf32, #tpu.memory_space<hbm>>) dst(%dma_wait3A_720 : memref<16x64xf32, #tpu.memory_space<vmem>>)
    %get3A_724 = arith.constant 198 : i32
    %get3A_725 = arith.index_cast %get3A_724 : i32 to index
    %get3A_726 = arith.constant 80 : index
    %get3A_727 = tpu.vector_load %arg5[%get3A_725, %get3A_726] {strides = array<i32>} : memref<200x128xi32, #tpu.memory_space<vmem>>, vector<1x16xi32>,
    %get3A_728 = vector.shape_cast %get3A_727 : vector<1x16xi32> to vector<16xi32>
    %dma_wait3A_729 = arith.constant 2 : i32
    %dma_wait3A_730 = arith.constant 80 : i32
    %dma_wait3A_731 = arith.constant 0 : i32
    %dma_wait3A_732 = tpu.memref_slice %arg6[%dma_wait3A_729, %dma_wait3A_730, %dma_wait3A_731] : memref<4x128x64xf32, #tpu.memory_space<vmem>> -> memref<1x16x64xf32, #tpu.memory_space<vmem>>
    %dma_wait3A_733 = tpu.memref_squeeze %dma_wait3A_732 : memref<1x16x64xf32, #tpu.memory_space<vmem>> -> memref<16x64xf32, #tpu.memory_space<vmem>>
    %dma_wait3A_734 = arith.constant 0 : i32
    %dma_wait3A_735 = arith.constant 0 : i32
    %dma_wait3A_736 = tpu.memref_slice %arg3[%dma_wait3A_734, %dma_wait3A_735] : memref<1000000x64xf32, #tpu.memory_space<hbm>> -> memref<1000000x64xf32, #tpu.memory_space<hbm>>
    tpu.wait_indirect_dma semaphore(%arg9 : memref<!tpu.dma_semaphore, #tpu.memory_space<semaphore_mem>>) src(%dma_wait3A_736 : memref<1000000x64xf32, #tpu.memory_space<hbm>>) dst(%dma_wait3A_733 : memref<16x64xf32, #tpu.memory_space<vmem>>)
    %get3A_737 = arith.constant 198 : i32
    %get3A_738 = arith.index_cast %get3A_737 : i32 to index
    %get3A_739 = arith.constant 96 : index
    %get3A_740 = tpu.vector_load %arg5[%get3A_738, %get3A_739] {strides = array<i32>} : memref<200x128xi32, #tpu.memory_space<vmem>>, vector<1x16xi32>,
    %get3A_741 = vector.shape_cast %get3A_740 : vector<1x16xi32> to vector<16xi32>
    %dma_wait3A_742 = arith.constant 2 : i32
    %dma_wait3A_743 = arith.constant 96 : i32
    %dma_wait3A_744 = arith.constant 0 : i32
    %dma_wait3A_745 = tpu.memref_slice %arg6[%dma_wait3A_742, %dma_wait3A_743, %dma_wait3A_744] : memref<4x128x64xf32, #tpu.memory_space<vmem>> -> memref<1x16x64xf32, #tpu.memory_space<vmem>>
    %dma_wait3A_746 = tpu.memref_squeeze %dma_wait3A_745 : memref<1x16x64xf32, #tpu.memory_space<vmem>> -> memref<16x64xf32, #tpu.memory_space<vmem>>
    %dma_wait3A_747 = arith.constant 0 : i32
    %dma_wait3A_748 = arith.constant 0 : i32
    %dma_wait3A_749 = tpu.memref_slice %arg3[%dma_wait3A_747, %dma_wait3A_748] : memref<1000000x64xf32, #tpu.memory_space<hbm>> -> memref<1000000x64xf32, #tpu.memory_space<hbm>>
    tpu.wait_indirect_dma semaphore(%arg9 : memref<!tpu.dma_semaphore, #tpu.memory_space<semaphore_mem>>) src(%dma_wait3A_749 : memref<1000000x64xf32, #tpu.memory_space<hbm>>) dst(%dma_wait3A_746 : memref<16x64xf32, #tpu.memory_space<vmem>>)
    %get3A_750 = arith.constant 198 : i32
    %get3A_751 = arith.index_cast %get3A_750 : i32 to index
    %get3A_752 = arith.constant 112 : index
    %get3A_753 = tpu.vector_load %arg5[%get3A_751, %get3A_752] {strides = array<i32>} : memref<200x128xi32, #tpu.memory_space<vmem>>, vector<1x16xi32>,
    %get3A_754 = vector.shape_cast %get3A_753 : vector<1x16xi32> to vector<16xi32>
    %dma_wait3A_755 = arith.constant 2 : i32
    %dma_wait3A_756 = arith.constant 112 : i32
    %dma_wait3A_757 = arith.constant 0 : i32
    %dma_wait3A_758 = tpu.memref_slice %arg6[%dma_wait3A_755, %dma_wait3A_756, %dma_wait3A_757] : memref<4x128x64xf32, #tpu.memory_space<vmem>> -> memref<1x16x64xf32, #tpu.memory_space<vmem>>
    %dma_wait3A_759 = tpu.memref_squeeze %dma_wait3A_758 : memref<1x16x64xf32, #tpu.memory_space<vmem>> -> memref<16x64xf32, #tpu.memory_space<vmem>>
    %dma_wait3A_760 = arith.constant 0 : i32
    %dma_wait3A_761 = arith.constant 0 : i32
    %dma_wait3A_762 = tpu.memref_slice %arg3[%dma_wait3A_760, %dma_wait3A_761] : memref<1000000x64xf32, #tpu.memory_space<hbm>> -> memref<1000000x64xf32, #tpu.memory_space<hbm>>
    tpu.wait_indirect_dma semaphore(%arg9 : memref<!tpu.dma_semaphore, #tpu.memory_space<semaphore_mem>>) src(%dma_wait3A_762 : memref<1000000x64xf32, #tpu.memory_space<hbm>>) dst(%dma_wait3A_759 : memref<16x64xf32, #tpu.memory_space<vmem>>)
    %add3A_763 = arith.constant 25344 : i32
    %add3A_764 = arith.addi %mul3A_2, %add3A_763 : i32
    %dma_start3A_765 = arith.constant 2 : i32
    %dma_start3A_766 = arith.constant 0 : i32
    %dma_start3A_767 = arith.constant 0 : i32
    %dma_start3A_768 = tpu.memref_slice %arg6[%dma_start3A_765, %dma_start3A_766, %dma_start3A_767] : memref<4x128x64xf32, #tpu.memory_space<vmem>> -> memref<1x128x64xf32, #tpu.memory_space<vmem>>
    %dma_start3A_769 = tpu.memref_squeeze %dma_start3A_768 : memref<1x128x64xf32, #tpu.memory_space<vmem>> -> memref<128x64xf32, #tpu.memory_space<vmem>>
    %dma_start3A_770 = arith.constant 0 : i32
    %dma_start3A_771 = tpu.memref_slice %arg4[%add3A_764, %dma_start3A_770] : memref<819200x64xf32, #tpu.memory_space<hbm>> -> memref<128x64xf32, #tpu.memory_space<hbm>>
    %dma_start3A_772 = arith.constant 0 : i32
    %dma_start3A_773 = tpu.memref_slice %arg4[%add3A_764, %dma_start3A_772] : memref<819200x64xf32, #tpu.memory_space<hbm>> -> memref<128x64xf32, #tpu.memory_space<hbm>>
    %dma_start3A_774 = arith.constant 0 : i32
    %dma_start3A_775 = arith.constant 0 : i32
    %dma_start3A_776 = tpu.memref_slice %arg6[%dma_start3A_765, %dma_start3A_774, %dma_start3A_775] : memref<4x128x64xf32, #tpu.memory_space<vmem>> -> memref<1x128x64xf32, #tpu.memory_space<vmem>>
    %dma_start3A_777 = tpu.memref_squeeze %dma_start3A_776 : memref<1x128x64xf32, #tpu.memory_space<vmem>> -> memref<128x64xf32, #tpu.memory_space<vmem>>
    tpu.enqueue_dma source(%dma_start3A_777 : memref<128x64xf32, #tpu.memory_space<vmem>>) target(%dma_start3A_773 : memref<128x64xf32, #tpu.memory_space<hbm>>) target_semaphore(%arg13 : memref<!tpu.dma_semaphore, #tpu.memory_space<semaphore_mem>>)
    %get3A_778 = arith.constant 199 : i32
    %get3A_779 = arith.index_cast %get3A_778 : i32 to index
    %get3A_780 = arith.constant 0 : index
    %get3A_781 = tpu.vector_load %arg5[%get3A_779, %get3A_780] {strides = array<i32>} : memref<200x128xi32, #tpu.memory_space<vmem>>, vector<1x16xi32>,
    %get3A_782 = vector.shape_cast %get3A_781 : vector<1x16xi32> to vector<16xi32>
    %dma_wait3A_783 = arith.constant 3 : i32
    %dma_wait3A_784 = arith.constant 0 : i32
    %dma_wait3A_785 = arith.constant 0 : i32
    %dma_wait3A_786 = tpu.memref_slice %arg6[%dma_wait3A_783, %dma_wait3A_784, %dma_wait3A_785] : memref<4x128x64xf32, #tpu.memory_space<vmem>> -> memref<1x16x64xf32, #tpu.memory_space<vmem>>
    %dma_wait3A_787 = tpu.memref_squeeze %dma_wait3A_786 : memref<1x16x64xf32, #tpu.memory_space<vmem>> -> memref<16x64xf32, #tpu.memory_space<vmem>>
    %dma_wait3A_788 = arith.constant 0 : i32
    %dma_wait3A_789 = arith.constant 0 : i32
    %dma_wait3A_790 = tpu.memref_slice %arg3[%dma_wait3A_788, %dma_wait3A_789] : memref<1000000x64xf32, #tpu.memory_space<hbm>> -> memref<1000000x64xf32, #tpu.memory_space<hbm>>
    tpu.wait_indirect_dma semaphore(%arg10 : memref<!tpu.dma_semaphore, #tpu.memory_space<semaphore_mem>>) src(%dma_wait3A_790 : memref<1000000x64xf32, #tpu.memory_space<hbm>>) dst(%dma_wait3A_787 : memref<16x64xf32, #tpu.memory_space<vmem>>)
    %get3A_791 = arith.constant 199 : i32
    %get3A_792 = arith.index_cast %get3A_791 : i32 to index
    %get3A_793 = arith.constant 16 : index
    %get3A_794 = tpu.vector_load %arg5[%get3A_792, %get3A_793] {strides = array<i32>} : memref<200x128xi32, #tpu.memory_space<vmem>>, vector<1x16xi32>,
    %get3A_795 = vector.shape_cast %get3A_794 : vector<1x16xi32> to vector<16xi32>
    %dma_wait3A_796 = arith.constant 3 : i32
    %dma_wait3A_797 = arith.constant 16 : i32
    %dma_wait3A_798 = arith.constant 0 : i32
    %dma_wait3A_799 = tpu.memref_slice %arg6[%dma_wait3A_796, %dma_wait3A_797, %dma_wait3A_798] : memref<4x128x64xf32, #tpu.memory_space<vmem>> -> memref<1x16x64xf32, #tpu.memory_space<vmem>>
    %dma_wait3A_800 = tpu.memref_squeeze %dma_wait3A_799 : memref<1x16x64xf32, #tpu.memory_space<vmem>> -> memref<16x64xf32, #tpu.memory_space<vmem>>
    %dma_wait3A_801 = arith.constant 0 : i32
    %dma_wait3A_802 = arith.constant 0 : i32
    %dma_wait3A_803 = tpu.memref_slice %arg3[%dma_wait3A_801, %dma_wait3A_802] : memref<1000000x64xf32, #tpu.memory_space<hbm>> -> memref<1000000x64xf32, #tpu.memory_space<hbm>>
    tpu.wait_indirect_dma semaphore(%arg10 : memref<!tpu.dma_semaphore, #tpu.memory_space<semaphore_mem>>) src(%dma_wait3A_803 : memref<1000000x64xf32, #tpu.memory_space<hbm>>) dst(%dma_wait3A_800 : memref<16x64xf32, #tpu.memory_space<vmem>>)
    %get3A_804 = arith.constant 199 : i32
    %get3A_805 = arith.index_cast %get3A_804 : i32 to index
    %get3A_806 = arith.constant 32 : index
    %get3A_807 = tpu.vector_load %arg5[%get3A_805, %get3A_806] {strides = array<i32>} : memref<200x128xi32, #tpu.memory_space<vmem>>, vector<1x16xi32>,
    %get3A_808 = vector.shape_cast %get3A_807 : vector<1x16xi32> to vector<16xi32>
    %dma_wait3A_809 = arith.constant 3 : i32
    %dma_wait3A_810 = arith.constant 32 : i32
    %dma_wait3A_811 = arith.constant 0 : i32
    %dma_wait3A_812 = tpu.memref_slice %arg6[%dma_wait3A_809, %dma_wait3A_810, %dma_wait3A_811] : memref<4x128x64xf32, #tpu.memory_space<vmem>> -> memref<1x16x64xf32, #tpu.memory_space<vmem>>
    %dma_wait3A_813 = tpu.memref_squeeze %dma_wait3A_812 : memref<1x16x64xf32, #tpu.memory_space<vmem>> -> memref<16x64xf32, #tpu.memory_space<vmem>>
    %dma_wait3A_814 = arith.constant 0 : i32
    %dma_wait3A_815 = arith.constant 0 : i32
    %dma_wait3A_816 = tpu.memref_slice %arg3[%dma_wait3A_814, %dma_wait3A_815] : memref<1000000x64xf32, #tpu.memory_space<hbm>> -> memref<1000000x64xf32, #tpu.memory_space<hbm>>
    tpu.wait_indirect_dma semaphore(%arg10 : memref<!tpu.dma_semaphore, #tpu.memory_space<semaphore_mem>>) src(%dma_wait3A_816 : memref<1000000x64xf32, #tpu.memory_space<hbm>>) dst(%dma_wait3A_813 : memref<16x64xf32, #tpu.memory_space<vmem>>)
    %get3A_817 = arith.constant 199 : i32
    %get3A_818 = arith.index_cast %get3A_817 : i32 to index
    %get3A_819 = arith.constant 48 : index
    %get3A_820 = tpu.vector_load %arg5[%get3A_818, %get3A_819] {strides = array<i32>} : memref<200x128xi32, #tpu.memory_space<vmem>>, vector<1x16xi32>,
    %get3A_821 = vector.shape_cast %get3A_820 : vector<1x16xi32> to vector<16xi32>
    %dma_wait3A_822 = arith.constant 3 : i32
    %dma_wait3A_823 = arith.constant 48 : i32
    %dma_wait3A_824 = arith.constant 0 : i32
    %dma_wait3A_825 = tpu.memref_slice %arg6[%dma_wait3A_822, %dma_wait3A_823, %dma_wait3A_824] : memref<4x128x64xf32, #tpu.memory_space<vmem>> -> memref<1x16x64xf32, #tpu.memory_space<vmem>>
    %dma_wait3A_826 = tpu.memref_squeeze %dma_wait3A_825 : memref<1x16x64xf32, #tpu.memory_space<vmem>> -> memref<16x64xf32, #tpu.memory_space<vmem>>
    %dma_wait3A_827 = arith.constant 0 : i32
    %dma_wait3A_828 = arith.constant 0 : i32
    %dma_wait3A_829 = tpu.memref_slice %arg3[%dma_wait3A_827, %dma_wait3A_828] : memref<1000000x64xf32, #tpu.memory_space<hbm>> -> memref<1000000x64xf32, #tpu.memory_space<hbm>>
    tpu.wait_indirect_dma semaphore(%arg10 : memref<!tpu.dma_semaphore, #tpu.memory_space<semaphore_mem>>) src(%dma_wait3A_829 : memref<1000000x64xf32, #tpu.memory_space<hbm>>) dst(%dma_wait3A_826 : memref<16x64xf32, #tpu.memory_space<vmem>>)
    %get3A_830 = arith.constant 199 : i32
    %get3A_831 = arith.index_cast %get3A_830 : i32 to index
    %get3A_832 = arith.constant 64 : index
    %get3A_833 = tpu.vector_load %arg5[%get3A_831, %get3A_832] {strides = array<i32>} : memref<200x128xi32, #tpu.memory_space<vmem>>, vector<1x16xi32>,
    %get3A_834 = vector.shape_cast %get3A_833 : vector<1x16xi32> to vector<16xi32>
    %dma_wait3A_835 = arith.constant 3 : i32
    %dma_wait3A_836 = arith.constant 64 : i32
    %dma_wait3A_837 = arith.constant 0 : i32
    %dma_wait3A_838 = tpu.memref_slice %arg6[%dma_wait3A_835, %dma_wait3A_836, %dma_wait3A_837] : memref<4x128x64xf32, #tpu.memory_space<vmem>> -> memref<1x16x64xf32, #tpu.memory_space<vmem>>
    %dma_wait3A_839 = tpu.memref_squeeze %dma_wait3A_838 : memref<1x16x64xf32, #tpu.memory_space<vmem>> -> memref<16x64xf32, #tpu.memory_space<vmem>>
    %dma_wait3A_840 = arith.constant 0 : i32
    %dma_wait3A_841 = arith.constant 0 : i32
    %dma_wait3A_842 = tpu.memref_slice %arg3[%dma_wait3A_840, %dma_wait3A_841] : memref<1000000x64xf32, #tpu.memory_space<hbm>> -> memref<1000000x64xf32, #tpu.memory_space<hbm>>
    tpu.wait_indirect_dma semaphore(%arg10 : memref<!tpu.dma_semaphore, #tpu.memory_space<semaphore_mem>>) src(%dma_wait3A_842 : memref<1000000x64xf32, #tpu.memory_space<hbm>>) dst(%dma_wait3A_839 : memref<16x64xf32, #tpu.memory_space<vmem>>)
    %get3A_843 = arith.constant 199 : i32
    %get3A_844 = arith.index_cast %get3A_843 : i32 to index
    %get3A_845 = arith.constant 80 : index
    %get3A_846 = tpu.vector_load %arg5[%get3A_844, %get3A_845] {strides = array<i32>} : memref<200x128xi32, #tpu.memory_space<vmem>>, vector<1x16xi32>,
    %get3A_847 = vector.shape_cast %get3A_846 : vector<1x16xi32> to vector<16xi32>
    %dma_wait3A_848 = arith.constant 3 : i32
    %dma_wait3A_849 = arith.constant 80 : i32
    %dma_wait3A_850 = arith.constant 0 : i32
    %dma_wait3A_851 = tpu.memref_slice %arg6[%dma_wait3A_848, %dma_wait3A_849, %dma_wait3A_850] : memref<4x128x64xf32, #tpu.memory_space<vmem>> -> memref<1x16x64xf32, #tpu.memory_space<vmem>>
    %dma_wait3A_852 = tpu.memref_squeeze %dma_wait3A_851 : memref<1x16x64xf32, #tpu.memory_space<vmem>> -> memref<16x64xf32, #tpu.memory_space<vmem>>
    %dma_wait3A_853 = arith.constant 0 : i32
    %dma_wait3A_854 = arith.constant 0 : i32
    %dma_wait3A_855 = tpu.memref_slice %arg3[%dma_wait3A_853, %dma_wait3A_854] : memref<1000000x64xf32, #tpu.memory_space<hbm>> -> memref<1000000x64xf32, #tpu.memory_space<hbm>>
    tpu.wait_indirect_dma semaphore(%arg10 : memref<!tpu.dma_semaphore, #tpu.memory_space<semaphore_mem>>) src(%dma_wait3A_855 : memref<1000000x64xf32, #tpu.memory_space<hbm>>) dst(%dma_wait3A_852 : memref<16x64xf32, #tpu.memory_space<vmem>>)
    %get3A_856 = arith.constant 199 : i32
    %get3A_857 = arith.index_cast %get3A_856 : i32 to index
    %get3A_858 = arith.constant 96 : index
    %get3A_859 = tpu.vector_load %arg5[%get3A_857, %get3A_858] {strides = array<i32>} : memref<200x128xi32, #tpu.memory_space<vmem>>, vector<1x16xi32>,
    %get3A_860 = vector.shape_cast %get3A_859 : vector<1x16xi32> to vector<16xi32>
    %dma_wait3A_861 = arith.constant 3 : i32
    %dma_wait3A_862 = arith.constant 96 : i32
    %dma_wait3A_863 = arith.constant 0 : i32
    %dma_wait3A_864 = tpu.memref_slice %arg6[%dma_wait3A_861, %dma_wait3A_862, %dma_wait3A_863] : memref<4x128x64xf32, #tpu.memory_space<vmem>> -> memref<1x16x64xf32, #tpu.memory_space<vmem>>
    %dma_wait3A_865 = tpu.memref_squeeze %dma_wait3A_864 : memref<1x16x64xf32, #tpu.memory_space<vmem>> -> memref<16x64xf32, #tpu.memory_space<vmem>>
    %dma_wait3A_866 = arith.constant 0 : i32
    %dma_wait3A_867 = arith.constant 0 : i32
    %dma_wait3A_868 = tpu.memref_slice %arg3[%dma_wait3A_866, %dma_wait3A_867] : memref<1000000x64xf32, #tpu.memory_space<hbm>> -> memref<1000000x64xf32, #tpu.memory_space<hbm>>
    tpu.wait_indirect_dma semaphore(%arg10 : memref<!tpu.dma_semaphore, #tpu.memory_space<semaphore_mem>>) src(%dma_wait3A_868 : memref<1000000x64xf32, #tpu.memory_space<hbm>>) dst(%dma_wait3A_865 : memref<16x64xf32, #tpu.memory_space<vmem>>)
    %get3A_869 = arith.constant 199 : i32
    %get3A_870 = arith.index_cast %get3A_869 : i32 to index
    %get3A_871 = arith.constant 112 : index
    %get3A_872 = tpu.vector_load %arg5[%get3A_870, %get3A_871] {strides = array<i32>} : memref<200x128xi32, #tpu.memory_space<vmem>>, vector<1x16xi32>,
    %get3A_873 = vector.shape_cast %get3A_872 : vector<1x16xi32> to vector<16xi32>
    %dma_wait3A_874 = arith.constant 3 : i32
    %dma_wait3A_875 = arith.constant 112 : i32
    %dma_wait3A_876 = arith.constant 0 : i32
    %dma_wait3A_877 = tpu.memref_slice %arg6[%dma_wait3A_874, %dma_wait3A_875, %dma_wait3A_876] : memref<4x128x64xf32, #tpu.memory_space<vmem>> -> memref<1x16x64xf32, #tpu.memory_space<vmem>>
    %dma_wait3A_878 = tpu.memref_squeeze %dma_wait3A_877 : memref<1x16x64xf32, #tpu.memory_space<vmem>> -> memref<16x64xf32, #tpu.memory_space<vmem>>
    %dma_wait3A_879 = arith.constant 0 : i32
    %dma_wait3A_880 = arith.constant 0 : i32
    %dma_wait3A_881 = tpu.memref_slice %arg3[%dma_wait3A_879, %dma_wait3A_880] : memref<1000000x64xf32, #tpu.memory_space<hbm>> -> memref<1000000x64xf32, #tpu.memory_space<hbm>>
    tpu.wait_indirect_dma semaphore(%arg10 : memref<!tpu.dma_semaphore, #tpu.memory_space<semaphore_mem>>) src(%dma_wait3A_881 : memref<1000000x64xf32, #tpu.memory_space<hbm>>) dst(%dma_wait3A_878 : memref<16x64xf32, #tpu.memory_space<vmem>>)
    %add3A_882 = arith.constant 25472 : i32
    %add3A_883 = arith.addi %mul3A_2, %add3A_882 : i32
    %dma_start3A_884 = arith.constant 3 : i32
    %dma_start3A_885 = arith.constant 0 : i32
    %dma_start3A_886 = arith.constant 0 : i32
    %dma_start3A_887 = tpu.memref_slice %arg6[%dma_start3A_884, %dma_start3A_885, %dma_start3A_886] : memref<4x128x64xf32, #tpu.memory_space<vmem>> -> memref<1x128x64xf32, #tpu.memory_space<vmem>>
    %dma_start3A_888 = tpu.memref_squeeze %dma_start3A_887 : memref<1x128x64xf32, #tpu.memory_space<vmem>> -> memref<128x64xf32, #tpu.memory_space<vmem>>
    %dma_start3A_889 = arith.constant 0 : i32
    %dma_start3A_890 = tpu.memref_slice %arg4[%add3A_883, %dma_start3A_889] : memref<819200x64xf32, #tpu.memory_space<hbm>> -> memref<128x64xf32, #tpu.memory_space<hbm>>
    %dma_start3A_891 = arith.constant 0 : i32
    %dma_start3A_892 = tpu.memref_slice %arg4[%add3A_883, %dma_start3A_891] : memref<819200x64xf32, #tpu.memory_space<hbm>> -> memref<128x64xf32, #tpu.memory_space<hbm>>
    %dma_start3A_893 = arith.constant 0 : i32
    %dma_start3A_894 = arith.constant 0 : i32
    %dma_start3A_895 = tpu.memref_slice %arg6[%dma_start3A_884, %dma_start3A_893, %dma_start3A_894] : memref<4x128x64xf32, #tpu.memory_space<vmem>> -> memref<1x128x64xf32, #tpu.memory_space<vmem>>
    %dma_start3A_896 = tpu.memref_squeeze %dma_start3A_895 : memref<1x128x64xf32, #tpu.memory_space<vmem>> -> memref<128x64xf32, #tpu.memory_space<vmem>>
    tpu.enqueue_dma source(%dma_start3A_896 : memref<128x64xf32, #tpu.memory_space<vmem>>) target(%dma_start3A_892 : memref<128x64xf32, #tpu.memory_space<hbm>>) target_semaphore(%arg14 : memref<!tpu.dma_semaphore, #tpu.memory_space<semaphore_mem>>)
    %add3A_897 = arith.constant 25088 : i32
    %add3A_898 = arith.addi %mul3A_2, %add3A_897 : i32
    %dma_wait3A_899 = arith.constant 0 : i32
    %dma_wait3A_900 = arith.constant 0 : i32
    %dma_wait3A_901 = arith.constant 0 : i32
    %dma_wait3A_902 = tpu.memref_slice %arg6[%dma_wait3A_899, %dma_wait3A_900, %dma_wait3A_901] : memref<4x128x64xf32, #tpu.memory_space<vmem>> -> memref<1x128x64xf32, #tpu.memory_space<vmem>>
    %dma_wait3A_903 = tpu.memref_squeeze %dma_wait3A_902 : memref<1x128x64xf32, #tpu.memory_space<vmem>> -> memref<128x64xf32, #tpu.memory_space<vmem>>
    %dma_wait3A_904 = arith.constant 0 : i32
    %dma_wait3A_905 = tpu.memref_slice %arg4[%add3A_898, %dma_wait3A_904] : memref<819200x64xf32, #tpu.memory_space<hbm>> -> memref<128x64xf32, #tpu.memory_space<hbm>>
    %dma_wait3A_906 = arith.constant 0 : i32
    %dma_wait3A_907 = tpu.memref_slice %arg4[%add3A_898, %dma_wait3A_906] : memref<819200x64xf32, #tpu.memory_space<hbm>> -> memref<128x64xf32, #tpu.memory_space<hbm>>
    %dma_wait3A_908 = arith.constant 0 : i32
    %dma_wait3A_909 = arith.constant 0 : i32
    %dma_wait3A_910 = tpu.memref_slice %arg6[%dma_wait3A_899, %dma_wait3A_908, %dma_wait3A_909] : memref<4x128x64xf32, #tpu.memory_space<vmem>> -> memref<1x128x64xf32, #tpu.memory_space<vmem>>
    %dma_wait3A_911 = tpu.memref_squeeze %dma_wait3A_910 : memref<1x128x64xf32, #tpu.memory_space<vmem>> -> memref<128x64xf32, #tpu.memory_space<vmem>>
    tpu.wait_dma2 semaphore(%arg11 : memref<!tpu.dma_semaphore, #tpu.memory_space<semaphore_mem>>) src(%dma_wait3A_911 : memref<128x64xf32, #tpu.memory_space<vmem>>) dst(%dma_wait3A_907 : memref<128x64xf32, #tpu.memory_space<hbm>>)
    %add3A_912 = arith.constant 25216 : i32
    %add3A_913 = arith.addi %mul3A_2, %add3A_912 : i32
    %dma_wait3A_914 = arith.constant 1 : i32
    %dma_wait3A_915 = arith.constant 0 : i32
    %dma_wait3A_916 = arith.constant 0 : i32
    %dma_wait3A_917 = tpu.memref_slice %arg6[%dma_wait3A_914, %dma_wait3A_915, %dma_wait3A_916] : memref<4x128x64xf32, #tpu.memory_space<vmem>> -> memref<1x128x64xf32, #tpu.memory_space<vmem>>
    %dma_wait3A_918 = tpu.memref_squeeze %dma_wait3A_917 : memref<1x128x64xf32, #tpu.memory_space<vmem>> -> memref<128x64xf32, #tpu.memory_space<vmem>>
    %dma_wait3A_919 = arith.constant 0 : i32
    %dma_wait3A_920 = tpu.memref_slice %arg4[%add3A_913, %dma_wait3A_919] : memref<819200x64xf32, #tpu.memory_space<hbm>> -> memref<128x64xf32, #tpu.memory_space<hbm>>
    %dma_wait3A_921 = arith.constant 0 : i32
    %dma_wait3A_922 = tpu.memref_slice %arg4[%add3A_913, %dma_wait3A_921] : memref<819200x64xf32, #tpu.memory_space<hbm>> -> memref<128x64xf32, #tpu.memory_space<hbm>>
    %dma_wait3A_923 = arith.constant 0 : i32
    %dma_wait3A_924 = arith.constant 0 : i32
    %dma_wait3A_925 = tpu.memref_slice %arg6[%dma_wait3A_914, %dma_wait3A_923, %dma_wait3A_924] : memref<4x128x64xf32, #tpu.memory_space<vmem>> -> memref<1x128x64xf32, #tpu.memory_space<vmem>>
    %dma_wait3A_926 = tpu.memref_squeeze %dma_wait3A_925 : memref<1x128x64xf32, #tpu.memory_space<vmem>> -> memref<128x64xf32, #tpu.memory_space<vmem>>
    tpu.wait_dma2 semaphore(%arg12 : memref<!tpu.dma_semaphore, #tpu.memory_space<semaphore_mem>>) src(%dma_wait3A_926 : memref<128x64xf32, #tpu.memory_space<vmem>>) dst(%dma_wait3A_922 : memref<128x64xf32, #tpu.memory_space<hbm>>)
    %add3A_927 = arith.constant 25344 : i32
    %add3A_928 = arith.addi %mul3A_2, %add3A_927 : i32
    %dma_wait3A_929 = arith.constant 2 : i32
    %dma_wait3A_930 = arith.constant 0 : i32
    %dma_wait3A_931 = arith.constant 0 : i32
    %dma_wait3A_932 = tpu.memref_slice %arg6[%dma_wait3A_929, %dma_wait3A_930, %dma_wait3A_931] : memref<4x128x64xf32, #tpu.memory_space<vmem>> -> memref<1x128x64xf32, #tpu.memory_space<vmem>>
    %dma_wait3A_933 = tpu.memref_squeeze %dma_wait3A_932 : memref<1x128x64xf32, #tpu.memory_space<vmem>> -> memref<128x64xf32, #tpu.memory_space<vmem>>
    %dma_wait3A_934 = arith.constant 0 : i32
    %dma_wait3A_935 = tpu.memref_slice %arg4[%add3A_928, %dma_wait3A_934] : memref<819200x64xf32, #tpu.memory_space<hbm>> -> memref<128x64xf32, #tpu.memory_space<hbm>>
    %dma_wait3A_936 = arith.constant 0 : i32
    %dma_wait3A_937 = tpu.memref_slice %arg4[%add3A_928, %dma_wait3A_936] : memref<819200x64xf32, #tpu.memory_space<hbm>> -> memref<128x64xf32, #tpu.memory_space<hbm>>
    %dma_wait3A_938 = arith.constant 0 : i32
    %dma_wait3A_939 = arith.constant 0 : i32
    %dma_wait3A_940 = tpu.memref_slice %arg6[%dma_wait3A_929, %dma_wait3A_938, %dma_wait3A_939] : memref<4x128x64xf32, #tpu.memory_space<vmem>> -> memref<1x128x64xf32, #tpu.memory_space<vmem>>
    %dma_wait3A_941 = tpu.memref_squeeze %dma_wait3A_940 : memref<1x128x64xf32, #tpu.memory_space<vmem>> -> memref<128x64xf32, #tpu.memory_space<vmem>>
    tpu.wait_dma2 semaphore(%arg13 : memref<!tpu.dma_semaphore, #tpu.memory_space<semaphore_mem>>) src(%dma_wait3A_941 : memref<128x64xf32, #tpu.memory_space<vmem>>) dst(%dma_wait3A_937 : memref<128x64xf32, #tpu.memory_space<hbm>>)
    %add3A_942 = arith.constant 25472 : i32
    %add3A_943 = arith.addi %mul3A_2, %add3A_942 : i32
    %dma_wait3A_944 = arith.constant 3 : i32
    %dma_wait3A_945 = arith.constant 0 : i32
    %dma_wait3A_946 = arith.constant 0 : i32
    %dma_wait3A_947 = tpu.memref_slice %arg6[%dma_wait3A_944, %dma_wait3A_945, %dma_wait3A_946] : memref<4x128x64xf32, #tpu.memory_space<vmem>> -> memref<1x128x64xf32, #tpu.memory_space<vmem>>
    %dma_wait3A_948 = tpu.memref_squeeze %dma_wait3A_947 : memref<1x128x64xf32, #tpu.memory_space<vmem>> -> memref<128x64xf32, #tpu.memory_space<vmem>>
    %dma_wait3A_949 = arith.constant 0 : i32
    %dma_wait3A_950 = tpu.memref_slice %arg4[%add3A_943, %dma_wait3A_949] : memref<819200x64xf32, #tpu.memory_space<hbm>> -> memref<128x64xf32, #tpu.memory_space<hbm>>
    %dma_wait3A_951 = arith.constant 0 : i32
    %dma_wait3A_952 = tpu.memref_slice %arg4[%add3A_943, %dma_wait3A_951] : memref<819200x64xf32, #tpu.memory_space<hbm>> -> memref<128x64xf32, #tpu.memory_space<hbm>>
    %dma_wait3A_953 = arith.constant 0 : i32
    %dma_wait3A_954 = arith.constant 0 : i32
    %dma_wait3A_955 = tpu.memref_slice %arg6[%dma_wait3A_944, %dma_wait3A_953, %dma_wait3A_954] : memref<4x128x64xf32, #tpu.memory_space<vmem>> -> memref<1x128x64xf32, #tpu.memory_space<vmem>>
    %dma_wait3A_956 = tpu.memref_squeeze %dma_wait3A_955 : memref<1x128x64xf32, #tpu.memory_space<vmem>> -> memref<128x64xf32, #tpu.memory_space<vmem>>
    tpu.wait_dma2 semaphore(%arg14 : memref<!tpu.dma_semaphore, #tpu.memory_space<semaphore_mem>>) src(%dma_wait3A_956 : memref<128x64xf32, #tpu.memory_space<vmem>>) dst(%dma_wait3A_952 : memref<128x64xf32, #tpu.memory_space<hbm>>)
    return
  }
}

</mosaic_0001>

<sc_bundles>
// kernel: kernel.3.cloned.1.call-start
scs
__scs_entry_jumppad:
0x0: {  	(pc) =	sbr.rel $0x88, $3  }
0x1: {  	(tag) =	ssettag $0x0;
	lr =	simm.s32 $0x1  }
0x2: {  	[smem:$0x3F9F] =	sst lr;
	_ =	strace $0xD0000000  }
0x3: {  	_ = 	snop  }
0x4: {  	_ = 	snop  }
0x5: {  	_ = 	snop  }
0x6: {  	_ = 	snop  }
0x7: {  	_ = 	snop  }
__scs_overlays_trampoline_lowered:
0x8: {  	[smem:$0x3FAE] =	sst s0  }
0x9: {  	[smem:$0x3FAF] =	sst s1  }
0xa: {  	[smem:$0x3FB0] =	sst s2  }
0xb: {  	[smem:$0x3FB1] =	sst s3  }
0xc: {  	[smem:$0x3FB2] =	sst s4  }
0xd: {  	[smem:$0x3FB3] =	sst s5  }
0xe: {  	[smem:$0x3FB4] =	sst s6  }
0xf: {  	[smem:$0x3FB5] =	sst s7  }
0x10: {  	[smem:$0x3FB6] =	sst s8  }
0x11: {  	[smem:$0x3FB7] =	sst s9;
	s0 =	simm.s32 @!p0 $0x0  }
0x12: {  	s1 =	sld [smem:$0x3F9D];
	s0 =	simm.s32 @p0 $0x1  }
0x13: {  	[smem:$0x3FB8] =	sst s0;
	s0 =	simm.s32 @!p1 $0x0  }
0x14: {  	s2 =	sld [smem:$0x3F9C];
	s0 =	simm.s32 @p1 $0x1  }
0x15: {  	[smem:$0x3FB9] =	sst s0;
	s0 =	simm.s32 @!p2 $0x0  }
0x16: {  	s3 =	sld [smem:$0x3FDB];
	s0 =	simm.s32 @p2 $0x1  }
0x17: {  	s4 =	simm.s32 $0x1BF5;
	[smem:$0x3FBB] =	sst s0  }
0x18: {  	s0 =	sld [smem:$0x3F9E];
	_ =	swait.ge [sflag:s4], $0x0  }
0x19: {  	s7 =	sld [smem:$0x3F9F]  }
0x1a: {  	s8 =	sadd.s32 $0xFFFFE003, lr  }
0x1b: {  	s9 =	sadd.s32 $0xFFFFFEF7, lr;
	s5 =	simm.s32 $0xFFFFFFFF;
	p2 =	slt.u32 s8, $0xFFFFF086  }
0x1c: {  	p1 =	slt.u32 s9, $0xF7A;
	s5 =	simm.s32 @!p2 $0x0  }
0x1d: {  	s5 =	simm.s32 @p1 $0x1;
	p0 =	seq.s32 s7, s2  }
0x1e: {  	s7 =	smul.u32 @!p0 $0xF7A, s2;
	p2 =	seq.s32 @!p0 s5, $0x0  }
0x1f: {  	s9 =	smul.u32 $0xF7A, s1;
	s8 =	simm.s32 @!p0 $0x1BF5;
	p2 =	por !p2, p0  }
0x20: {  	[sflag:s8] =	ssyncset.s32 @!p0 $0xFFFFF086;
	s6 =	sadd.s32 @!p0 s3, s7;
	s7 =	simm.s32 @!p0 $0x108  }
0x21: {  	s3 =	sadd.s32 s3, s9;
	s6 =	sadd.s32 @!p0 $0x88, s6;
	s7 =	simm.s32 @p2 $0x1082  }
0x22: {  	[simem:s7], [sflag:s8] =	dma.local @!p0 [hbm:s6], $0xF7A  }
0x23: {  	s9 =	sor.u32 $0xD0000000, s2;
	s6 =	simm.s32 $0x108;
	_ =	swait.ge @!p0 [sflag:s8], $0x0  }
0x24: {  	s3 =	sadd.s32 $0x88, s3;
	s6 =	simm.s32 @!p1 $0x1082;
	[sflag:s4] =	ssyncset.s32 $0xFFFFF086  }
0x25: {  	[simem:s6], [sflag:s4] =	dma.local [hbm:s3], $0xF7A  }
0x26: {  	[smem:$0x3F9F] =	sst s1;
	(tag) =	ssettag s2;
	_ =	strace s9  }
0x27: {  	s1 =	sld [smem:$0x3FAF]  }
0x28: {  	s2 =	sld [smem:$0x3FB0]  }
0x29: {  	s4 =	sld [smem:$0x3FB2]  }
0x2a: {  	p0 =	seq.s32 s5, $0x0;
	s5 =	sld [smem:$0x3FB3]  }
0x2b: {  	s6 =	sld [smem:$0x3FB4]  }
0x2c: {  	s7 =	sld [smem:$0x3FB5]  }
0x2d: {  	s3 =	simm.s32 $0x108;
	s8 =	sld [smem:$0x3FB6]  }
0x2e: {  	s3 =	simm.s32 @!p0 $0x1082;
	s9 =	sld [smem:$0x3FB7]  }
0x2f: {  	lr =	sadd.s32 s0, s3;
	s0 =	sld [smem:$0x3FAE]  }
0x30: {  	s3 =	sld [smem:$0x3FB1]  }
0x31: {  	[smem:$0x3FBA] =	sst s10  }
0x32: {  	s10 =	sld [smem:$0x3FB8];
	_ =	sdelay $0x3  }
0x33: {  	p0 =	seq.s32 s10, $0x1;
	s10 =	sld [smem:$0x3FBA];
	_ =	sdelay $0x3  }
0x34: {  	[smem:$0x3FBA] =	sst s10  }
0x35: {  	s10 =	sld [smem:$0x3FB9];
	_ =	sdelay $0x3  }
0x36: {  	p1 =	seq.s32 s10, $0x1;
	s10 =	sld [smem:$0x3FBA];
	_ =	sdelay $0x3  }
0x37: {  	[smem:$0x3FBA] =	sst s10  }
0x38: {  	s10 =	sld [smem:$0x3FBB]  }
0x39: {  	_ = 	snop;
	(pc) =	sbr.ind lr, $3  }
0x3a: {  	_ = 	snop  }
0x3b: {  	_ = 	snop  }
0x3c: {  	p2 =	seq.s32 s10, $0x1;
	s10 =	sld [smem:$0x3FBA]  }
0x3d: {  	_ =	shalt  }
0x3e: {  	_ =	shalt  }
0x3f: {  	_ =	shalt  }
0x40: {  	_ =	shalt  }
0x41: {  	_ =	shalt  }
0x42: {  	_ =	shalt  }
0x43: {  	_ =	shalt  }
0x44: {  	_ =	shalt  }
0x45: {  	_ =	shalt  }
0x46: {  	_ =	shalt  }
0x47: {  	_ =	shalt  }
0x48: {  	_ =	shalt  }
0x49: {  	_ =	shalt  }
0x4a: {  	_ =	shalt  }
0x4b: {  	_ =	shalt  }
0x4c: {  	_ =	shalt  }
0x4d: {  	_ =	shalt  }
0x4e: {  	_ =	shalt  }
0x4f: {  	_ =	shalt  }
0x50: {  	_ =	shalt  }
0x51: {  	_ =	shalt  }
0x52: {  	_ =	shalt  }
0x53: {  	_ =	shalt  }
0x54: {  	_ =	shalt  }
0x55: {  	_ =	shalt  }
0x56: {  	_ =	shalt  }
0x57: {  	_ =	shalt  }
0x58: {  	_ =	shalt  }
0x59: {  	_ =	shalt  }
0x5a: {  	_ =	shalt  }
0x5b: {  	_ =	shalt  }
0x5c: {  	_ =	shalt  }
0x5d: {  	_ =	shalt  }
0x5e: {  	_ =	shalt  }
0x5f: {  	_ =	shalt  }
0x60: {  	_ =	shalt  }
0x61: {  	_ =	shalt  }
0x62: {  	_ =	shalt  }
0x63: {  	_ =	shalt  }
0x64: {  	_ =	shalt  }
0x65: {  	_ =	shalt  }
0x66: {  	_ =	shalt  }
0x67: {  	_ =	shalt  }
0x68: {  	_ =	shalt  }
0x69: {  	_ =	shalt  }
0x6a: {  	_ =	shalt  }
0x6b: {  	_ =	shalt  }
0x6c: {  	_ =	shalt  }
0x6d: {  	_ =	shalt  }
0x6e: {  	_ =	shalt  }
0x6f: {  	_ =	shalt  }
0x70: {  	_ =	shalt  }
0x71: {  	_ =	shalt  }
0x72: {  	_ =	shalt  }
0x73: {  	_ =	shalt  }
0x74: {  	_ =	shalt  }
0x75: {  	_ =	shalt  }
0x76: {  	_ =	shalt  }
0x77: {  	_ =	shalt  }
0x78: {  	_ =	shalt  }
0x79: {  	_ =	shalt  }
0x7a: {  	_ =	shalt  }
0x7b: {  	_ =	shalt  }
0x7c: {  	_ =	shalt  }
0x7d: {  	_ =	shalt  }
0x7e: {  	_ =	shalt  }
0x7f: {  	_ =	shalt  }
0x80: {  	_ =	shalt  }
0x81: {  	_ =	shalt  }
0x82: {  	_ =	shalt  }
0x83: {  	_ =	shalt  }
0x84: {  	_ =	shalt  }
0x85: {  	_ =	shalt  }
0x86: {  	_ =	shalt  }
0x87: {  	_ =	shalt  }
.Lfunc_end0:
.L_simem_size_0:
called_computation.1_lowered:
.L_overlay_start_0:
0x88: {  	s2 =	sld [smem:$0x3FD9]  }
0x89: {  	s3 =	sld [smem:$0x3FFE];
	_ =	sdelay $0x1  }
0x8a: {  	s1 =	srdreg.scid  }
0x8b: {  	s0 =	sand.u32 $0x1, s1  }
0x8c: {  	s17 =	sshll.u32 s0, $0xA;
	s2 =	sadd.s32 s3, s2  }
0x8d: {  	s2 =	sadd.s32 s2, s17  }
0x8e: {  	[smem:$0x3FC6] =	sst s2  }
0x8f: {  	_ = 	snop  }
0x90: {  	s2 =	sld [smem:$0x3FD0];
	(tm) =	ssettm $0x1  }
0x91: {  	s18 =	sld [smem:$0x3FFB];
	_ =	sdelay $0x3  }
0x92: {  	_ =	strace s18  }
0x93: {  	s3 =	sld [smem:$0x3FFC];
	_ =	sdelay $0x3  }
0x94: {  	_ =	strace s3  }
0x95: {  	s3 =	sld [smem:$0x3FFD];
	_ =	sdelay $0x3  }
0x96: {  	_ =	strace s3  }
0x97: {  	_ =	strace $0x8FFFFFFF  }
0x98: {  	s19 =	sld [smem:$0x3FDB];
	_ =	sdelay $0x1  }
0x99: {  	s4 =	simm.s32 $_scs_section_size  }
0x9a: {  	s5 =	simm.s32 $_size__tile_overlayer_lowered;
	s6 =	simm.s32 $_tile_overlayer_lowered  }
0x9b: {  	s22 =	simm.s32 $0x1BFF;
	s21 =	sshll.u32 s6, $0x1;
	s3 =	sadd.s32 s4, s19  }
0x9c: {  	s7 =	simm.s32 $0x0;
	s20 =	sshll.u32 s5, $0x1;
	s5 =	sadd.s32 s21, s3  }
0x9d: {  	[timem:s7], [sflag:s22] =	dma.local [hbm:s5], s20  }
0x9e: {  	_ =	swait.ge [sflag:s22], s20  }
0x9f: {  	s4 =	ssub.s32 $0x0, s20;
	[sflag:s22] =	ssyncset.done $0x0  }
0xa0: {  	[sflag:s22] =	ssyncadd.s32 s4;
	_ =	sdelay $0x1  }
0xa1: {  	s23 =	simm.s32 $0x1B8B  }
0xa2: {  	_ =	swait.ge [sflag:s23], $0x1  }
0xa3: {  	[sflag:s23] =	ssyncset.done $0x0  }
0xa4: {  	s25 =	simm.s32 $0x1B8E;
	s24 =	sld [smem:$0x3FFE];
	[sflag:s23] =	ssyncadd.s32 $0xFFFFFFFF  }
0xa5: {  	s26 =	simm.s32 $execute0_lowered;
	[smem:$0x3FD2] =	sst s25  }
0xa6: {  	s5 =	sshll.u32 s26, $0x1;
	_ =	strace $0x80000046;
	[dreg:$0x1] =	wrdreg $0xFFFFFFFF  }
0xa7: {  	s28 =	simm.s32 $_size_execute0_lowered;
	s3 =	sadd.s32 s3, s5;
	[dreg:$0x0] =	wrdreg $0x0  }
0xa8: {  	s5 =	sshll.u32 s28, $0x1;
	[dreg:$0x2] =	wrdreg s3  }
0xa9: {  	[dreg:$0x3] =	wrdreg s5  }
0xaa: {  	[dreg:$0x4] =	wrdreg $0xC0  }
0xab: {  	_ =	task [dreg:s7], $0x5FFFF  }
0xac: {  	[dreg:$0x1] =	wrdreg $0xFFFFFFFF  }
0xad: {  	[dreg:$0x0] =	wrdreg $0x60  }
0xae: {  	[dreg:$0x2] =	wrdreg s24  }
0xaf: {  	[dreg:$0x3] =	wrdreg s2  }
0xb0: {  	[dreg:$0x4] =	wrdreg $0x9  }
0xb1: {  	_ =	task.clear_ibuf [dreg:s7], $0x5FFFF;
	_ =	strace $0x90000046  }
0xb2: {  	s29 =	simm.s32 $0x9;
	_ =	strace $0x80000048  }
0xb3: {  	_ =	swait.ge [sflag:s29], $0x1  }
0xb4: {  	[sflag:s29] =	ssyncadd.s32 $0xFFFFFFFF  }
0xb5: {  	_ =	strace $0x90000048  }
0xb6: {  	_ =	sfence  }
0xb7: {  	s30 =	sld [smem:$0x0];
	_ =	sdelay $0x2  }
0xb8: {  	s31 =	sshll.u32 s1, $0xD;
	s1 =	sshrl.u32 s1, $0x2  }
0xb9: {  	s3 =	sand.u32 $0x4000, s31;
	s1 =	sadd.s32 s1, s30  }
0xba: {  	s0 =	sor.u32 s3, s0;
	s1 =	sshll.u32 s1, $0x11  }
0xbb: {  	s0 =	sor.u32 s1, s0  }
0xbc: {  	s0 =	sadd.s32 $0x8F2B, s0  }
0xbd: {  	[sflag:s0] =	ssyncadd.remote.s32 $0x1  }
0xbe: {  	_ =	sfence.sel $0xFFFF  }
0xbf: {  	[dreg:$0x0] =	wrdreg $0xFFFFFFFF;
	(pc) =	sbr.abs _section_cstart, $3  }
0xc0: {  	[dreg:$0x1] =	wrdreg $0xFFFFFFFF  }
0xc1: {  	_ =	task.clear_ibuf [dreg:s7], $0x2FFFF;
	_ =	strace $0x9FFFFFFF  }
0xc2: {  	(tm) =	ssettm $0x7FFFFFFF  }
0xc3: {  	_ =	shalt  }
tec
execute0_lowered:
.L_overlay_start_1:
0x0: {  	(tag) =	ssettag $0x1  }
0x1: {  	s0 =	srdreg.scid;
	s1 =	rddreg [dreg:$0x0]  }
0x2: {  	s9 =	stileid.u32;
	s4 =	rddreg [dreg:$0x1]  }
0x3: {  	s29 =	simm.s32 $0x7000;
	s30 =	simm.s32 $0x7400;
	s31 =	simm.s32 $0x7800  }
0x4: {  	s12 =	simm.s32 $0x9C00;
	s13 =	simm.s32 $0xA000;
	s28 =	simm.s32 $0xA400  }
0x5: {  	s14 =	simm.s32 $0xA800;
	s15 =	simm.s32 $0x1;
	s6 =	smul.u32 $0x320000, s9  }
0x6: {  	s0 =	sand.u32 $0x1, s0;
	s2 =	sshll.u32 s9, $0x1;
	s9 =	smul.u32 $0xC800, s9  }
0x7: {  	s16 =	simm.s32 $0x2;
	s17 =	simm.s32 $0x3;
	s7 =	smul.u32 $0x190000, s0  }
0x8: {  	s5 =	sor.u32 s0, s2;
	s8 =	ssub.s32 $0x2, s0;
	s0 =	smul.u32 $0x6400, s0  }
0x9: {  	s18 =	simm.s32 $0x4;
	s2 =	simm.s32 $0x0;
	s3 =	smul.u32 $0x6400, s5  }
0xa: {  	[smem:$0x7FF] =	sst s2;
	s11 =	sshrl.u32 s8, $0x1;
	s5 =	smul.u32 $0x190000, s5  }
0xb: {  	_ =	strace $0x80000047;
	s19 =	ssub.s32 s8, s11;
	s6 =	sadd.s32 s7, s6  }
0xc: {  	s0 =	sadd.s32 s0, s9;
	s7 =	simm.s32 $0x8C00;
	s8 =	simm.s32 $0x9000  }
0xd: {  	s9 =	simm.s32 $0x9400;
	s3 =	sshrl.u32 s3, $0x3;
	s6 =	sshrl.u32 s6, $0x3  }
0xe: {  	s5 =	sshrl.u32 s5, $0x3;
	s10 =	sadd.s32 s3, s1;
	s6 =	sadd.s32 s6, s4  }
0xf: {  	s3 =	sadd.s32 $0xF42E00, s1;
	s1 =	smax.u32 s19, $0x1;
	[dreg:$0x3] =	wrdreg s6  }
0x10: {  	s5 =	sadd.s32 s4, s5;
	s20 =	sadd.s32 $0xA00, s10;
	[dreg:$0xc] =	wrdreg s1  }
0x11: {  	s0 =	sshll.u32 s0, $0x3;
	s21 =	sadd.s32 $0x31000, s5;
	[dreg:$0x7] =	wrdreg s20  }
0x12: {  	s0 =	sadd.s32 s0, s4;
	s23 =	sadd.s32 $0x31400, s5;
	[dreg:$0x8] =	wrdreg s21  }
0x13: {  	s11 =	simm.s32 $0xAC00;
	s22 =	sadd.s32 $0xC00, s0;
	[dreg:$0x9] =	wrdreg s23  }
0x14: {  	s19 =	simm.s32 $0x6400;
	s25 =	sadd.s32 $0x31800, s5;
	[dreg:$0x4] =	wrdreg s22  }
0x15: {  	s4 =	simm.s32 $0x8000;
	s24 =	sadd.s32 $0x800, s0;
	[dreg:$0xa] =	wrdreg s25  }
0x16: {  	s0 =	sadd.s32 $0x400, s0;
	s26 =	sadd.s32 $0x31C00, s5;
	[dreg:$0x5] =	wrdreg s24  }
0x17: {  	s1 =	simm.s32 $0x8400;
	s5 =	simm.s32 $0x8800;
	[dreg:$0xb] =	wrdreg s26  }
0x18: {  	s10 =	simm.s32 $0x9800;
	s6 =	simm.s32 $0xC400;
	[dreg:$0x6] =	wrdreg s0  }
0x19: {  	s26 =	simm.s32 $0x6800;
	s25 =	simm.s32 $0x6C00;
	s0 =	simm.s32 $0x7C00  }
0x1a: {  	s20 =	simm.s32 $0x5;
	s21 =	simm.s32 $0x6;
	s24 =	simm.s32 $0x0  }
0x1b: {  	vm0 =	vmmov $0xffff;
	s22 =	simm.s32 $0x7;
	s23 =	simm.s32 $0x8;
	[dreg:$0xd] =	wrdreg s24  }
.LBB2_1:
0x1c: {  	s24 =	rddreg [dreg:$0x7]  }
0x1d: {  	[tilespmem:s2], [sflag:$0x9] =	stream.linear.gather [hbm4b:s24+s2], $0x6400, $0x38;
	[tilespmem:$0xE400] =	vst v63  }
0x1e: {  	s24 =	simm.s32 $0x9  }
0x1f: {  	_ =	swait.ge [sflag:s24], $0x6400  }
0x20: {  	[sflag:s24] =	ssyncset.done $0x0  }
0x21: {  	[sflag:s24] =	ssyncadd.s32 $0xFFFF9C00  }
0x22: {  	v0 =	vld [tilespmem:$0x0];
	_ =	sdelay $0x7  }
0x23: {  	[tilespmem:s19], [sflag:$0x1] =	stream.indirect_vreg.gather [hbm4b:s3+s2], $0x40, v0, vm0, $0xb8;
	[tilespmem:$0xE400] =	vst v63  }
0x24: {  	v0 =	vld [tilespmem:$0x10];
	_ =	sdelay $0x7  }
0x25: {  	[tilespmem:s26], [sflag:$0x1] =	stream.indirect_vreg.gather [hbm4b:s3+s2], $0x40, v0, vm0, $0xb8;
	[tilespmem:$0xE400] =	vst v63  }
0x26: {  	v0 =	vld [tilespmem:$0x20];
	_ =	sdelay $0x7  }
0x27: {  	[tilespmem:s25], [sflag:$0x1] =	stream.indirect_vreg.gather [hbm4b:s3+s2], $0x40, v0, vm0, $0xb8;
	[tilespmem:$0xE400] =	vst v63  }
0x28: {  	v0 =	vld [tilespmem:$0x30];
	_ =	sdelay $0x7  }
0x29: {  	[tilespmem:s29], [sflag:$0x1] =	stream.indirect_vreg.gather [hbm4b:s3+s2], $0x40, v0, vm0, $0xb8;
	[tilespmem:$0xE400] =	vst v63  }
0x2a: {  	v0 =	vld [tilespmem:$0x40];
	_ =	sdelay $0x7  }
0x2b: {  	[tilespmem:s30], [sflag:$0x1] =	stream.indirect_vreg.gather [hbm4b:s3+s2], $0x40, v0, vm0, $0xb8;
	[tilespmem:$0xE400] =	vst v63  }
0x2c: {  	v0 =	vld [tilespmem:$0x50];
	_ =	sdelay $0x7  }
0x2d: {  	[tilespmem:s31], [sflag:$0x1] =	stream.indirect_vreg.gather [hbm4b:s3+s2], $0x40, v0, vm0, $0xb8;
	[tilespmem:$0xE400] =	vst v63  }
0x2e: {  	v0 =	vld [tilespmem:$0x60];
	_ =	sdelay $0x7  }
0x2f: {  	[tilespmem:s0], [sflag:$0x1] =	stream.indirect_vreg.gather [hbm4b:s3+s2], $0x40, v0, vm0, $0xb8;
	[tilespmem:$0xE400] =	vst v63  }
0x30: {  	v0 =	vld [tilespmem:$0x70];
	_ =	sdelay $0x7  }
0x31: {  	[tilespmem:s4], [sflag:$0x1] =	stream.indirect_vreg.gather [hbm4b:s3+s2], $0x40, v0, vm0, $0xb8;
	[tilespmem:$0xE400] =	vst v63  }
0x32: {  	v0 =	vld [tilespmem:$0x80];
	_ =	sdelay $0x7  }
0x33: {  	[tilespmem:s1], [sflag:$0x2] =	stream.indirect_vreg.gather [hbm4b:s3+s2], $0x40, v0, vm0, $0xb8;
	[tilespmem:$0xE400] =	vst v63  }
0x34: {  	v0 =	vld [tilespmem:$0x90];
	_ =	sdelay $0x7  }
0x35: {  	[tilespmem:s5], [sflag:$0x2] =	stream.indirect_vreg.gather [hbm4b:s3+s2], $0x40, v0, vm0, $0xb8;
	[tilespmem:$0xE400] =	vst v63  }
0x36: {  	v0 =	vld [tilespmem:$0xA0];
	_ =	sdelay $0x7  }
0x37: {  	[tilespmem:s7], [sflag:$0x2] =	stream.indirect_vreg.gather [hbm4b:s3+s2], $0x40, v0, vm0, $0xb8;
	[tilespmem:$0xE400] =	vst v63  }
0x38: {  	v0 =	vld [tilespmem:$0xB0];
	_ =	sdelay $0x7  }
0x39: {  	[tilespmem:s8], [sflag:$0x2] =	stream.indirect_vreg.gather [hbm4b:s3+s2], $0x40, v0, vm0, $0xb8;
	[tilespmem:$0xE400] =	vst v63  }
0x3a: {  	v0 =	vld [tilespmem:$0xC0];
	_ =	sdelay $0x7  }
0x3b: {  	[tilespmem:s9], [sflag:$0x2] =	stream.indirect_vreg.gather [hbm4b:s3+s2], $0x40, v0, vm0, $0xb8;
	[tilespmem:$0xE400] =	vst v63  }
0x3c: {  	v0 =	vld [tilespmem:$0xD0];
	_ =	sdelay $0x7  }
0x3d: {  	[tilespmem:s10], [sflag:$0x2] =	stream.indirect_vreg.gather [hbm4b:s3+s2], $0x40, v0, vm0, $0xb8;
	[tilespmem:$0xE400] =	vst v63  }
0x3e: {  	v0 =	vld [tilespmem:$0xE0];
	_ =	sdelay $0x7  }
0x3f: {  	[tilespmem:s12], [sflag:$0x2] =	stream.indirect_vreg.gather [hbm4b:s3+s2], $0x40, v0, vm0, $0xb8;
	[tilespmem:$0xE400] =	vst v63  }
0x40: {  	v0 =	vld [tilespmem:$0xF0];
	_ =	sdelay $0x7  }
0x41: {  	[tilespmem:s13], [sflag:$0x2] =	stream.indirect_vreg.gather [hbm4b:s3+s2], $0x40, v0, vm0, $0xb8;
	[tilespmem:$0xE400] =	vst v63  }
0x42: {  	v0 =	vld [tilespmem:$0x100];
	_ =	sdelay $0x7  }
0x43: {  	[tilespmem:s28], [sflag:$0x3] =	stream.indirect_vreg.gather [hbm4b:s3+s2], $0x40, v0, vm0, $0xb8;
	[tilespmem:$0xE400] =	vst v63  }
0x44: {  	v0 =	vld [tilespmem:$0x110];
	_ =	sdelay $0x7  }
0x45: {  	[tilespmem:s14], [sflag:$0x3] =	stream.indirect_vreg.gather [hbm4b:s3+s2], $0x40, v0, vm0, $0xb8;
	[tilespmem:$0xE400] =	vst v63  }
0x46: {  	v0 =	vld [tilespmem:$0x120];
	_ =	sdelay $0x7  }
0x47: {  	[tilespmem:s11], [sflag:$0x3] =	stream.indirect_vreg.gather [hbm4b:s3+s2], $0x40, v0, vm0, $0xb8;
	[tilespmem:$0xE400] =	vst v63  }
0x48: {  	v0 =	vld [tilespmem:$0x130];
	_ =	sdelay $0x6  }
0x49: {  	s11 =	simm.s32 $0xB000  }
0x4a: {  	[tilespmem:s11], [sflag:$0x3] =	stream.indirect_vreg.gather [hbm4b:s3+s2], $0x40, v0, vm0, $0xb8;
	[tilespmem:$0xE400] =	vst v63  }
0x4b: {  	v0 =	vld [tilespmem:$0x140];
	_ =	sdelay $0x6  }
0x4c: {  	s12 =	simm.s32 $0xB400  }
0x4d: {  	[tilespmem:s12], [sflag:$0x3] =	stream.indirect_vreg.gather [hbm4b:s3+s2], $0x40, v0, vm0, $0xb8;
	[tilespmem:$0xE400] =	vst v63  }
0x4e: {  	v0 =	vld [tilespmem:$0x150];
	_ =	sdelay $0x6  }
0x4f: {  	s13 =	simm.s32 $0xB800  }
0x50: {  	[tilespmem:s13], [sflag:$0x3] =	stream.indirect_vreg.gather [hbm4b:s3+s2], $0x40, v0, vm0, $0xb8;
	[tilespmem:$0xE400] =	vst v63  }
0x51: {  	v0 =	vld [tilespmem:$0x160];
	_ =	sdelay $0x6  }
0x52: {  	s14 =	simm.s32 $0xBC00  }
0x53: {  	[tilespmem:s14], [sflag:$0x3] =	stream.indirect_vreg.gather [hbm4b:s3+s2], $0x40, v0, vm0, $0xb8;
	[tilespmem:$0xE400] =	vst v63  }
0x54: {  	v0 =	vld [tilespmem:$0x170];
	_ =	sdelay $0x6  }
0x55: {  	s19 =	simm.s32 $0xC000  }
0x56: {  	[tilespmem:s19], [sflag:$0x3] =	stream.indirect_vreg.gather [hbm4b:s3+s2], $0x40, v0, vm0, $0xb8;
	[tilespmem:$0xE400] =	vst v63  }
0x57: {  	v0 =	vld [tilespmem:$0x180];
	_ =	sdelay $0x7  }
0x58: {  	[tilespmem:s6], [sflag:$0x4] =	stream.indirect_vreg.gather [hbm4b:s3+s2], $0x40, v0, vm0, $0xb8;
	[tilespmem:$0xE400] =	vst v63  }
0x59: {  	v0 =	vld [tilespmem:$0x190];
	_ =	sdelay $0x6  }
0x5a: {  	s24 =	simm.s32 $0xC800  }
0x5b: {  	[tilespmem:s24], [sflag:$0x4] =	stream.indirect_vreg.gather [hbm4b:s3+s2], $0x40, v0, vm0, $0xb8;
	[tilespmem:$0xE400] =	vst v63  }
0x5c: {  	v0 =	vld [tilespmem:$0x1A0];
	_ =	sdelay $0x6  }
0x5d: {  	s25 =	simm.s32 $0xCC00  }
0x5e: {  	[tilespmem:s25], [sflag:$0x4] =	stream.indirect_vreg.gather [hbm4b:s3+s2], $0x40, v0, vm0, $0xb8;
	[tilespmem:$0xE400] =	vst v63  }
0x5f: {  	v0 =	vld [tilespmem:$0x1B0];
	_ =	sdelay $0x6  }
0x60: {  	s26 =	simm.s32 $0xD000  }
0x61: {  	[tilespmem:s26], [sflag:$0x4] =	stream.indirect_vreg.gather [hbm4b:s3+s2], $0x40, v0, vm0, $0xb8;
	[tilespmem:$0xE400] =	vst v63  }
0x62: {  	v0 =	vld [tilespmem:$0x1C0];
	_ =	sdelay $0x6  }
0x63: {  	s30 =	simm.s32 $0xD400  }
0x64: {  	[tilespmem:s30], [sflag:$0x4] =	stream.indirect_vreg.gather [hbm4b:s3+s2], $0x40, v0, vm0, $0xb8;
	[tilespmem:$0xE400] =	vst v63  }
0x65: {  	v0 =	vld [tilespmem:$0x1D0];
	_ =	sdelay $0x6  }
0x66: {  	s29 =	simm.s32 $0xD800  }
0x67: {  	[tilespmem:s29], [sflag:$0x4] =	stream.indirect_vreg.gather [hbm4b:s3+s2], $0x40, v0, vm0, $0xb8;
	[tilespmem:$0xE400] =	vst v63  }
0x68: {  	v0 =	vld [tilespmem:$0x1E0];
	_ =	sdelay $0x6  }
0x69: {  	s31 =	simm.s32 $0xDC00  }
0x6a: {  	[tilespmem:s31], [sflag:$0x4] =	stream.indirect_vreg.gather [hbm4b:s3+s2], $0x40, v0, vm0, $0xb8;
	[tilespmem:$0xE400] =	vst v63  }
0x6b: {  	v0 =	vld [tilespmem:$0x1F0];
	_ =	sdelay $0x2  }
0x6c: {  	s0 =	simm.s32 $0xE000  }
0x6d: {  	s4 =	simm.s32 $0x8000;
	s5 =	simm.s32 $0x8800;
	s7 =	simm.s32 $0x8C00  }
0x6e: {  	s8 =	simm.s32 $0x9000;
	s9 =	simm.s32 $0x9400;
	s10 =	simm.s32 $0x9800  }
0x6f: {  	s11 =	simm.s32 $0xAC00;
	s12 =	simm.s32 $0x9C00;
	s13 =	simm.s32 $0xA000  }
0x70: {  	s14 =	simm.s32 $0xA800;
	s24 =	simm.s32 $0x3F0;
	s25 =	simm.s32 $0x0  }
0x71: {  	[tilespmem:s0], [sflag:$0x4] =	stream.indirect_vreg.gather [hbm4b:s3+s2], $0x40, v0, vm0, $0xb8;
	[tilespmem:$0xE400] =	vst v63  }
.LBB2_2:
0x72: {  	_ =	swait.ge [sflag:s15], $0x400  }
0x73: {  	[sflag:s15] =	ssyncset.done $0x0  }
0x74: {  	[sflag:s15] =	ssyncadd.s32 $0xFFFFFC00  }
0x75: {  	_ =	swait.ge [sflag:s15], $0x400  }
0x76: {  	[sflag:s15] =	ssyncset.done $0x0  }
0x77: {  	[sflag:s15] =	ssyncadd.s32 $0xFFFFFC00  }
0x78: {  	_ =	swait.ge [sflag:s15], $0x400  }
0x79: {  	[sflag:s15] =	ssyncset.done $0x0  }
0x7a: {  	[sflag:s15] =	ssyncadd.s32 $0xFFFFFC00  }
0x7b: {  	_ =	swait.ge [sflag:s15], $0x400  }
0x7c: {  	[sflag:s15] =	ssyncset.done $0x0  }
0x7d: {  	[sflag:s15] =	ssyncadd.s32 $0xFFFFFC00  }
0x7e: {  	_ =	swait.ge [sflag:s15], $0x400  }
0x7f: {  	[sflag:s15] =	ssyncset.done $0x0  }
0x80: {  	[sflag:s15] =	ssyncadd.s32 $0xFFFFFC00  }
0x81: {  	_ =	swait.ge [sflag:s15], $0x400  }
0x82: {  	[sflag:s15] =	ssyncset.done $0x0  }
0x83: {  	[sflag:s15] =	ssyncadd.s32 $0xFFFFFC00  }
0x84: {  	_ =	swait.ge [sflag:s15], $0x400  }
0x85: {  	[sflag:s15] =	ssyncset.done $0x0  }
0x86: {  	[sflag:s15] =	ssyncadd.s32 $0xFFFFFC00  }
0x87: {  	_ =	swait.ge [sflag:s15], $0x400  }
0x88: {  	s26 =	rddreg [dreg:$0x3];
	[sflag:s15] =	ssyncset.done $0x0  }
0x89: {  	s1 =	simm.s32 $0x6400;
	[sflag:s15] =	ssyncadd.s32 $0xFFFFFC00;
	s26 =	sadd.s32 s25, s26  }
0x8a: {  	[hbm4b:s26+s2] =	stream.linear.scatter [tilespmem:s1], [sflag:$0x5], $0x2000, $0x38;
	[tilespmem:$0xE400] =	vst v63  }
0x8b: {  	_ =	swait.ge [sflag:s16], $0x400  }
0x8c: {  	[sflag:s16] =	ssyncset.done $0x0  }
0x8d: {  	[sflag:s16] =	ssyncadd.s32 $0xFFFFFC00  }
0x8e: {  	_ =	swait.ge [sflag:s16], $0x400  }
0x8f: {  	[sflag:s16] =	ssyncset.done $0x0  }
0x90: {  	[sflag:s16] =	ssyncadd.s32 $0xFFFFFC00  }
0x91: {  	_ =	swait.ge [sflag:s16], $0x400  }
0x92: {  	[sflag:s16] =	ssyncset.done $0x0  }
0x93: {  	[sflag:s16] =	ssyncadd.s32 $0xFFFFFC00  }
0x94: {  	_ =	swait.ge [sflag:s16], $0x400  }
0x95: {  	[sflag:s16] =	ssyncset.done $0x0  }
0x96: {  	[sflag:s16] =	ssyncadd.s32 $0xFFFFFC00  }
0x97: {  	_ =	swait.ge [sflag:s16], $0x400  }
0x98: {  	[sflag:s16] =	ssyncset.done $0x0  }
0x99: {  	[sflag:s16] =	ssyncadd.s32 $0xFFFFFC00  }
0x9a: {  	_ =	swait.ge [sflag:s16], $0x400  }
0x9b: {  	[sflag:s16] =	ssyncset.done $0x0  }
0x9c: {  	[sflag:s16] =	ssyncadd.s32 $0xFFFFFC00  }
0x9d: {  	_ =	swait.ge [sflag:s16], $0x400  }
0x9e: {  	[sflag:s16] =	ssyncset.done $0x0  }
0x9f: {  	[sflag:s16] =	ssyncadd.s32 $0xFFFFFC00  }
0xa0: {  	_ =	swait.ge [sflag:s16], $0x400  }
0xa1: {  	s30 =	rddreg [dreg:$0x6];
	[sflag:s16] =	ssyncset.done $0x0  }
0xa2: {  	[sflag:s16] =	ssyncadd.s32 $0xFFFFFC00;
	s26 =	sadd.s32 s25, s30;
	s30 =	simm.s32 $0x8400  }
0xa3: {  	[hbm4b:s26+s2] =	stream.linear.scatter [tilespmem:s30], [sflag:$0x6], $0x2000, $0x38;
	[tilespmem:$0xE400] =	vst v63  }
0xa4: {  	_ =	swait.ge [sflag:s17], $0x400  }
0xa5: {  	[sflag:s17] =	ssyncset.done $0x0  }
0xa6: {  	[sflag:s17] =	ssyncadd.s32 $0xFFFFFC00  }
0xa7: {  	_ =	swait.ge [sflag:s17], $0x400  }
0xa8: {  	[sflag:s17] =	ssyncset.done $0x0  }
0xa9: {  	[sflag:s17] =	ssyncadd.s32 $0xFFFFFC00  }
0xaa: {  	_ =	swait.ge [sflag:s17], $0x400  }
0xab: {  	[sflag:s17] =	ssyncset.done $0x0  }
0xac: {  	[sflag:s17] =	ssyncadd.s32 $0xFFFFFC00  }
0xad: {  	_ =	swait.ge [sflag:s17], $0x400  }
0xae: {  	[sflag:s17] =	ssyncset.done $0x0  }
0xaf: {  	[sflag:s17] =	ssyncadd.s32 $0xFFFFFC00  }
0xb0: {  	_ =	swait.ge [sflag:s17], $0x400  }
0xb1: {  	[sflag:s17] =	ssyncset.done $0x0  }
0xb2: {  	[sflag:s17] =	ssyncadd.s32 $0xFFFFFC00  }
0xb3: {  	_ =	swait.ge [sflag:s17], $0x400  }
0xb4: {  	[sflag:s17] =	ssyncset.done $0x0  }
0xb5: {  	[sflag:s17] =	ssyncadd.s32 $0xFFFFFC00  }
0xb6: {  	_ =	swait.ge [sflag:s17], $0x400  }
0xb7: {  	[sflag:s17] =	ssyncset.done $0x0  }
0xb8: {  	[sflag:s17] =	ssyncadd.s32 $0xFFFFFC00  }
0xb9: {  	_ =	swait.ge [sflag:s17], $0x400  }
0xba: {  	s19 =	rddreg [dreg:$0x5];
	[sflag:s17] =	ssyncset.done $0x0  }
0xbb: {  	[sflag:s17] =	ssyncadd.s32 $0xFFFFFC00;
	s26 =	sadd.s32 s25, s19  }
0xbc: {  	[hbm4b:s26+s2] =	stream.linear.scatter [tilespmem:s28], [sflag:$0x7], $0x2000, $0x38;
	[tilespmem:$0xE400] =	vst v63  }
0xbd: {  	_ =	swait.ge [sflag:s18], $0x400  }
0xbe: {  	[sflag:s18] =	ssyncset.done $0x0  }
0xbf: {  	[sflag:s18] =	ssyncadd.s32 $0xFFFFFC00  }
0xc0: {  	_ =	swait.ge [sflag:s18], $0x400  }
0xc1: {  	[sflag:s18] =	ssyncset.done $0x0  }
0xc2: {  	[sflag:s18] =	ssyncadd.s32 $0xFFFFFC00  }
0xc3: {  	_ =	swait.ge [sflag:s18], $0x400  }
0xc4: {  	[sflag:s18] =	ssyncset.done $0x0  }
0xc5: {  	[sflag:s18] =	ssyncadd.s32 $0xFFFFFC00  }
0xc6: {  	_ =	swait.ge [sflag:s18], $0x400  }
0xc7: {  	[sflag:s18] =	ssyncset.done $0x0  }
0xc8: {  	[sflag:s18] =	ssyncadd.s32 $0xFFFFFC00  }
0xc9: {  	_ =	swait.ge [sflag:s18], $0x400  }
0xca: {  	[sflag:s18] =	ssyncset.done $0x0  }
0xcb: {  	[sflag:s18] =	ssyncadd.s32 $0xFFFFFC00  }
0xcc: {  	_ =	swait.ge [sflag:s18], $0x400  }
0xcd: {  	[sflag:s18] =	ssyncset.done $0x0  }
0xce: {  	[sflag:s18] =	ssyncadd.s32 $0xFFFFFC00  }
0xcf: {  	_ =	swait.ge [sflag:s18], $0x400  }
0xd0: {  	[sflag:s18] =	ssyncset.done $0x0  }
0xd1: {  	[sflag:s18] =	ssyncadd.s32 $0xFFFFFC00  }
0xd2: {  	_ =	swait.ge [sflag:s18], $0x400  }
0xd3: {  	s19 =	rddreg [dreg:$0x4];
	[sflag:s18] =	ssyncset.done $0x0  }
0xd4: {  	[sflag:s18] =	ssyncadd.s32 $0xFFFFFC00;
	s26 =	sadd.s32 s25, s19  }
0xd5: {  	[hbm4b:s26+s2] =	stream.linear.scatter [tilespmem:s6], [sflag:$0x8], $0x2000, $0x38;
	[tilespmem:$0xE400] =	vst v63  }
0xd6: {  	_ =	swait.ge [sflag:s20], $0x2000  }
0xd7: {  	[sflag:s20] =	ssyncset.done $0x0  }
0xd8: {  	[sflag:s20] =	ssyncadd.s32 $0xFFFFE000  }
0xd9: {  	v0 =	vld [tilespmem:s24+$0xFFFFFE10];
	_ =	sdelay $0x7  }
0xda: {  	[tilespmem:s1], [sflag:$0x1] =	stream.indirect_vreg.gather [hbm4b:s3+s2], $0x40, v0, vm0, $0xb8;
	[tilespmem:$0xE400] =	vst v63  }
0xdb: {  	v0 =	vld [tilespmem:s24+$0xFFFFFE20];
	_ =	sdelay $0x6  }
0xdc: {  	s26 =	simm.s32 $0x6800  }
0xdd: {  	[tilespmem:s26], [sflag:$0x1] =	stream.indirect_vreg.gather [hbm4b:s3+s2], $0x40, v0, vm0, $0xb8;
	[tilespmem:$0xE400] =	vst v63  }
0xde: {  	v0 =	vld [tilespmem:s24+$0xFFFFFE30];
	_ =	sdelay $0x6  }
0xdf: {  	s1 =	simm.s32 $0x6C00  }
0xe0: {  	[tilespmem:s1], [sflag:$0x1] =	stream.indirect_vreg.gather [hbm4b:s3+s2], $0x40, v0, vm0, $0xb8;
	[tilespmem:$0xE400] =	vst v63  }
0xe1: {  	v0 =	vld [tilespmem:s24+$0xFFFFFE40];
	_ =	sdelay $0x6  }
0xe2: {  	s1 =	simm.s32 $0x7000  }
0xe3: {  	[tilespmem:s1], [sflag:$0x1] =	stream.indirect_vreg.gather [hbm4b:s3+s2], $0x40, v0, vm0, $0xb8;
	[tilespmem:$0xE400] =	vst v63  }
0xe4: {  	v0 =	vld [tilespmem:s24+$0xFFFFFE50];
	_ =	sdelay $0x6  }
0xe5: {  	s1 =	simm.s32 $0x7400  }
0xe6: {  	[tilespmem:s1], [sflag:$0x1] =	stream.indirect_vreg.gather [hbm4b:s3+s2], $0x40, v0, vm0, $0xb8;
	[tilespmem:$0xE400] =	vst v63  }
0xe7: {  	v0 =	vld [tilespmem:s24+$0xFFFFFE60];
	_ =	sdelay $0x6  }
0xe8: {  	s1 =	simm.s32 $0x7800  }
0xe9: {  	[tilespmem:s1], [sflag:$0x1] =	stream.indirect_vreg.gather [hbm4b:s3+s2], $0x40, v0, vm0, $0xb8;
	[tilespmem:$0xE400] =	vst v63  }
0xea: {  	v0 =	vld [tilespmem:s24+$0xFFFFFE70];
	_ =	sdelay $0x6  }
0xeb: {  	s1 =	simm.s32 $0x7C00  }
0xec: {  	[tilespmem:s1], [sflag:$0x1] =	stream.indirect_vreg.gather [hbm4b:s3+s2], $0x40, v0, vm0, $0xb8;
	[tilespmem:$0xE400] =	vst v63  }
0xed: {  	v0 =	vld [tilespmem:s24+$0xFFFFFE80];
	_ =	sdelay $0x7  }
0xee: {  	[tilespmem:s4], [sflag:$0x1] =	stream.indirect_vreg.gather [hbm4b:s3+s2], $0x40, v0, vm0, $0xb8;
	[tilespmem:$0xE400] =	vst v63  }
0xef: {  	_ =	swait.ge [sflag:s21], $0x2000  }
0xf0: {  	[sflag:s21] =	ssyncset.done $0x0  }
0xf1: {  	[sflag:s21] =	ssyncadd.s32 $0xFFFFE000  }
0xf2: {  	v61 =	vld [tilespmem:s24+$0xFFFFFE90];
	_ =	sdelay $0x7  }
0xf3: {  	[tilespmem:s30], [sflag:$0x2] =	stream.indirect_vreg.gather [hbm4b:s3+s2], $0x40, v61, vm0, $0xb8;
	[tilespmem:$0xE400] =	vst v63  }
0xf4: {  	v0 =	vld [tilespmem:s24+$0xFFFFFEA0];
	_ =	sdelay $0x7  }
0xf5: {  	[tilespmem:s5], [sflag:$0x2] =	stream.indirect_vreg.gather [hbm4b:s3+s2], $0x40, v0, vm0, $0xb8;
	[tilespmem:$0xE400] =	vst v63  }
0xf6: {  	v0 =	vld [tilespmem:s24+$0xFFFFFEB0];
	_ =	sdelay $0x7  }
0xf7: {  	[tilespmem:s7], [sflag:$0x2] =	stream.indirect_vreg.gather [hbm4b:s3+s2], $0x40, v0, vm0, $0xb8;
	[tilespmem:$0xE400] =	vst v63  }
0xf8: {  	v0 =	vld [tilespmem:s24+$0xFFFFFEC0];
	_ =	sdelay $0x7  }
0xf9: {  	[tilespmem:s8], [sflag:$0x2] =	stream.indirect_vreg.gather [hbm4b:s3+s2], $0x40, v0, vm0, $0xb8;
	[tilespmem:$0xE400] =	vst v63  }
0xfa: {  	v0 =	vld [tilespmem:s24+$0xFFFFFED0];
	_ =	sdelay $0x7  }
0xfb: {  	[tilespmem:s9], [sflag:$0x2] =	stream.indirect_vreg.gather [hbm4b:s3+s2], $0x40, v0, vm0, $0xb8;
	[tilespmem:$0xE400] =	vst v63  }
0xfc: {  	v0 =	vld [tilespmem:s24+$0xFFFFFEE0];
	_ =	sdelay $0x7  }
0xfd: {  	[tilespmem:s10], [sflag:$0x2] =	stream.indirect_vreg.gather [hbm4b:s3+s2], $0x40, v0, vm0, $0xb8;
	[tilespmem:$0xE400] =	vst v63  }
0xfe: {  	v0 =	vld [tilespmem:s24+$0xFFFFFEF0];
	_ =	sdelay $0x7  }
0xff: {  	[tilespmem:s12], [sflag:$0x2] =	stream.indirect_vreg.gather [hbm4b:s3+s2], $0x40, v0, vm0, $0xb8;
	[tilespmem:$0xE400] =	vst v63  }
0x100: {  	v0 =	vld [tilespmem:s24+$0xFFFFFF00];
	_ =	sdelay $0x7  }
0x101: {  	[tilespmem:s13], [sflag:$0x2] =	stream.indirect_vreg.gather [hbm4b:s3+s2], $0x40, v0, vm0, $0xb8;
	[tilespmem:$0xE400] =	vst v63  }
0x102: {  	_ =	swait.ge [sflag:s22], $0x2000  }
0x103: {  	[sflag:s22] =	ssyncset.done $0x0  }
0x104: {  	[sflag:s22] =	ssyncadd.s32 $0xFFFFE000  }
0x105: {  	v62 =	vld [tilespmem:s24+$0xFFFFFF10];
	_ =	sdelay $0x7  }
0x106: {  	[tilespmem:s28], [sflag:$0x3] =	stream.indirect_vreg.gather [hbm4b:s3+s2], $0x40, v62, vm0, $0xb8;
	[tilespmem:$0xE400] =	vst v63  }
0x107: {  	v0 =	vld [tilespmem:s24+$0xFFFFFF20];
	_ =	sdelay $0x7  }
0x108: {  	[tilespmem:s14], [sflag:$0x3] =	stream.indirect_vreg.gather [hbm4b:s3+s2], $0x40, v0, vm0, $0xb8;
	[tilespmem:$0xE400] =	vst v63  }
0x109: {  	v0 =	vld [tilespmem:s24+$0xFFFFFF30];
	_ =	sdelay $0x7  }
0x10a: {  	[tilespmem:s11], [sflag:$0x3] =	stream.indirect_vreg.gather [hbm4b:s3+s2], $0x40, v0, vm0, $0xb8;
	[tilespmem:$0xE400] =	vst v63  }
0x10b: {  	v0 =	vld [tilespmem:s24+$0xFFFFFF40];
	_ =	sdelay $0x6  }
0x10c: {  	s30 =	simm.s32 $0xB000  }
0x10d: {  	[tilespmem:s30], [sflag:$0x3] =	stream.indirect_vreg.gather [hbm4b:s3+s2], $0x40, v0, vm0, $0xb8;
	[tilespmem:$0xE400] =	vst v63  }
0x10e: {  	v0 =	vld [tilespmem:s24+$0xFFFFFF50];
	_ =	sdelay $0x6  }
0x10f: {  	s30 =	simm.s32 $0xB400  }
0x110: {  	[tilespmem:s30], [sflag:$0x3] =	stream.indirect_vreg.gather [hbm4b:s3+s2], $0x40, v0, vm0, $0xb8;
	[tilespmem:$0xE400] =	vst v63  }
0x111: {  	v0 =	vld [tilespmem:s24+$0xFFFFFF60];
	_ =	sdelay $0x6  }
0x112: {  	s30 =	simm.s32 $0xB800  }
0x113: {  	[tilespmem:s30], [sflag:$0x3] =	stream.indirect_vreg.gather [hbm4b:s3+s2], $0x40, v0, vm0, $0xb8;
	[tilespmem:$0xE400] =	vst v63  }
0x114: {  	v0 =	vld [tilespmem:s24+$0xFFFFFF70];
	_ =	sdelay $0x6  }
0x115: {  	s30 =	simm.s32 $0xBC00  }
0x116: {  	[tilespmem:s30], [sflag:$0x3] =	stream.indirect_vreg.gather [hbm4b:s3+s2], $0x40, v0, vm0, $0xb8;
	[tilespmem:$0xE400] =	vst v63  }
0x117: {  	v0 =	vld [tilespmem:s24+$0xFFFFFF80];
	_ =	sdelay $0x6  }
0x118: {  	s30 =	simm.s32 $0xC000  }
0x119: {  	[tilespmem:s30], [sflag:$0x3] =	stream.indirect_vreg.gather [hbm4b:s3+s2], $0x40, v0, vm0, $0xb8;
	[tilespmem:$0xE400] =	vst v63  }
0x11a: {  	_ =	swait.ge [sflag:s23], $0x2000  }
0x11b: {  	[sflag:s23] =	ssyncset.done $0x0  }
0x11c: {  	[sflag:s23] =	ssyncadd.s32 $0xFFFFE000  }
0x11d: {  	v63 =	vld [tilespmem:s24+$0xFFFFFF90];
	_ =	sdelay $0x7  }
0x11e: {  	[tilespmem:s6], [sflag:$0x4] =	stream.indirect_vreg.gather [hbm4b:s3+s2], $0x40, v63, vm0, $0xb8;
	[tilespmem:$0xE400] =	vst v63  }
0x11f: {  	v0 =	vld [tilespmem:s24+$0xFFFFFFA0];
	_ =	sdelay $0x6  }
0x120: {  	s30 =	simm.s32 $0xC800  }
0x121: {  	[tilespmem:s30], [sflag:$0x4] =	stream.indirect_vreg.gather [hbm4b:s3+s2], $0x40, v0, vm0, $0xb8;
	[tilespmem:$0xE400] =	vst v63  }
0x122: {  	v0 =	vld [tilespmem:s24+$0xFFFFFFB0];
	_ =	sdelay $0x6  }
0x123: {  	s30 =	simm.s32 $0xCC00  }
0x124: {  	[tilespmem:s30], [sflag:$0x4] =	stream.indirect_vreg.gather [hbm4b:s3+s2], $0x40, v0, vm0, $0xb8;
	[tilespmem:$0xE400] =	vst v63  }
0x125: {  	v0 =	vld [tilespmem:s24+$0xFFFFFFC0];
	_ =	sdelay $0x6  }
0x126: {  	s30 =	simm.s32 $0xD000  }
0x127: {  	[tilespmem:s30], [sflag:$0x4] =	stream.indirect_vreg.gather [hbm4b:s3+s2], $0x40, v0, vm0, $0xb8;
	[tilespmem:$0xE400] =	vst v63  }
0x128: {  	v0 =	vld [tilespmem:s24+$0xFFFFFFD0];
	_ =	sdelay $0x6  }
0x129: {  	s30 =	simm.s32 $0xD400  }
0x12a: {  	[tilespmem:s30], [sflag:$0x4] =	stream.indirect_vreg.gather [hbm4b:s3+s2], $0x40, v0, vm0, $0xb8;
	[tilespmem:$0xE400] =	vst v63  }
0x12b: {  	v0 =	vld [tilespmem:s24+$0xFFFFFFE0];
	_ =	sdelay $0x7  }
0x12c: {  	[tilespmem:s29], [sflag:$0x4] =	stream.indirect_vreg.gather [hbm4b:s3+s2], $0x40, v0, vm0, $0xb8;
	[tilespmem:$0xE400] =	vst v63  }
0x12d: {  	v0 =	vld [tilespmem:s24+$0xFFFFFFF0];
	_ =	sdelay $0x7  }
0x12e: {  	[tilespmem:s31], [sflag:$0x4] =	stream.indirect_vreg.gather [hbm4b:s3+s2], $0x40, v0, vm0, $0xb8;
	[tilespmem:$0xE400] =	vst v63  }
0x12f: {  	v0 =	vld [tilespmem:s24+$0x0];
	_ =	sdelay $0x2  }
0x130: {  	p0 =	sne.s32 s25, $0x30000  }
.Ltmp0:
0x131: {  	_ = 	snop;
	(pc) =	sbr.rel @p0 .LBB2_2-.Ltmp0, $4  }
0x132: {  	_ = 	snop  }
0x133: {  	s19 =	simm.s32 $0x6400  }
0x134: {  	s25 =	sadd.s32 $0x1000, s25;
	s1 =	simm.s32 $0x8400;
	s24 =	sadd.s32 $0x200, s24  }
0x135: {  	[tilespmem:s0], [sflag:$0x4] =	stream.indirect_vreg.gather [hbm4b:s3+s2], $0x40, v0, vm0, $0xb8;
	[tilespmem:$0xE400] =	vst v63  }
0x136: {  	_ =	swait.ge [sflag:s15], $0x400  }
0x137: {  	[sflag:s15] =	ssyncset.done $0x0  }
0x138: {  	[sflag:s15] =	ssyncadd.s32 $0xFFFFFC00  }
0x139: {  	_ =	swait.ge [sflag:s15], $0x400  }
0x13a: {  	[sflag:s15] =	ssyncset.done $0x0  }
0x13b: {  	[sflag:s15] =	ssyncadd.s32 $0xFFFFFC00  }
0x13c: {  	_ =	swait.ge [sflag:s15], $0x400  }
0x13d: {  	[sflag:s15] =	ssyncset.done $0x0  }
0x13e: {  	[sflag:s15] =	ssyncadd.s32 $0xFFFFFC00  }
0x13f: {  	_ =	swait.ge [sflag:s15], $0x400  }
0x140: {  	[sflag:s15] =	ssyncset.done $0x0  }
0x141: {  	[sflag:s15] =	ssyncadd.s32 $0xFFFFFC00  }
0x142: {  	_ =	swait.ge [sflag:s15], $0x400  }
0x143: {  	[sflag:s15] =	ssyncset.done $0x0  }
0x144: {  	[sflag:s15] =	ssyncadd.s32 $0xFFFFFC00  }
0x145: {  	_ =	swait.ge [sflag:s15], $0x400  }
0x146: {  	[sflag:s15] =	ssyncset.done $0x0  }
0x147: {  	[sflag:s15] =	ssyncadd.s32 $0xFFFFFC00  }
0x148: {  	_ =	swait.ge [sflag:s15], $0x400  }
0x149: {  	[sflag:s15] =	ssyncset.done $0x0  }
0x14a: {  	[sflag:s15] =	ssyncadd.s32 $0xFFFFFC00  }
0x14b: {  	_ =	swait.ge [sflag:s15], $0x400  }
0x14c: {  	[sflag:s15] =	ssyncset.done $0x0  }
0x14d: {  	s24 =	rddreg [dreg:$0x8];
	[sflag:s15] =	ssyncadd.s32 $0xFFFFFC00  }
0x14e: {  	[hbm4b:s24+s2] =	stream.linear.scatter [tilespmem:s19], [sflag:$0x5], $0x2000, $0x38;
	[tilespmem:$0xE400] =	vst v63  }
0x14f: {  	_ =	swait.ge [sflag:s16], $0x400  }
0x150: {  	[sflag:s16] =	ssyncset.done $0x0  }
0x151: {  	[sflag:s16] =	ssyncadd.s32 $0xFFFFFC00  }
0x152: {  	_ =	swait.ge [sflag:s16], $0x400  }
0x153: {  	[sflag:s16] =	ssyncset.done $0x0  }
0x154: {  	[sflag:s16] =	ssyncadd.s32 $0xFFFFFC00  }
0x155: {  	_ =	swait.ge [sflag:s16], $0x400  }
0x156: {  	[sflag:s16] =	ssyncset.done $0x0  }
0x157: {  	[sflag:s16] =	ssyncadd.s32 $0xFFFFFC00  }
0x158: {  	_ =	swait.ge [sflag:s16], $0x400  }
0x159: {  	[sflag:s16] =	ssyncset.done $0x0  }
0x15a: {  	[sflag:s16] =	ssyncadd.s32 $0xFFFFFC00  }
0x15b: {  	_ =	swait.ge [sflag:s16], $0x400  }
0x15c: {  	[sflag:s16] =	ssyncset.done $0x0  }
0x15d: {  	[sflag:s16] =	ssyncadd.s32 $0xFFFFFC00  }
0x15e: {  	_ =	swait.ge [sflag:s16], $0x400  }
0x15f: {  	[sflag:s16] =	ssyncset.done $0x0  }
0x160: {  	[sflag:s16] =	ssyncadd.s32 $0xFFFFFC00  }
0x161: {  	_ =	swait.ge [sflag:s16], $0x400  }
0x162: {  	[sflag:s16] =	ssyncset.done $0x0  }
0x163: {  	[sflag:s16] =	ssyncadd.s32 $0xFFFFFC00  }
0x164: {  	_ =	swait.ge [sflag:s16], $0x400  }
0x165: {  	[sflag:s16] =	ssyncset.done $0x0  }
0x166: {  	s12 =	rddreg [dreg:$0x9];
	[sflag:s16] =	ssyncadd.s32 $0xFFFFFC00  }
0x167: {  	[hbm4b:s12+s2] =	stream.linear.scatter [tilespmem:s1], [sflag:$0x6], $0x2000, $0x38;
	[tilespmem:$0xE400] =	vst v63  }
0x168: {  	_ =	swait.ge [sflag:s17], $0x400  }
0x169: {  	[sflag:s17] =	ssyncset.done $0x0  }
0x16a: {  	[sflag:s17] =	ssyncadd.s32 $0xFFFFFC00  }
0x16b: {  	_ =	swait.ge [sflag:s17], $0x400  }
0x16c: {  	[sflag:s17] =	ssyncset.done $0x0  }
0x16d: {  	[sflag:s17] =	ssyncadd.s32 $0xFFFFFC00  }
0x16e: {  	_ =	swait.ge [sflag:s17], $0x400  }
0x16f: {  	[sflag:s17] =	ssyncset.done $0x0  }
0x170: {  	[sflag:s17] =	ssyncadd.s32 $0xFFFFFC00  }
0x171: {  	_ =	swait.ge [sflag:s17], $0x400  }
0x172: {  	[sflag:s17] =	ssyncset.done $0x0  }
0x173: {  	[sflag:s17] =	ssyncadd.s32 $0xFFFFFC00  }
0x174: {  	_ =	swait.ge [sflag:s17], $0x400  }
0x175: {  	[sflag:s17] =	ssyncset.done $0x0  }
0x176: {  	[sflag:s17] =	ssyncadd.s32 $0xFFFFFC00  }
0x177: {  	_ =	swait.ge [sflag:s17], $0x400  }
0x178: {  	[sflag:s17] =	ssyncset.done $0x0  }
0x179: {  	[sflag:s17] =	ssyncadd.s32 $0xFFFFFC00  }
0x17a: {  	_ =	swait.ge [sflag:s17], $0x400  }
0x17b: {  	[sflag:s17] =	ssyncset.done $0x0  }
0x17c: {  	[sflag:s17] =	ssyncadd.s32 $0xFFFFFC00  }
0x17d: {  	_ =	swait.ge [sflag:s17], $0x400  }
0x17e: {  	[sflag:s17] =	ssyncset.done $0x0  }
0x17f: {  	s13 =	rddreg [dreg:$0xa];
	[sflag:s17] =	ssyncadd.s32 $0xFFFFFC00  }
0x180: {  	[hbm4b:s13+s2] =	stream.linear.scatter [tilespmem:s28], [sflag:$0x7], $0x2000, $0x38;
	[tilespmem:$0xE400] =	vst v63  }
0x181: {  	_ =	swait.ge [sflag:s18], $0x400  }
0x182: {  	[sflag:s18] =	ssyncset.done $0x0  }
0x183: {  	[sflag:s18] =	ssyncadd.s32 $0xFFFFFC00  }
0x184: {  	_ =	swait.ge [sflag:s18], $0x400  }
0x185: {  	[sflag:s18] =	ssyncset.done $0x0  }
0x186: {  	[sflag:s18] =	ssyncadd.s32 $0xFFFFFC00  }
0x187: {  	_ =	swait.ge [sflag:s18], $0x400  }
0x188: {  	[sflag:s18] =	ssyncset.done $0x0  }
0x189: {  	[sflag:s18] =	ssyncadd.s32 $0xFFFFFC00  }
0x18a: {  	_ =	swait.ge [sflag:s18], $0x400  }
0x18b: {  	[sflag:s18] =	ssyncset.done $0x0  }
0x18c: {  	[sflag:s18] =	ssyncadd.s32 $0xFFFFFC00  }
0x18d: {  	_ =	swait.ge [sflag:s18], $0x400  }
0x18e: {  	[sflag:s18] =	ssyncset.done $0x0  }
0x18f: {  	[sflag:s18] =	ssyncadd.s32 $0xFFFFFC00  }
0x190: {  	_ =	swait.ge [sflag:s18], $0x400  }
0x191: {  	[sflag:s18] =	ssyncset.done $0x0  }
0x192: {  	[sflag:s18] =	ssyncadd.s32 $0xFFFFFC00  }
0x193: {  	_ =	swait.ge [sflag:s18], $0x400  }
0x194: {  	[sflag:s18] =	ssyncset.done $0x0  }
0x195: {  	[sflag:s18] =	ssyncadd.s32 $0xFFFFFC00  }
0x196: {  	_ =	swait.ge [sflag:s18], $0x400  }
0x197: {  	[sflag:s18] =	ssyncset.done $0x0  }
0x198: {  	s14 =	rddreg [dreg:$0xb];
	[sflag:s18] =	ssyncadd.s32 $0xFFFFFC00  }
0x199: {  	[hbm4b:s14+s2] =	stream.linear.scatter [tilespmem:s6], [sflag:$0x8], $0x2000, $0x38;
	[tilespmem:$0xE400] =	vst v63  }
0x19a: {  	_ =	swait.ge [sflag:s20], $0x2000  }
0x19b: {  	[sflag:s20] =	ssyncset.done $0x0  }
0x19c: {  	[sflag:s20] =	ssyncadd.s32 $0xFFFFE000  }
0x19d: {  	_ =	swait.ge [sflag:s21], $0x2000  }
0x19e: {  	[sflag:s21] =	ssyncset.done $0x0  }
0x19f: {  	[sflag:s21] =	ssyncadd.s32 $0xFFFFE000  }
0x1a0: {  	_ =	swait.ge [sflag:s22], $0x2000  }
0x1a1: {  	[sflag:s22] =	ssyncset.done $0x0  }
0x1a2: {  	[sflag:s22] =	ssyncadd.s32 $0xFFFFE000  }
0x1a3: {  	_ =	swait.ge [sflag:s23], $0x2000  }
0x1a4: {  	s29 =	simm.s32 $0x7000;
	s0 =	rddreg [dreg:$0xd]  }
0x1a5: {  	s30 =	simm.s32 $0x7400;
	s25 =	rddreg [dreg:$0xc];
	s0 =	sadd.s32 $0x1, s0  }
0x1a6: {  	s31 =	simm.s32 $0x7800;
	s4 =	simm.s32 $0x8000;
	p0 =	sne.s32 s0, s25  }
.Ltmp1:
0x1a7: {  	s5 =	simm.s32 $0x8800;
	s7 =	simm.s32 $0x8C00;
	(pc) =	sbr.rel @p0 .LBB2_1-.Ltmp1, $4  }
0x1a8: {  	s8 =	simm.s32 $0x9000;
	s9 =	simm.s32 $0x9400;
	s10 =	simm.s32 $0x9800  }
0x1a9: {  	s11 =	simm.s32 $0xAC00;
	s12 =	simm.s32 $0x9C00;
	[sflag:s23] =	ssyncset.done $0x0  }
0x1aa: {  	s13 =	simm.s32 $0xA000;
	s14 =	simm.s32 $0xA800;
	[sflag:s23] =	ssyncadd.s32 $0xFFFFE000  }
0x1ab: {  	[dreg:$0xd] =	wrdreg s0;
	s25 =	simm.s32 $0x6C00;
	s0 =	simm.s32 $0x7C00  }
0x1ac: {  	_ =	sfence.sel $0x180000  }
0x1ad: {  	[bflag:$0x0] =	sbarrier.arrive $0xFFFF  }
0x1ae: {  	_ =	strace $0x90000047  }
0x1af: {  	s0 =	stileid.u32;
	[bflag:$0x2] =	sbarrier.arrive $0xFFFF  }
0x1b0: {  	p0 =	sne.s32 s0, $0x0;
	s0 =	rddreg [dreg:$0x2]  }
0x1b1: {  	s0 =	sadd.s32 @!p0 $0x100000, s0  }
0x1b2: {  	[sflag:s0] =	ssyncadd.tile.s32 @!p0 $0x1;
	_ =	shalt  }
.Lfunc_end2:
_tile_overlayer_lowered:
.L_overlay_start_2:
0x1b3: {  	(tag) =	ssettag $0x2  }
0x1b4: {  	s0 =	rddreg [dreg:$0x0];
	s2 =	stileid.u32  }
0x1b5: {  	s1 =	rddreg [dreg:$0x1];
	p0 =	sne.s32 s2, $0x0  }
0x1b6: {  	s3 =	rddreg [dreg:$0x2];
	[bflag:$0x3] =	sbarrier.arrive $0xFFFF;
	s2 =	simm.s32 @!p0 $0x1C09  }
0x1b7: {  	[timem:s3], [sflag:s2] =	dma.local @!p0 [hbm:s0], s1  }
0x1b8: {  	s0 =	simm.s32 @!p0 $0x9  }
0x1b9: {  	_ =	swait.ge @!p0 [sflag:s0], s1  }
0x1ba: {  	s1 =	ssub.s32 @!p0 $0x0, s1;
	[sflag:s0] =	ssyncset.done @!p0 $0x0  }
0x1bb: {  	[sflag:s0] =	ssyncadd.s32 @!p0 s1  }
0x1bc: {  	[bflag:$0x3] =	sbarrier.arrive $0xFFFF  }
0x1bd: {  	_ =	shalt  }

// kernel: sparse-core-data-format-call.cloned.1.call-start
scs
called_computation_lowered:
.L_overlay_start_0:
0x0: {  	s2 =	sld [smem:$0x3FD9]  }
0x1: {  	s3 =	sld [smem:$0x3FFE];
	_ =	sdelay $0x1  }
0x2: {  	s1 =	srdreg.scid  }
0x3: {  	s0 =	sand.u32 $0x1, s1  }
0x4: {  	s18 =	sshll.u32 s0, $0xA;
	s2 =	sadd.s32 s3, s2  }
0x5: {  	s2 =	sadd.s32 s2, s18  }
0x6: {  	[smem:$0x3FC6] =	sst s2  }
0x7: {  	_ = 	snop  }
0x8: {  	s2 =	sld [smem:$0x3FD0];
	(tm) =	ssettm $0x1  }
0x9: {  	s19 =	sld [smem:$0x3FFB];
	_ =	sdelay $0x3  }
0xa: {  	_ =	strace s19  }
0xb: {  	s3 =	sld [smem:$0x3FFC];
	_ =	sdelay $0x3  }
0xc: {  	_ =	strace s3  }
0xd: {  	s3 =	sld [smem:$0x3FFD];
	_ =	sdelay $0x3  }
0xe: {  	_ =	strace s3  }
0xf: {  	_ =	strace $0x8FFFFFFF  }
0x10: {  	s20 =	sld [smem:$0x3FDB];
	_ =	sdelay $0x1  }
0x11: {  	s4 =	simm.s32 $_scs_section_size  }
0x12: {  	s5 =	simm.s32 $_size__tile_overlayer_lowered;
	s6 =	simm.s32 $_tile_overlayer_lowered  }
0x13: {  	s23 =	simm.s32 $0x1BFF;
	s22 =	sshll.u32 s6, $0x1;
	s3 =	sadd.s32 s4, s20  }
0x14: {  	s7 =	simm.s32 $0x0;
	s21 =	sshll.u32 s5, $0x1;
	s5 =	sadd.s32 s22, s3  }
0x15: {  	[timem:s7], [sflag:s23] =	dma.local [hbm:s5], s21  }
0x16: {  	_ =	swait.ge [sflag:s23], s21  }
0x17: {  	s4 =	ssub.s32 $0x0, s21;
	[sflag:s23] =	ssyncset.done $0x0  }
0x18: {  	[sflag:s23] =	ssyncadd.s32 s4;
	_ =	sdelay $0x1  }
0x19: {  	s24 =	simm.s32 $0x1B8B  }
0x1a: {  	_ =	swait.ge [sflag:s24], $0x1  }
0x1b: {  	[sflag:s24] =	ssyncset.done $0x0  }
0x1c: {  	s26 =	simm.s32 $0x1B8E;
	s25 =	sld [smem:$0x3FFE];
	[sflag:s24] =	ssyncadd.s32 $0xFFFFFFFF  }
0x1d: {  	s27 =	simm.s32 $execute0_lowered;
	[smem:$0x3FD2] =	sst s26  }
0x1e: {  	s5 =	sshll.u32 s27, $0x1;
	_ =	strace $0x80000049;
	[dreg:$0x1] =	wrdreg $0xFFFFFFFF  }
0x1f: {  	s28 =	simm.s32 $_size_execute0_lowered;
	s3 =	sadd.s32 s3, s5;
	[dreg:$0x0] =	wrdreg $0x0  }
0x20: {  	s5 =	sshll.u32 s28, $0x1;
	[dreg:$0x2] =	wrdreg s3  }
0x21: {  	[dreg:$0x3] =	wrdreg s5  }
0x22: {  	[dreg:$0x4] =	wrdreg $0xC0  }
0x23: {  	_ =	task [dreg:s7], $0x5FFFF  }
0x24: {  	[dreg:$0x1] =	wrdreg $0xFFFFFFFF  }
0x25: {  	[dreg:$0x0] =	wrdreg $0x60  }
0x26: {  	[dreg:$0x2] =	wrdreg s25  }
0x27: {  	[dreg:$0x3] =	wrdreg s2  }
0x28: {  	[dreg:$0x4] =	wrdreg $0x9  }
0x29: {  	_ =	task.clear_ibuf [dreg:s7], $0x5FFFF;
	_ =	strace $0x90000049  }
0x2a: {  	s29 =	simm.s32 $0x9;
	_ =	strace $0x8000004B  }
0x2b: {  	_ =	swait.ge [sflag:s29], $0x1  }
0x2c: {  	[sflag:s29] =	ssyncadd.s32 $0xFFFFFFFF  }
0x2d: {  	_ =	strace $0x9000004B  }
0x2e: {  	_ =	sfence  }
0x2f: {  	s30 =	sld [smem:$0x0];
	_ =	sdelay $0x2  }
0x30: {  	s31 =	sshll.u32 s1, $0xD;
	s1 =	sshrl.u32 s1, $0x2  }
0x31: {  	s3 =	sand.u32 $0x4000, s31;
	s1 =	sadd.s32 s1, s30  }
0x32: {  	s0 =	sor.u32 s3, s0;
	s1 =	sshll.u32 s1, $0x11  }
0x33: {  	s0 =	sor.u32 s1, s0  }
0x34: {  	s0 =	sadd.s32 $0x8F2B, s0  }
0x35: {  	[sflag:s0] =	ssyncadd.remote.s32 $0x1  }
0x36: {  	_ =	sfence.sel $0xFFFF  }
0x37: {  	[dreg:$0x0] =	wrdreg $0xFFFFFFFF;
	(pc) =	sbr.abs _section_cstart, $3  }
0x38: {  	[dreg:$0x1] =	wrdreg $0xFFFFFFFF  }
0x39: {  	_ =	task.clear_ibuf [dreg:s7], $0x2FFFF;
	_ =	strace $0x9FFFFFFF  }
0x3a: {  	(tm) =	ssettm $0x7FFFFFFF  }
0x3b: {  	_ =	shalt  }
tec
execute0_lowered:
.L_overlay_start_1:
0x0: {  	(tag) =	ssettag $0x1  }
0x1: {  	s0 =	srdreg.scid  }
0x2: {  	s1 =	sshll.u32 s0, $0x4  }
0x3: {  	s0 =	stileid.u32;
	s1 =	sand.u32 $0x10, s1  }
0x4: {  	s1 =	sor.u32 s0, s1  }
0x5: {  	s6 =	rddreg [dreg:$0x0];
	s4 =	simm.s32 $0x1;
	s2 =	sshll.u32 s1, $0x7  }
0x6: {  	s7 =	simm.s32 $0x2;
	s12 =	simm.s32 $0x0;
	s1 =	ssub.s32 $0x4000, s2  }
0x7: {  	s8 =	simm.s32 $0x20000;
	s13 =	simm.s32 $0x0;
	s3 =	sand.u32 $0xF80, s1  }
0x8: {  	s9 =	simm.s32 $0x0;
	s5 =	sshrl.u32 s1, $0xC;
	p0 =	sne.s32 s3, $0x0  }
.Ltmp0:
0x9: {  	s1 =	rddreg [dreg:$0x2];
	s4 =	simm.s32 @!p0 $0x0;
	(pc) =	sbr.rel .LBB1_1-.Ltmp0, $4  }
0xa: {  	s11 =	simm.s32 $0x0;
	s3 =	rddreg [dreg:$0x1];
	s5 =	sadd.s32 s4, s5  }
0xb: {  	_ =	strace $0x8000004A;
	s4 =	simm.s32 $0x1;
	s5 =	smul.u32 $0x32, s5  }
0xc: {  	s6 =	sadd.s32 $0xA00, s6;
	s10 =	smov.u32 s2;
	[sflag:s4] =	ssyncpa.u1 $0x0  }
0xd: {  	p0 =	por $0x0, $0x0;
	[sflag:s7] =	ssyncpa.u1 $0x0;
	s7 =	sor.u32 $0x1, s5  }
.LBB1_4:
0xe: {  	s16 =	sshll.u32 s13, $0x3;
	s17 =	sand.u32 $0x78, s13  }
0xf: {  	s30 =	sand.u32 $0x1F800, s13;
	s12 =	sshll.u32 s12, $0x11;
	s16 =	sand.u32 $0x3C00, s16  }
0x10: {  	[tilespmem:s15+$0x810 ss:$0x81] =	vst.msk $0xffff, v2;
	s31 =	sand.u32 $0x7, s13;
	s16 =	sor.u32 s17, s16;
	s17 =	sadd.s32 s3, s30  }
0x11: {  	[tilespmem:s15+$0x1020 ss:$0x81] =	vst.msk $0xffff, v0;
	s13 =	sshll.u32 s31, $0x12;
	s12 =	sadd.s32 s12, s17;
	s16 =	sshrl.u32 s16, $0x3  }
0x12: {  	[tilespmem:s15+$0x0 ss:$0x81] =	vst.msk $0xffff, v1;
	s13 =	sor.u32 $0x400, s13;
	s12 =	sadd.s32 s16, s12  }
0x13: {  	[hbm4b:s12+s13] =	stream.strided.scatter [tilespmem:s14], [sflag:$0x2], $0x2000, s8, s13, $0x20;
	[tilespmem:$0x8080] =	vst v63  }
.LBB1_5:
0x14: {  	s14 =	sadd.s32 $0x1, s9  }
0x15: {  	s12 =	sadd.s32 $0x1000, s10;
	s16 =	smov.u32 s10;
	p2 =	sgt.s32 s14, $0x31  }
0x16: {  	s16 =	smov.u32 @p2 s12  }
0x17: {  	s14 =	simm.s32 @p2 $0x0;
	p2 =	sgt.s32 s16, $0x3FFF  }
0x18: {  	s16 =	smov.u32 @p2 s2;
	p2 =	sne.s32 s11, s7  }
.Ltmp1:
0x19: {  	p1 =	slt.u32 s11, $0x2;
	(pc) =	sbr.rel @!p2 .LBB1_6-.Ltmp1, $4  }
0x1a: {  	s15 =	simm.s32 @!p1 $0x2  }
0x1b: {  	s13 =	smov.u32 s10;
	p0 =	por !p0, !p0;
	_ =	swait.ge @!p1 [sflag:s15], $0x2000  }
0x1c: {  	s12 =	smov.u32 s9;
	[sflag:s15] =	ssyncset.done @!p1 $0x0;
	s9 =	smov.u32 s14  }
0x1d: {  	s11 =	sadd.s32 $0x1, s11;
	[sflag:s15] =	ssyncadd.s32 @!p1 $0xFFFFE000;
	s10 =	smov.u32 s16  }
.LBB1_1:
0x1e: {  	p1 =	sge.u32 s11, s5  }
0x1f: {  	s14 =	sand.u32 @!p1 $0x1FFFFFF, s9  }
0x20: {  	s15 =	smulhi.u32 @!p1 $0x4924925, s14;
	_ =	sdelay $0x1  }
0x21: {  	s15 =	smul.u32 @!p1 $0x38, s15  }
0x22: {  	s16 =	sxor.u32 @!p1 $0xFFFFFFFF, s11;
	s17 =	smul.u32 @!p1 $0x380, s10  }
0x23: {  	s31 =	sadd.s32 $0xFFFFFFFF, s11;
	s16 =	sshll.u32 @!p1 s16, $0xD;
	s14 =	ssub.s32 @!p1 s14, s15  }
0x24: {  	s15 =	sand.u32 @!p1 $0x2000, s16;
	s16 =	sadd.s32 @!p1 s6, s17;
	s14 =	sshll.u32 @!p1 s14, $0x4  }
0x25: {  	s17 =	simm.s32 @!p1 $0x1C00;
	s14 =	sadd.s32 @!p1 s14, s16;
	s16 =	simm.s32 @!p1 $0x40  }
0x26: {  	[tilespmem:s15], [sflag:$0x1] =	stream.strided.gather @!p1 [hbm4b:s14+s16], $0x2000, s17, s16, $0x38;
	[tilespmem:$0x8080] =	vst v63  }
0x27: {  	p1 =	sge.u32 s31, s5  }
.Ltmp2:
0x28: {  	_ = 	snop;
	(pc) =	sbr.rel @p1 .LBB1_5-.Ltmp2, $1  }
0x29: {  	_ =	sdelay $0x3  }
0x2a: {  	s14 =	simm.s32 $0x1  }
0x2b: {  	_ =	swait.ge [sflag:s4], $0x2000;
	s14 =	simm.s32 @!p0 $0x0  }
0x2c: {  	[sflag:s4] =	ssyncset.done $0x0;
	s15 =	sshll.u32 s14, $0xD  }
0x2d: {  	[sflag:s4] =	ssyncadd.s32 $0xFFFFE000;
	s18 =	sor.u32 $0x20, s15  }
0x2e: {  	s14 =	smul.u32 $0x8100, s14;
	v3 =	vld [tilespmem:s18+$0x10]  }
0x2f: {  	s30 =	sand.u32 $0x1, s11;
	v2 =	vld [tilespmem:s18+$0xFFFFFFF0]  }
0x30: {  	s15 =	smul.u32 $0x8100, s30;
	s14 =	sshrl.u32 s14, $0x2;
	v0 =	vld [tilespmem:s18+$0x0]  }
0x31: {  	v1 =	vld [tilespmem:s18+$0xFFFFFFE0];
	s16 =	sor.u32 $0x4000, s14  }
0x32: {  	s31 =	sshrl.u32 s15, $0x2;
	s15 =	sadd.s32 $0x0, s16  }
0x33: {  	s17 =	simm.s32 $0x4;
	s18 =	sadd.s32 $0x40, s18;
	s14 =	sor.u32 $0x4000, s31;
	[tilespmem:s15+$0x1830 ss:$0x81] =	vst.msk $0xffff, v3  }
.LBB1_3:
0x34: {  	v3 =	vld [tilespmem:s18+$0x10];
	p1 =	sne.s32 s17, $0x1FC;
	[tilespmem:s15+$0x810 ss:$0x81] =	vst.msk $0xffff, v2;
	s19 =	smov.u32 s17;
	s17 =	sadd.s32 $0x4, s17  }
.Ltmp3:
0x35: {  	v2 =	vld [tilespmem:s18+$0xFFFFFFF0];
	[tilespmem:s15+$0x1020 ss:$0x81] =	vst.msk $0xffff, v0;
	(pc) =	sbr.rel @p1 .LBB1_3-.Ltmp3, $4  }
0x36: {  	v0 =	vld [tilespmem:s18+$0x0];
	[tilespmem:s15+$0x0 ss:$0x81] =	vst.msk $0xffff, v1  }
0x37: {  	s15 =	sshra.s32 s19, $0x2;
	v1 =	vld [tilespmem:s18+$0xFFFFFFE0]  }
0x38: {  	s15 =	sadd.s32 s15, s16  }
0x39: {  	s18 =	sadd.s32 $0x40, s18;
	[tilespmem:s15+$0x1830 ss:$0x81] =	vst.msk $0xffff, v3  }
.Ltmp4:
0x3a: {  	_ = 	snop;
	(pc) =	sbr.rel .LBB1_4-.Ltmp4, $1  }
0x3b: {  	_ =	sdelay $0x3  }
.LBB1_6:
0x3c: {  	_ =	sfence.sel $0x180000  }
0x3d: {  	s2 =	simm.s32 $0x1;
	[bflag:$0x0] =	sbarrier.arrive $0xFFFF  }
0x3e: {  	s31 =	simm.s32 $0x2;
	[sflag:s2] =	ssyncpa.u1 $0x1  }
0x3f: {  	[sflag:s31] =	ssyncpa.u1 $0x1  }
0x40: {  	p0 =	sne.s32 s0, $0x0;
	_ =	strace $0x9000004A  }
0x41: {  	s0 =	sadd.s32 @!p0 $0x100000, s1;
	[bflag:$0x2] =	sbarrier.arrive $0xFFFF  }
0x42: {  	[sflag:s0] =	ssyncadd.tile.s32 @!p0 $0x1;
	_ =	shalt  }
.Lfunc_end1:
_tile_overlayer_lowered:
.L_overlay_start_2:
0x43: {  	(tag) =	ssettag $0x2  }
0x44: {  	s0 =	rddreg [dreg:$0x0];
	s2 =	stileid.u32  }
0x45: {  	s1 =	rddreg [dreg:$0x1];
	p0 =	sne.s32 s2, $0x0  }
0x46: {  	s3 =	rddreg [dreg:$0x2];
	[bflag:$0x3] =	sbarrier.arrive $0xFFFF;
	s2 =	simm.s32 @!p0 $0x1C01  }
0x47: {  	[timem:s3], [sflag:s2] =	dma.local @!p0 [hbm:s0], s1  }
0x48: {  	s0 =	simm.s32 @!p0 $0x1  }
0x49: {  	_ =	swait.ge @!p0 [sflag:s0], s1  }
0x4a: {  	s1 =	ssub.s32 @!p0 $0x0, s1;
	[sflag:s0] =	ssyncset.done @!p0 $0x0  }
0x4b: {  	[sflag:s0] =	ssyncadd.s32 @!p0 s1  }
0x4c: {  	[bflag:$0x3] =	sbarrier.arrive $0xFFFF  }
0x4d: {  	_ =	shalt  }

</sc_bundles>
